<compile_context>
chip_gen: v7x
topology: tpu7x:2x2x1
jax: 0.10.2.dev20260603
libtpu: 0.0.44.dev20260713+nightly
codegen_flags: <defaults>
</compile_context>

<pallas_src>
import jax
import jax.numpy as jnp
from jax import lax
from jax.experimental import pallas as pl
from jax.experimental.pallas import tpu as pltpu
from jax.experimental.pallas import tpu_sc as plsc

_B = 16384
_P = 26
_V = 100000
_NC = 2
_NS = 16
_L = 16
_ACT = 8
_NW = _NC * _ACT
_ROWS_W = _B // _NW
_GROUPS = _ROWS_W // _L
_WBN = 512


def _sc_body(xt_hbm, table_hbm, wb_hbm, out_hbm,
             table_v, x_v, wb_v, out_v, sem_t, sem_x, sem_w):
    s = lax.axis_index("s")

    @pl.when(s < _ACT)
    def _():
        wid = s * _NC + lax.axis_index("c")
        base = wid * _ROWS_W

        tchunk = 25088
        toffs = [0, tchunk, 2 * tchunk, 3 * tchunk]
        tcopies = [
            pltpu.async_copy(
                table_hbm.at[0, pl.ds(o, min(tchunk, _V - o))],
                table_v.at[pl.ds(o, min(tchunk, _V - o))], sem_t,
            )
            for o in toffs
        ]
        xcopies = [
            pltpu.async_copy(
                xt_hbm.at[p, pl.ds(base, _ROWS_W)],
                x_v.at[pl.ds(p * _ROWS_W, _ROWS_W)], sem_x,
            )
            for p in range(_P)
        ]
        wcopy = pltpu.async_copy(wb_hbm, wb_v, sem_w)

        wcopy.wait()
        wlo = wb_v[pl.ds(0, _L)]
        whi = wb_v[pl.ds(_L, _L)]
        def _splat(vec, lane):
            return jnp.take_along_axis(
                vec, jnp.full((_L,), lane, jnp.int32), axis=0
            )
        wvecs = [
            _splat(wlo, p) if p < _L else _splat(whi, p - _L)
            for p in range(_P)
        ]
        bvec = _splat(whi, _P - _L)
        for c in xcopies:
            c.wait()
        for c in tcopies:
            c.wait()

        @pl.loop(0, _GROUPS, unroll=4)
        def _(g):
            col = g * _L
            accs = [bvec, None, None, None]
            for p in range(_P):
                idx = x_v[pl.ds(p * _ROWS_W + col, _L)]
                vals = plsc.load_gather(table_v, [idx])
                term = vals * wvecs[p]
                k = p % 4
                accs[k] = term if accs[k] is None else accs[k] + term
            out_v[pl.ds(col, _L)] = (accs[0] + accs[1]) + (accs[2] + accs[3])

        pltpu.sync_copy(out_v, out_hbm.at[pl.ds(base, _ROWS_W)])


@jax.jit
def kernel(x, table, W, b):
    xt = x.T
    tt = table.T
    wb = jnp.pad(jnp.concatenate([W.reshape(-1), b.reshape(-1)]), (0, 5))
    out = pl.kernel(
        _sc_body,
        out_type=jax.ShapeDtypeStruct((_B,), jnp.float32),
        mesh=plsc.VectorSubcoreMesh(
            core_axis_name="c", subcore_axis_name="s",
            num_cores=_NC, num_subcores=_NS,
        ),
        compiler_params=pltpu.CompilerParams(needs_layout_passes=False),
        scratch_types=[
            pltpu.VMEM((_V,), jnp.float32),
            pltpu.VMEM((_P * _ROWS_W,), jnp.int32),
            pltpu.VMEM((32,), jnp.float32),
            pltpu.VMEM((_ROWS_W,), jnp.float32),
            pltpu.SemaphoreType.DMA,
            pltpu.SemaphoreType.DMA,
            pltpu.SemaphoreType.DMA,
        ],
    )(xt, tt, wb)
    return out.reshape(_B, 1)

# --- scband reference (transcript-rebuilt; emitter-appended) ---
"""Pipeline reference for scband-league-to-scalar-25632364822944 (READ-ONLY COPY).

The authoritative reference and input builder live on the scoring server;
editing this copy changes nothing except your own understanding.
"""

import jax, jax.numpy as jnp
import numpy as np

B = 16384
P = 26
V = 100000

def setup_inputs(seed: int = 0) -> dict:
    key = jax.random.key(seed)
    k1, k2, k3, k4 = jax.random.split(key, 4)
    x = jax.random.randint(k1, (B, P), 0, V)
    table = jax.random.normal(k2, (V, 1), dtype=jnp.float32)
    W = jax.random.normal(k3, (1, P), dtype=jnp.float32) * 0.1
    b = jax.random.normal(k4, (1,), dtype=jnp.float32) * 0.1
    return {"x": x, "table": table, "W": W, "b": b}

def reference(x, table, W, b):
    # embedding lookup: [B, P] -> [B, P, 1]
    e = jnp.take(table, x, axis=0)
    # squeeze(-1): [B, P]
    e = jnp.squeeze(e, -1)
    # linear(num_players -> 1): [B, 1]
    out = e @ W.T + b
    return out

if __name__ == "__main__":
    import jax
    _d = setup_inputs()
    print(jax.jit(kernel)(*tuple(_d.values())))

</pallas_src>

<mosaic_0001>
#map = affine_map<(d0, d1) -> (0, 0)>
#map1 = affine_map<(d0, d1) -> (0)>
module attributes {stable_mosaic.version = 14 : i64} {
  func.func @_sc_body(%arg0: i32, %arg1: i32, %arg2: memref<26x16384xi32, #tpu.memory_space<hbm>>, %arg3: memref<1x100000xf32, #tpu.memory_space<hbm>>, %arg4: memref<32xf32, #tpu.memory_space<hbm>>, %arg5: memref<16384xf32, #tpu.memory_space<hbm>>, %arg6: memref<100000xf32, #tpu.memory_space<vmem>>, %arg7: memref<26624xi32, #tpu.memory_space<vmem>>, %arg8: memref<32xf32, #tpu.memory_space<vmem>>, %arg9: memref<1024xf32, #tpu.memory_space<vmem>>, %arg10: memref<!tpu.dma_semaphore, #tpu.memory_space<semaphore_mem>>, %arg11: memref<!tpu.dma_semaphore, #tpu.memory_space<semaphore_mem>>, %arg12: memref<!tpu.dma_semaphore, #tpu.memory_space<semaphore_mem>>) attributes {dimension_semantics = [#tpu.dimension_semantics<core_parallel>, #tpu.dimension_semantics<subcore_parallel>], iteration_bounds = array<i64: 2, 16>, scalar_prefetch = 0 : i64, scratch_operands = 7 : i64, tpu.core_type = #tpu.core_type<sc_vector_subcore>, window_params = [{transform_indices = #map}, {transform_indices = #map}, {transform_indices = #map1}, {transform_indices = #map1}]} {
    %lt3A = arith.constant 8 : i32
    %lt3A_0 = arith.cmpi slt, %arg1, %lt3A : i32
    %convert_element_type3A = arith.extui %lt3A_0 : i1 to i32
    %cond3A = arith.constant 0 : i32
    %cond3A_1 = arith.cmpi ne, %convert_element_type3A, %cond3A : i32
    scf.if %cond3A_1 {
      %mul3A = arith.constant 2 : i32
      %mul3A_2 = arith.muli %arg1, %mul3A : i32
      %add3A = arith.addi %mul3A_2, %arg0 : i32
      %mul3A_3 = arith.constant 1024 : i32
      %mul3A_4 = arith.muli %add3A, %mul3A_3 : i32
      %dma_start3A = arith.constant 0 : i32
      %dma_start3A_5 = arith.constant 0 : i32
      %dma_start3A_6 = tpu.memref_slice %arg6[%dma_start3A_5] : memref<100000xf32, #tpu.memory_space<vmem>> -> memref<25088xf32, #tpu.memory_space<vmem>>
      %dma_start3A_7 = arith.constant 0 : i32
      %dma_start3A_8 = tpu.memref_slice %arg3[%dma_start3A, %dma_start3A_7] : memref<1x100000xf32, #tpu.memory_space<hbm>> -> memref<1x25088xf32, #tpu.memory_space<hbm>>
      %dma_start3A_9 = tpu.memref_squeeze %dma_start3A_8 : memref<1x25088xf32, #tpu.memory_space<hbm>> -> memref<25088xf32, #tpu.memory_space<hbm>>
      %dma_start3A_10 = arith.constant 0 : i32
      %dma_start3A_11 = tpu.memref_slice %arg6[%dma_start3A_10] : memref<100000xf32, #tpu.memory_space<vmem>> -> memref<25088xf32, #tpu.memory_space<vmem>>
      %dma_start3A_12 = arith.constant 0 : i32
      %dma_start3A_13 = tpu.memref_slice %arg3[%dma_start3A, %dma_start3A_12] : memref<1x100000xf32, #tpu.memory_space<hbm>> -> memref<1x25088xf32, #tpu.memory_space<hbm>>
      %dma_start3A_14 = tpu.memref_squeeze %dma_start3A_13 : memref<1x25088xf32, #tpu.memory_space<hbm>> -> memref<25088xf32, #tpu.memory_space<hbm>>
      tpu.enqueue_dma source(%dma_start3A_14 : memref<25088xf32, #tpu.memory_space<hbm>>) target(%dma_start3A_11 : memref<25088xf32, #tpu.memory_space<vmem>>) target_semaphore(%arg10 : memref<!tpu.dma_semaphore, #tpu.memory_space<semaphore_mem>>)
      %dma_start3A_15 = arith.constant 0 : i32
      %dma_start3A_16 = arith.constant 25088 : i32
      %dma_start3A_17 = tpu.memref_slice %arg6[%dma_start3A_16] : memref<100000xf32, #tpu.memory_space<vmem>> -> memref<25088xf32, #tpu.memory_space<vmem>>
      %dma_start3A_18 = arith.constant 25088 : i32
      %dma_start3A_19 = tpu.memref_slice %arg3[%dma_start3A_15, %dma_start3A_18] : memref<1x100000xf32, #tpu.memory_space<hbm>> -> memref<1x25088xf32, #tpu.memory_space<hbm>>
      %dma_start3A_20 = tpu.memref_squeeze %dma_start3A_19 : memref<1x25088xf32, #tpu.memory_space<hbm>> -> memref<25088xf32, #tpu.memory_space<hbm>>
      %dma_start3A_21 = arith.constant 25088 : i32
      %dma_start3A_22 = tpu.memref_slice %arg6[%dma_start3A_21] : memref<100000xf32, #tpu.memory_space<vmem>> -> memref<25088xf32, #tpu.memory_space<vmem>>
      %dma_start3A_23 = arith.constant 25088 : i32
      %dma_start3A_24 = tpu.memref_slice %arg3[%dma_start3A_15, %dma_start3A_23] : memref<1x100000xf32, #tpu.memory_space<hbm>> -> memref<1x25088xf32, #tpu.memory_space<hbm>>
      %dma_start3A_25 = tpu.memref_squeeze %dma_start3A_24 : memref<1x25088xf32, #tpu.memory_space<hbm>> -> memref<25088xf32, #tpu.memory_space<hbm>>
      tpu.enqueue_dma source(%dma_start3A_25 : memref<25088xf32, #tpu.memory_space<hbm>>) target(%dma_start3A_22 : memref<25088xf32, #tpu.memory_space<vmem>>) target_semaphore(%arg10 : memref<!tpu.dma_semaphore, #tpu.memory_space<semaphore_mem>>)
      %dma_start3A_26 = arith.constant 0 : i32
      %dma_start3A_27 = arith.constant 50176 : i32
      %dma_start3A_28 = tpu.memref_slice %arg6[%dma_start3A_27] : memref<100000xf32, #tpu.memory_space<vmem>> -> memref<25088xf32, #tpu.memory_space<vmem>>
      %dma_start3A_29 = arith.constant 50176 : i32
      %dma_start3A_30 = tpu.memref_slice %arg3[%dma_start3A_26, %dma_start3A_29] : memref<1x100000xf32, #tpu.memory_space<hbm>> -> memref<1x25088xf32, #tpu.memory_space<hbm>>
      %dma_start3A_31 = tpu.memref_squeeze %dma_start3A_30 : memref<1x25088xf32, #tpu.memory_space<hbm>> -> memref<25088xf32, #tpu.memory_space<hbm>>
      %dma_start3A_32 = arith.constant 50176 : i32
      %dma_start3A_33 = tpu.memref_slice %arg6[%dma_start3A_32] : memref<100000xf32, #tpu.memory_space<vmem>> -> memref<25088xf32, #tpu.memory_space<vmem>>
      %dma_start3A_34 = arith.constant 50176 : i32
      %dma_start3A_35 = tpu.memref_slice %arg3[%dma_start3A_26, %dma_start3A_34] : memref<1x100000xf32, #tpu.memory_space<hbm>> -> memref<1x25088xf32, #tpu.memory_space<hbm>>
      %dma_start3A_36 = tpu.memref_squeeze %dma_start3A_35 : memref<1x25088xf32, #tpu.memory_space<hbm>> -> memref<25088xf32, #tpu.memory_space<hbm>>
      tpu.enqueue_dma source(%dma_start3A_36 : memref<25088xf32, #tpu.memory_space<hbm>>) target(%dma_start3A_33 : memref<25088xf32, #tpu.memory_space<vmem>>) target_semaphore(%arg10 : memref<!tpu.dma_semaphore, #tpu.memory_space<semaphore_mem>>)
      %dma_start3A_37 = arith.constant 0 : i32
      %dma_start3A_38 = arith.constant 75264 : i32
      %dma_start3A_39 = tpu.memref_slice %arg6[%dma_start3A_38] : memref<100000xf32, #tpu.memory_space<vmem>> -> memref<24736xf32, #tpu.memory_space<vmem>>
      %dma_start3A_40 = arith.constant 75264 : i32
      %dma_start3A_41 = tpu.memref_slice %arg3[%dma_start3A_37, %dma_start3A_40] : memref<1x100000xf32, #tpu.memory_space<hbm>> -> memref<1x24736xf32, #tpu.memory_space<hbm>>
      %dma_start3A_42 = tpu.memref_squeeze %dma_start3A_41 : memref<1x24736xf32, #tpu.memory_space<hbm>> -> memref<24736xf32, #tpu.memory_space<hbm>>
      %dma_start3A_43 = arith.constant 75264 : i32
      %dma_start3A_44 = tpu.memref_slice %arg6[%dma_start3A_43] : memref<100000xf32, #tpu.memory_space<vmem>> -> memref<24736xf32, #tpu.memory_space<vmem>>
      %dma_start3A_45 = arith.constant 75264 : i32
      %dma_start3A_46 = tpu.memref_slice %arg3[%dma_start3A_37, %dma_start3A_45] : memref<1x100000xf32, #tpu.memory_space<hbm>> -> memref<1x24736xf32, #tpu.memory_space<hbm>>
      %dma_start3A_47 = tpu.memref_squeeze %dma_start3A_46 : memref<1x24736xf32, #tpu.memory_space<hbm>> -> memref<24736xf32, #tpu.memory_space<hbm>>
      tpu.enqueue_dma source(%dma_start3A_47 : memref<24736xf32, #tpu.memory_space<hbm>>) target(%dma_start3A_44 : memref<24736xf32, #tpu.memory_space<vmem>>) target_semaphore(%arg10 : memref<!tpu.dma_semaphore, #tpu.memory_space<semaphore_mem>>)
      %dma_start3A_48 = arith.constant 0 : i32
      %dma_start3A_49 = arith.constant 0 : i32
      %dma_start3A_50 = tpu.memref_slice %arg7[%dma_start3A_49] : memref<26624xi32, #tpu.memory_space<vmem>> -> memref<1024xi32, #tpu.memory_space<vmem>>
      %dma_start3A_51 = tpu.memref_slice %arg2[%dma_start3A_48, %mul3A_4] : memref<26x16384xi32, #tpu.memory_space<hbm>> -> memref<1x1024xi32, #tpu.memory_space<hbm>>
      %dma_start3A_52 = tpu.memref_squeeze %dma_start3A_51 : memref<1x1024xi32, #tpu.memory_space<hbm>> -> memref<1024xi32, #tpu.memory_space<hbm>>
      %dma_start3A_53 = arith.constant 0 : i32
      %dma_start3A_54 = tpu.memref_slice %arg7[%dma_start3A_53] : memref<26624xi32, #tpu.memory_space<vmem>> -> memref<1024xi32, #tpu.memory_space<vmem>>
      %dma_start3A_55 = tpu.memref_slice %arg2[%dma_start3A_48, %mul3A_4] : memref<26x16384xi32, #tpu.memory_space<hbm>> -> memref<1x1024xi32, #tpu.memory_space<hbm>>
      %dma_start3A_56 = tpu.memref_squeeze %dma_start3A_55 : memref<1x1024xi32, #tpu.memory_space<hbm>> -> memref<1024xi32, #tpu.memory_space<hbm>>
      tpu.enqueue_dma source(%dma_start3A_56 : memref<1024xi32, #tpu.memory_space<hbm>>) target(%dma_start3A_54 : memref<1024xi32, #tpu.memory_space<vmem>>) target_semaphore(%arg11 : memref<!tpu.dma_semaphore, #tpu.memory_space<semaphore_mem>>)
      %dma_start3A_57 = arith.constant 1 : i32
      %dma_start3A_58 = arith.constant 1024 : i32
      %dma_start3A_59 = tpu.memref_slice %arg7[%dma_start3A_58] : memref<26624xi32, #tpu.memory_space<vmem>> -> memref<1024xi32, #tpu.memory_space<vmem>>
      %dma_start3A_60 = tpu.memref_slice %arg2[%dma_start3A_57, %mul3A_4] : memref<26x16384xi32, #tpu.memory_space<hbm>> -> memref<1x1024xi32, #tpu.memory_space<hbm>>
      %dma_start3A_61 = tpu.memref_squeeze %dma_start3A_60 : memref<1x1024xi32, #tpu.memory_space<hbm>> -> memref<1024xi32, #tpu.memory_space<hbm>>
      %dma_start3A_62 = arith.constant 1024 : i32
      %dma_start3A_63 = tpu.memref_slice %arg7[%dma_start3A_62] : memref<26624xi32, #tpu.memory_space<vmem>> -> memref<1024xi32, #tpu.memory_space<vmem>>
      %dma_start3A_64 = tpu.memref_slice %arg2[%dma_start3A_57, %mul3A_4] : memref<26x16384xi32, #tpu.memory_space<hbm>> -> memref<1x1024xi32, #tpu.memory_space<hbm>>
      %dma_start3A_65 = tpu.memref_squeeze %dma_start3A_64 : memref<1x1024xi32, #tpu.memory_space<hbm>> -> memref<1024xi32, #tpu.memory_space<hbm>>
      tpu.enqueue_dma source(%dma_start3A_65 : memref<1024xi32, #tpu.memory_space<hbm>>) target(%dma_start3A_63 : memref<1024xi32, #tpu.memory_space<vmem>>) target_semaphore(%arg11 : memref<!tpu.dma_semaphore, #tpu.memory_space<semaphore_mem>>)
      %dma_start3A_66 = arith.constant 2 : i32
      %dma_start3A_67 = arith.constant 2048 : i32
      %dma_start3A_68 = tpu.memref_slice %arg7[%dma_start3A_67] : memref<26624xi32, #tpu.memory_space<vmem>> -> memref<1024xi32, #tpu.memory_space<vmem>>
      %dma_start3A_69 = tpu.memref_slice %arg2[%dma_start3A_66, %mul3A_4] : memref<26x16384xi32, #tpu.memory_space<hbm>> -> memref<1x1024xi32, #tpu.memory_space<hbm>>
      %dma_start3A_70 = tpu.memref_squeeze %dma_start3A_69 : memref<1x1024xi32, #tpu.memory_space<hbm>> -> memref<1024xi32, #tpu.memory_space<hbm>>
      %dma_start3A_71 = arith.constant 2048 : i32
      %dma_start3A_72 = tpu.memref_slice %arg7[%dma_start3A_71] : memref<26624xi32, #tpu.memory_space<vmem>> -> memref<1024xi32, #tpu.memory_space<vmem>>
      %dma_start3A_73 = tpu.memref_slice %arg2[%dma_start3A_66, %mul3A_4] : memref<26x16384xi32, #tpu.memory_space<hbm>> -> memref<1x1024xi32, #tpu.memory_space<hbm>>
      %dma_start3A_74 = tpu.memref_squeeze %dma_start3A_73 : memref<1x1024xi32, #tpu.memory_space<hbm>> -> memref<1024xi32, #tpu.memory_space<hbm>>
      tpu.enqueue_dma source(%dma_start3A_74 : memref<1024xi32, #tpu.memory_space<hbm>>) target(%dma_start3A_72 : memref<1024xi32, #tpu.memory_space<vmem>>) target_semaphore(%arg11 : memref<!tpu.dma_semaphore, #tpu.memory_space<semaphore_mem>>)
      %dma_start3A_75 = arith.constant 3 : i32
      %dma_start3A_76 = arith.constant 3072 : i32
      %dma_start3A_77 = tpu.memref_slice %arg7[%dma_start3A_76] : memref<26624xi32, #tpu.memory_space<vmem>> -> memref<1024xi32, #tpu.memory_space<vmem>>
      %dma_start3A_78 = tpu.memref_slice %arg2[%dma_start3A_75, %mul3A_4] : memref<26x16384xi32, #tpu.memory_space<hbm>> -> memref<1x1024xi32, #tpu.memory_space<hbm>>
      %dma_start3A_79 = tpu.memref_squeeze %dma_start3A_78 : memref<1x1024xi32, #tpu.memory_space<hbm>> -> memref<1024xi32, #tpu.memory_space<hbm>>
      %dma_start3A_80 = arith.constant 3072 : i32
      %dma_start3A_81 = tpu.memref_slice %arg7[%dma_start3A_80] : memref<26624xi32, #tpu.memory_space<vmem>> -> memref<1024xi32, #tpu.memory_space<vmem>>
      %dma_start3A_82 = tpu.memref_slice %arg2[%dma_start3A_75, %mul3A_4] : memref<26x16384xi32, #tpu.memory_space<hbm>> -> memref<1x1024xi32, #tpu.memory_space<hbm>>
      %dma_start3A_83 = tpu.memref_squeeze %dma_start3A_82 : memref<1x1024xi32, #tpu.memory_space<hbm>> -> memref<1024xi32, #tpu.memory_space<hbm>>
      tpu.enqueue_dma source(%dma_start3A_83 : memref<1024xi32, #tpu.memory_space<hbm>>) target(%dma_start3A_81 : memref<1024xi32, #tpu.memory_space<vmem>>) target_semaphore(%arg11 : memref<!tpu.dma_semaphore, #tpu.memory_space<semaphore_mem>>)
      %dma_start3A_84 = arith.constant 4 : i32
      %dma_start3A_85 = arith.constant 4096 : i32
      %dma_start3A_86 = tpu.memref_slice %arg7[%dma_start3A_85] : memref<26624xi32, #tpu.memory_space<vmem>> -> memref<1024xi32, #tpu.memory_space<vmem>>
      %dma_start3A_87 = tpu.memref_slice %arg2[%dma_start3A_84, %mul3A_4] : memref<26x16384xi32, #tpu.memory_space<hbm>> -> memref<1x1024xi32, #tpu.memory_space<hbm>>
      %dma_start3A_88 = tpu.memref_squeeze %dma_start3A_87 : memref<1x1024xi32, #tpu.memory_space<hbm>> -> memref<1024xi32, #tpu.memory_space<hbm>>
      %dma_start3A_89 = arith.constant 4096 : i32
      %dma_start3A_90 = tpu.memref_slice %arg7[%dma_start3A_89] : memref<26624xi32, #tpu.memory_space<vmem>> -> memref<1024xi32, #tpu.memory_space<vmem>>
      %dma_start3A_91 = tpu.memref_slice %arg2[%dma_start3A_84, %mul3A_4] : memref<26x16384xi32, #tpu.memory_space<hbm>> -> memref<1x1024xi32, #tpu.memory_space<hbm>>
      %dma_start3A_92 = tpu.memref_squeeze %dma_start3A_91 : memref<1x1024xi32, #tpu.memory_space<hbm>> -> memref<1024xi32, #tpu.memory_space<hbm>>
      tpu.enqueue_dma source(%dma_start3A_92 : memref<1024xi32, #tpu.memory_space<hbm>>) target(%dma_start3A_90 : memref<1024xi32, #tpu.memory_space<vmem>>) target_semaphore(%arg11 : memref<!tpu.dma_semaphore, #tpu.memory_space<semaphore_mem>>)
      %dma_start3A_93 = arith.constant 5 : i32
      %dma_start3A_94 = arith.constant 5120 : i32
      %dma_start3A_95 = tpu.memref_slice %arg7[%dma_start3A_94] : memref<26624xi32, #tpu.memory_space<vmem>> -> memref<1024xi32, #tpu.memory_space<vmem>>
      %dma_start3A_96 = tpu.memref_slice %arg2[%dma_start3A_93, %mul3A_4] : memref<26x16384xi32, #tpu.memory_space<hbm>> -> memref<1x1024xi32, #tpu.memory_space<hbm>>
      %dma_start3A_97 = tpu.memref_squeeze %dma_start3A_96 : memref<1x1024xi32, #tpu.memory_space<hbm>> -> memref<1024xi32, #tpu.memory_space<hbm>>
      %dma_start3A_98 = arith.constant 5120 : i32
      %dma_start3A_99 = tpu.memref_slice %arg7[%dma_start3A_98] : memref<26624xi32, #tpu.memory_space<vmem>> -> memref<1024xi32, #tpu.memory_space<vmem>>
      %dma_start3A_100 = tpu.memref_slice %arg2[%dma_start3A_93, %mul3A_4] : memref<26x16384xi32, #tpu.memory_space<hbm>> -> memref<1x1024xi32, #tpu.memory_space<hbm>>
      %dma_start3A_101 = tpu.memref_squeeze %dma_start3A_100 : memref<1x1024xi32, #tpu.memory_space<hbm>> -> memref<1024xi32, #tpu.memory_space<hbm>>
      tpu.enqueue_dma source(%dma_start3A_101 : memref<1024xi32, #tpu.memory_space<hbm>>) target(%dma_start3A_99 : memref<1024xi32, #tpu.memory_space<vmem>>) target_semaphore(%arg11 : memref<!tpu.dma_semaphore, #tpu.memory_space<semaphore_mem>>)
      %dma_start3A_102 = arith.constant 6 : i32
      %dma_start3A_103 = arith.constant 6144 : i32
      %dma_start3A_104 = tpu.memref_slice %arg7[%dma_start3A_103] : memref<26624xi32, #tpu.memory_space<vmem>> -> memref<1024xi32, #tpu.memory_space<vmem>>
      %dma_start3A_105 = tpu.memref_slice %arg2[%dma_start3A_102, %mul3A_4] : memref<26x16384xi32, #tpu.memory_space<hbm>> -> memref<1x1024xi32, #tpu.memory_space<hbm>>
      %dma_start3A_106 = tpu.memref_squeeze %dma_start3A_105 : memref<1x1024xi32, #tpu.memory_space<hbm>> -> memref<1024xi32, #tpu.memory_space<hbm>>
      %dma_start3A_107 = arith.constant 6144 : i32
      %dma_start3A_108 = tpu.memref_slice %arg7[%dma_start3A_107] : memref<26624xi32, #tpu.memory_space<vmem>> -> memref<1024xi32, #tpu.memory_space<vmem>>
      %dma_start3A_109 = tpu.memref_slice %arg2[%dma_start3A_102, %mul3A_4] : memref<26x16384xi32, #tpu.memory_space<hbm>> -> memref<1x1024xi32, #tpu.memory_space<hbm>>
      %dma_start3A_110 = tpu.memref_squeeze %dma_start3A_109 : memref<1x1024xi32, #tpu.memory_space<hbm>> -> memref<1024xi32, #tpu.memory_space<hbm>>
      tpu.enqueue_dma source(%dma_start3A_110 : memref<1024xi32, #tpu.memory_space<hbm>>) target(%dma_start3A_108 : memref<1024xi32, #tpu.memory_space<vmem>>) target_semaphore(%arg11 : memref<!tpu.dma_semaphore, #tpu.memory_space<semaphore_mem>>)
      %dma_start3A_111 = arith.constant 7 : i32
      %dma_start3A_112 = arith.constant 7168 : i32
      %dma_start3A_113 = tpu.memref_slice %arg7[%dma_start3A_112] : memref<26624xi32, #tpu.memory_space<vmem>> -> memref<1024xi32, #tpu.memory_space<vmem>>
      %dma_start3A_114 = tpu.memref_slice %arg2[%dma_start3A_111, %mul3A_4] : memref<26x16384xi32, #tpu.memory_space<hbm>> -> memref<1x1024xi32, #tpu.memory_space<hbm>>
      %dma_start3A_115 = tpu.memref_squeeze %dma_start3A_114 : memref<1x1024xi32, #tpu.memory_space<hbm>> -> memref<1024xi32, #tpu.memory_space<hbm>>
      %dma_start3A_116 = arith.constant 7168 : i32
      %dma_start3A_117 = tpu.memref_slice %arg7[%dma_start3A_116] : memref<26624xi32, #tpu.memory_space<vmem>> -> memref<1024xi32, #tpu.memory_space<vmem>>
      %dma_start3A_118 = tpu.memref_slice %arg2[%dma_start3A_111, %mul3A_4] : memref<26x16384xi32, #tpu.memory_space<hbm>> -> memref<1x1024xi32, #tpu.memory_space<hbm>>
      %dma_start3A_119 = tpu.memref_squeeze %dma_start3A_118 : memref<1x1024xi32, #tpu.memory_space<hbm>> -> memref<1024xi32, #tpu.memory_space<hbm>>
      tpu.enqueue_dma source(%dma_start3A_119 : memref<1024xi32, #tpu.memory_space<hbm>>) target(%dma_start3A_117 : memref<1024xi32, #tpu.memory_space<vmem>>) target_semaphore(%arg11 : memref<!tpu.dma_semaphore, #tpu.memory_space<semaphore_mem>>)
      %dma_start3A_120 = arith.constant 8 : i32
      %dma_start3A_121 = arith.constant 8192 : i32
      %dma_start3A_122 = tpu.memref_slice %arg7[%dma_start3A_121] : memref<26624xi32, #tpu.memory_space<vmem>> -> memref<1024xi32, #tpu.memory_space<vmem>>
      %dma_start3A_123 = tpu.memref_slice %arg2[%dma_start3A_120, %mul3A_4] : memref<26x16384xi32, #tpu.memory_space<hbm>> -> memref<1x1024xi32, #tpu.memory_space<hbm>>
      %dma_start3A_124 = tpu.memref_squeeze %dma_start3A_123 : memref<1x1024xi32, #tpu.memory_space<hbm>> -> memref<1024xi32, #tpu.memory_space<hbm>>
      %dma_start3A_125 = arith.constant 8192 : i32
      %dma_start3A_126 = tpu.memref_slice %arg7[%dma_start3A_125] : memref<26624xi32, #tpu.memory_space<vmem>> -> memref<1024xi32, #tpu.memory_space<vmem>>
      %dma_start3A_127 = tpu.memref_slice %arg2[%dma_start3A_120, %mul3A_4] : memref<26x16384xi32, #tpu.memory_space<hbm>> -> memref<1x1024xi32, #tpu.memory_space<hbm>>
      %dma_start3A_128 = tpu.memref_squeeze %dma_start3A_127 : memref<1x1024xi32, #tpu.memory_space<hbm>> -> memref<1024xi32, #tpu.memory_space<hbm>>
      tpu.enqueue_dma source(%dma_start3A_128 : memref<1024xi32, #tpu.memory_space<hbm>>) target(%dma_start3A_126 : memref<1024xi32, #tpu.memory_space<vmem>>) target_semaphore(%arg11 : memref<!tpu.dma_semaphore, #tpu.memory_space<semaphore_mem>>)
      %dma_start3A_129 = arith.constant 9 : i32
      %dma_start3A_130 = arith.constant 9216 : i32
      %dma_start3A_131 = tpu.memref_slice %arg7[%dma_start3A_130] : memref<26624xi32, #tpu.memory_space<vmem>> -> memref<1024xi32, #tpu.memory_space<vmem>>
      %dma_start3A_132 = tpu.memref_slice %arg2[%dma_start3A_129, %mul3A_4] : memref<26x16384xi32, #tpu.memory_space<hbm>> -> memref<1x1024xi32, #tpu.memory_space<hbm>>
      %dma_start3A_133 = tpu.memref_squeeze %dma_start3A_132 : memref<1x1024xi32, #tpu.memory_space<hbm>> -> memref<1024xi32, #tpu.memory_space<hbm>>
      %dma_start3A_134 = arith.constant 9216 : i32
      %dma_start3A_135 = tpu.memref_slice %arg7[%dma_start3A_134] : memref<26624xi32, #tpu.memory_space<vmem>> -> memref<1024xi32, #tpu.memory_space<vmem>>
      %dma_start3A_136 = tpu.memref_slice %arg2[%dma_start3A_129, %mul3A_4] : memref<26x16384xi32, #tpu.memory_space<hbm>> -> memref<1x1024xi32, #tpu.memory_space<hbm>>
      %dma_start3A_137 = tpu.memref_squeeze %dma_start3A_136 : memref<1x1024xi32, #tpu.memory_space<hbm>> -> memref<1024xi32, #tpu.memory_space<hbm>>
      tpu.enqueue_dma source(%dma_start3A_137 : memref<1024xi32, #tpu.memory_space<hbm>>) target(%dma_start3A_135 : memref<1024xi32, #tpu.memory_space<vmem>>) target_semaphore(%arg11 : memref<!tpu.dma_semaphore, #tpu.memory_space<semaphore_mem>>)
      %dma_start3A_138 = arith.constant 10 : i32
      %dma_start3A_139 = arith.constant 10240 : i32
      %dma_start3A_140 = tpu.memref_slice %arg7[%dma_start3A_139] : memref<26624xi32, #tpu.memory_space<vmem>> -> memref<1024xi32, #tpu.memory_space<vmem>>
      %dma_start3A_141 = tpu.memref_slice %arg2[%dma_start3A_138, %mul3A_4] : memref<26x16384xi32, #tpu.memory_space<hbm>> -> memref<1x1024xi32, #tpu.memory_space<hbm>>
      %dma_start3A_142 = tpu.memref_squeeze %dma_start3A_141 : memref<1x1024xi32, #tpu.memory_space<hbm>> -> memref<1024xi32, #tpu.memory_space<hbm>>
      %dma_start3A_143 = arith.constant 10240 : i32
      %dma_start3A_144 = tpu.memref_slice %arg7[%dma_start3A_143] : memref<26624xi32, #tpu.memory_space<vmem>> -> memref<1024xi32, #tpu.memory_space<vmem>>
      %dma_start3A_145 = tpu.memref_slice %arg2[%dma_start3A_138, %mul3A_4] : memref<26x16384xi32, #tpu.memory_space<hbm>> -> memref<1x1024xi32, #tpu.memory_space<hbm>>
      %dma_start3A_146 = tpu.memref_squeeze %dma_start3A_145 : memref<1x1024xi32, #tpu.memory_space<hbm>> -> memref<1024xi32, #tpu.memory_space<hbm>>
      tpu.enqueue_dma source(%dma_start3A_146 : memref<1024xi32, #tpu.memory_space<hbm>>) target(%dma_start3A_144 : memref<1024xi32, #tpu.memory_space<vmem>>) target_semaphore(%arg11 : memref<!tpu.dma_semaphore, #tpu.memory_space<semaphore_mem>>)
      %dma_start3A_147 = arith.constant 11 : i32
      %dma_start3A_148 = arith.constant 11264 : i32
      %dma_start3A_149 = tpu.memref_slice %arg7[%dma_start3A_148] : memref<26624xi32, #tpu.memory_space<vmem>> -> memref<1024xi32, #tpu.memory_space<vmem>>
      %dma_start3A_150 = tpu.memref_slice %arg2[%dma_start3A_147, %mul3A_4] : memref<26x16384xi32, #tpu.memory_space<hbm>> -> memref<1x1024xi32, #tpu.memory_space<hbm>>
      %dma_start3A_151 = tpu.memref_squeeze %dma_start3A_150 : memref<1x1024xi32, #tpu.memory_space<hbm>> -> memref<1024xi32, #tpu.memory_space<hbm>>
      %dma_start3A_152 = arith.constant 11264 : i32
      %dma_start3A_153 = tpu.memref_slice %arg7[%dma_start3A_152] : memref<26624xi32, #tpu.memory_space<vmem>> -> memref<1024xi32, #tpu.memory_space<vmem>>
      %dma_start3A_154 = tpu.memref_slice %arg2[%dma_start3A_147, %mul3A_4] : memref<26x16384xi32, #tpu.memory_space<hbm>> -> memref<1x1024xi32, #tpu.memory_space<hbm>>
      %dma_start3A_155 = tpu.memref_squeeze %dma_start3A_154 : memref<1x1024xi32, #tpu.memory_space<hbm>> -> memref<1024xi32, #tpu.memory_space<hbm>>
      tpu.enqueue_dma source(%dma_start3A_155 : memref<1024xi32, #tpu.memory_space<hbm>>) target(%dma_start3A_153 : memref<1024xi32, #tpu.memory_space<vmem>>) target_semaphore(%arg11 : memref<!tpu.dma_semaphore, #tpu.memory_space<semaphore_mem>>)
      %dma_start3A_156 = arith.constant 12 : i32
      %dma_start3A_157 = arith.constant 12288 : i32
      %dma_start3A_158 = tpu.memref_slice %arg7[%dma_start3A_157] : memref<26624xi32, #tpu.memory_space<vmem>> -> memref<1024xi32, #tpu.memory_space<vmem>>
      %dma_start3A_159 = tpu.memref_slice %arg2[%dma_start3A_156, %mul3A_4] : memref<26x16384xi32, #tpu.memory_space<hbm>> -> memref<1x1024xi32, #tpu.memory_space<hbm>>
      %dma_start3A_160 = tpu.memref_squeeze %dma_start3A_159 : memref<1x1024xi32, #tpu.memory_space<hbm>> -> memref<1024xi32, #tpu.memory_space<hbm>>
      %dma_start3A_161 = arith.constant 12288 : i32
      %dma_start3A_162 = tpu.memref_slice %arg7[%dma_start3A_161] : memref<26624xi32, #tpu.memory_space<vmem>> -> memref<1024xi32, #tpu.memory_space<vmem>>
      %dma_start3A_163 = tpu.memref_slice %arg2[%dma_start3A_156, %mul3A_4] : memref<26x16384xi32, #tpu.memory_space<hbm>> -> memref<1x1024xi32, #tpu.memory_space<hbm>>
      %dma_start3A_164 = tpu.memref_squeeze %dma_start3A_163 : memref<1x1024xi32, #tpu.memory_space<hbm>> -> memref<1024xi32, #tpu.memory_space<hbm>>
      tpu.enqueue_dma source(%dma_start3A_164 : memref<1024xi32, #tpu.memory_space<hbm>>) target(%dma_start3A_162 : memref<1024xi32, #tpu.memory_space<vmem>>) target_semaphore(%arg11 : memref<!tpu.dma_semaphore, #tpu.memory_space<semaphore_mem>>)
      %dma_start3A_165 = arith.constant 13 : i32
      %dma_start3A_166 = arith.constant 13312 : i32
      %dma_start3A_167 = tpu.memref_slice %arg7[%dma_start3A_166] : memref<26624xi32, #tpu.memory_space<vmem>> -> memref<1024xi32, #tpu.memory_space<vmem>>
      %dma_start3A_168 = tpu.memref_slice %arg2[%dma_start3A_165, %mul3A_4] : memref<26x16384xi32, #tpu.memory_space<hbm>> -> memref<1x1024xi32, #tpu.memory_space<hbm>>
      %dma_start3A_169 = tpu.memref_squeeze %dma_start3A_168 : memref<1x1024xi32, #tpu.memory_space<hbm>> -> memref<1024xi32, #tpu.memory_space<hbm>>
      %dma_start3A_170 = arith.constant 13312 : i32
      %dma_start3A_171 = tpu.memref_slice %arg7[%dma_start3A_170] : memref<26624xi32, #tpu.memory_space<vmem>> -> memref<1024xi32, #tpu.memory_space<vmem>>
      %dma_start3A_172 = tpu.memref_slice %arg2[%dma_start3A_165, %mul3A_4] : memref<26x16384xi32, #tpu.memory_space<hbm>> -> memref<1x1024xi32, #tpu.memory_space<hbm>>
      %dma_start3A_173 = tpu.memref_squeeze %dma_start3A_172 : memref<1x1024xi32, #tpu.memory_space<hbm>> -> memref<1024xi32, #tpu.memory_space<hbm>>
      tpu.enqueue_dma source(%dma_start3A_173 : memref<1024xi32, #tpu.memory_space<hbm>>) target(%dma_start3A_171 : memref<1024xi32, #tpu.memory_space<vmem>>) target_semaphore(%arg11 : memref<!tpu.dma_semaphore, #tpu.memory_space<semaphore_mem>>)
      %dma_start3A_174 = arith.constant 14 : i32
      %dma_start3A_175 = arith.constant 14336 : i32
      %dma_start3A_176 = tpu.memref_slice %arg7[%dma_start3A_175] : memref<26624xi32, #tpu.memory_space<vmem>> -> memref<1024xi32, #tpu.memory_space<vmem>>
      %dma_start3A_177 = tpu.memref_slice %arg2[%dma_start3A_174, %mul3A_4] : memref<26x16384xi32, #tpu.memory_space<hbm>> -> memref<1x1024xi32, #tpu.memory_space<hbm>>
      %dma_start3A_178 = tpu.memref_squeeze %dma_start3A_177 : memref<1x1024xi32, #tpu.memory_space<hbm>> -> memref<1024xi32, #tpu.memory_space<hbm>>
      %dma_start3A_179 = arith.constant 14336 : i32
      %dma_start3A_180 = tpu.memref_slice %arg7[%dma_start3A_179] : memref<26624xi32, #tpu.memory_space<vmem>> -> memref<1024xi32, #tpu.memory_space<vmem>>
      %dma_start3A_181 = tpu.memref_slice %arg2[%dma_start3A_174, %mul3A_4] : memref<26x16384xi32, #tpu.memory_space<hbm>> -> memref<1x1024xi32, #tpu.memory_space<hbm>>
      %dma_start3A_182 = tpu.memref_squeeze %dma_start3A_181 : memref<1x1024xi32, #tpu.memory_space<hbm>> -> memref<1024xi32, #tpu.memory_space<hbm>>
      tpu.enqueue_dma source(%dma_start3A_182 : memref<1024xi32, #tpu.memory_space<hbm>>) target(%dma_start3A_180 : memref<1024xi32, #tpu.memory_space<vmem>>) target_semaphore(%arg11 : memref<!tpu.dma_semaphore, #tpu.memory_space<semaphore_mem>>)
      %dma_start3A_183 = arith.constant 15 : i32
      %dma_start3A_184 = arith.constant 15360 : i32
      %dma_start3A_185 = tpu.memref_slice %arg7[%dma_start3A_184] : memref<26624xi32, #tpu.memory_space<vmem>> -> memref<1024xi32, #tpu.memory_space<vmem>>
      %dma_start3A_186 = tpu.memref_slice %arg2[%dma_start3A_183, %mul3A_4] : memref<26x16384xi32, #tpu.memory_space<hbm>> -> memref<1x1024xi32, #tpu.memory_space<hbm>>
      %dma_start3A_187 = tpu.memref_squeeze %dma_start3A_186 : memref<1x1024xi32, #tpu.memory_space<hbm>> -> memref<1024xi32, #tpu.memory_space<hbm>>
      %dma_start3A_188 = arith.constant 15360 : i32
      %dma_start3A_189 = tpu.memref_slice %arg7[%dma_start3A_188] : memref<26624xi32, #tpu.memory_space<vmem>> -> memref<1024xi32, #tpu.memory_space<vmem>>
      %dma_start3A_190 = tpu.memref_slice %arg2[%dma_start3A_183, %mul3A_4] : memref<26x16384xi32, #tpu.memory_space<hbm>> -> memref<1x1024xi32, #tpu.memory_space<hbm>>
      %dma_start3A_191 = tpu.memref_squeeze %dma_start3A_190 : memref<1x1024xi32, #tpu.memory_space<hbm>> -> memref<1024xi32, #tpu.memory_space<hbm>>
      tpu.enqueue_dma source(%dma_start3A_191 : memref<1024xi32, #tpu.memory_space<hbm>>) target(%dma_start3A_189 : memref<1024xi32, #tpu.memory_space<vmem>>) target_semaphore(%arg11 : memref<!tpu.dma_semaphore, #tpu.memory_space<semaphore_mem>>)
      %dma_start3A_192 = arith.constant 16 : i32
      %dma_start3A_193 = arith.constant 16384 : i32
      %dma_start3A_194 = tpu.memref_slice %arg7[%dma_start3A_193] : memref<26624xi32, #tpu.memory_space<vmem>> -> memref<1024xi32, #tpu.memory_space<vmem>>
      %dma_start3A_195 = tpu.memref_slice %arg2[%dma_start3A_192, %mul3A_4] : memref<26x16384xi32, #tpu.memory_space<hbm>> -> memref<1x1024xi32, #tpu.memory_space<hbm>>
      %dma_start3A_196 = tpu.memref_squeeze %dma_start3A_195 : memref<1x1024xi32, #tpu.memory_space<hbm>> -> memref<1024xi32, #tpu.memory_space<hbm>>
      %dma_start3A_197 = arith.constant 16384 : i32
      %dma_start3A_198 = tpu.memref_slice %arg7[%dma_start3A_197] : memref<26624xi32, #tpu.memory_space<vmem>> -> memref<1024xi32, #tpu.memory_space<vmem>>
      %dma_start3A_199 = tpu.memref_slice %arg2[%dma_start3A_192, %mul3A_4] : memref<26x16384xi32, #tpu.memory_space<hbm>> -> memref<1x1024xi32, #tpu.memory_space<hbm>>
      %dma_start3A_200 = tpu.memref_squeeze %dma_start3A_199 : memref<1x1024xi32, #tpu.memory_space<hbm>> -> memref<1024xi32, #tpu.memory_space<hbm>>
      tpu.enqueue_dma source(%dma_start3A_200 : memref<1024xi32, #tpu.memory_space<hbm>>) target(%dma_start3A_198 : memref<1024xi32, #tpu.memory_space<vmem>>) target_semaphore(%arg11 : memref<!tpu.dma_semaphore, #tpu.memory_space<semaphore_mem>>)
      %dma_start3A_201 = arith.constant 17 : i32
      %dma_start3A_202 = arith.constant 17408 : i32
      %dma_start3A_203 = tpu.memref_slice %arg7[%dma_start3A_202] : memref<26624xi32, #tpu.memory_space<vmem>> -> memref<1024xi32, #tpu.memory_space<vmem>>
      %dma_start3A_204 = tpu.memref_slice %arg2[%dma_start3A_201, %mul3A_4] : memref<26x16384xi32, #tpu.memory_space<hbm>> -> memref<1x1024xi32, #tpu.memory_space<hbm>>
      %dma_start3A_205 = tpu.memref_squeeze %dma_start3A_204 : memref<1x1024xi32, #tpu.memory_space<hbm>> -> memref<1024xi32, #tpu.memory_space<hbm>>
      %dma_start3A_206 = arith.constant 17408 : i32
      %dma_start3A_207 = tpu.memref_slice %arg7[%dma_start3A_206] : memref<26624xi32, #tpu.memory_space<vmem>> -> memref<1024xi32, #tpu.memory_space<vmem>>
      %dma_start3A_208 = tpu.memref_slice %arg2[%dma_start3A_201, %mul3A_4] : memref<26x16384xi32, #tpu.memory_space<hbm>> -> memref<1x1024xi32, #tpu.memory_space<hbm>>
      %dma_start3A_209 = tpu.memref_squeeze %dma_start3A_208 : memref<1x1024xi32, #tpu.memory_space<hbm>> -> memref<1024xi32, #tpu.memory_space<hbm>>
      tpu.enqueue_dma source(%dma_start3A_209 : memref<1024xi32, #tpu.memory_space<hbm>>) target(%dma_start3A_207 : memref<1024xi32, #tpu.memory_space<vmem>>) target_semaphore(%arg11 : memref<!tpu.dma_semaphore, #tpu.memory_space<semaphore_mem>>)
      %dma_start3A_210 = arith.constant 18 : i32
      %dma_start3A_211 = arith.constant 18432 : i32
      %dma_start3A_212 = tpu.memref_slice %arg7[%dma_start3A_211] : memref<26624xi32, #tpu.memory_space<vmem>> -> memref<1024xi32, #tpu.memory_space<vmem>>
      %dma_start3A_213 = tpu.memref_slice %arg2[%dma_start3A_210, %mul3A_4] : memref<26x16384xi32, #tpu.memory_space<hbm>> -> memref<1x1024xi32, #tpu.memory_space<hbm>>
      %dma_start3A_214 = tpu.memref_squeeze %dma_start3A_213 : memref<1x1024xi32, #tpu.memory_space<hbm>> -> memref<1024xi32, #tpu.memory_space<hbm>>
      %dma_start3A_215 = arith.constant 18432 : i32
      %dma_start3A_216 = tpu.memref_slice %arg7[%dma_start3A_215] : memref<26624xi32, #tpu.memory_space<vmem>> -> memref<1024xi32, #tpu.memory_space<vmem>>
      %dma_start3A_217 = tpu.memref_slice %arg2[%dma_start3A_210, %mul3A_4] : memref<26x16384xi32, #tpu.memory_space<hbm>> -> memref<1x1024xi32, #tpu.memory_space<hbm>>
      %dma_start3A_218 = tpu.memref_squeeze %dma_start3A_217 : memref<1x1024xi32, #tpu.memory_space<hbm>> -> memref<1024xi32, #tpu.memory_space<hbm>>
      tpu.enqueue_dma source(%dma_start3A_218 : memref<1024xi32, #tpu.memory_space<hbm>>) target(%dma_start3A_216 : memref<1024xi32, #tpu.memory_space<vmem>>) target_semaphore(%arg11 : memref<!tpu.dma_semaphore, #tpu.memory_space<semaphore_mem>>)
      %dma_start3A_219 = arith.constant 19 : i32
      %dma_start3A_220 = arith.constant 19456 : i32
      %dma_start3A_221 = tpu.memref_slice %arg7[%dma_start3A_220] : memref<26624xi32, #tpu.memory_space<vmem>> -> memref<1024xi32, #tpu.memory_space<vmem>>
      %dma_start3A_222 = tpu.memref_slice %arg2[%dma_start3A_219, %mul3A_4] : memref<26x16384xi32, #tpu.memory_space<hbm>> -> memref<1x1024xi32, #tpu.memory_space<hbm>>
      %dma_start3A_223 = tpu.memref_squeeze %dma_start3A_222 : memref<1x1024xi32, #tpu.memory_space<hbm>> -> memref<1024xi32, #tpu.memory_space<hbm>>
      %dma_start3A_224 = arith.constant 19456 : i32
      %dma_start3A_225 = tpu.memref_slice %arg7[%dma_start3A_224] : memref<26624xi32, #tpu.memory_space<vmem>> -> memref<1024xi32, #tpu.memory_space<vmem>>
      %dma_start3A_226 = tpu.memref_slice %arg2[%dma_start3A_219, %mul3A_4] : memref<26x16384xi32, #tpu.memory_space<hbm>> -> memref<1x1024xi32, #tpu.memory_space<hbm>>
      %dma_start3A_227 = tpu.memref_squeeze %dma_start3A_226 : memref<1x1024xi32, #tpu.memory_space<hbm>> -> memref<1024xi32, #tpu.memory_space<hbm>>
      tpu.enqueue_dma source(%dma_start3A_227 : memref<1024xi32, #tpu.memory_space<hbm>>) target(%dma_start3A_225 : memref<1024xi32, #tpu.memory_space<vmem>>) target_semaphore(%arg11 : memref<!tpu.dma_semaphore, #tpu.memory_space<semaphore_mem>>)
      %dma_start3A_228 = arith.constant 20 : i32
      %dma_start3A_229 = arith.constant 20480 : i32
      %dma_start3A_230 = tpu.memref_slice %arg7[%dma_start3A_229] : memref<26624xi32, #tpu.memory_space<vmem>> -> memref<1024xi32, #tpu.memory_space<vmem>>
      %dma_start3A_231 = tpu.memref_slice %arg2[%dma_start3A_228, %mul3A_4] : memref<26x16384xi32, #tpu.memory_space<hbm>> -> memref<1x1024xi32, #tpu.memory_space<hbm>>
      %dma_start3A_232 = tpu.memref_squeeze %dma_start3A_231 : memref<1x1024xi32, #tpu.memory_space<hbm>> -> memref<1024xi32, #tpu.memory_space<hbm>>
      %dma_start3A_233 = arith.constant 20480 : i32
      %dma_start3A_234 = tpu.memref_slice %arg7[%dma_start3A_233] : memref<26624xi32, #tpu.memory_space<vmem>> -> memref<1024xi32, #tpu.memory_space<vmem>>
      %dma_start3A_235 = tpu.memref_slice %arg2[%dma_start3A_228, %mul3A_4] : memref<26x16384xi32, #tpu.memory_space<hbm>> -> memref<1x1024xi32, #tpu.memory_space<hbm>>
      %dma_start3A_236 = tpu.memref_squeeze %dma_start3A_235 : memref<1x1024xi32, #tpu.memory_space<hbm>> -> memref<1024xi32, #tpu.memory_space<hbm>>
      tpu.enqueue_dma source(%dma_start3A_236 : memref<1024xi32, #tpu.memory_space<hbm>>) target(%dma_start3A_234 : memref<1024xi32, #tpu.memory_space<vmem>>) target_semaphore(%arg11 : memref<!tpu.dma_semaphore, #tpu.memory_space<semaphore_mem>>)
      %dma_start3A_237 = arith.constant 21 : i32
      %dma_start3A_238 = arith.constant 21504 : i32
      %dma_start3A_239 = tpu.memref_slice %arg7[%dma_start3A_238] : memref<26624xi32, #tpu.memory_space<vmem>> -> memref<1024xi32, #tpu.memory_space<vmem>>
      %dma_start3A_240 = tpu.memref_slice %arg2[%dma_start3A_237, %mul3A_4] : memref<26x16384xi32, #tpu.memory_space<hbm>> -> memref<1x1024xi32, #tpu.memory_space<hbm>>
      %dma_start3A_241 = tpu.memref_squeeze %dma_start3A_240 : memref<1x1024xi32, #tpu.memory_space<hbm>> -> memref<1024xi32, #tpu.memory_space<hbm>>
      %dma_start3A_242 = arith.constant 21504 : i32
      %dma_start3A_243 = tpu.memref_slice %arg7[%dma_start3A_242] : memref<26624xi32, #tpu.memory_space<vmem>> -> memref<1024xi32, #tpu.memory_space<vmem>>
      %dma_start3A_244 = tpu.memref_slice %arg2[%dma_start3A_237, %mul3A_4] : memref<26x16384xi32, #tpu.memory_space<hbm>> -> memref<1x1024xi32, #tpu.memory_space<hbm>>
      %dma_start3A_245 = tpu.memref_squeeze %dma_start3A_244 : memref<1x1024xi32, #tpu.memory_space<hbm>> -> memref<1024xi32, #tpu.memory_space<hbm>>
      tpu.enqueue_dma source(%dma_start3A_245 : memref<1024xi32, #tpu.memory_space<hbm>>) target(%dma_start3A_243 : memref<1024xi32, #tpu.memory_space<vmem>>) target_semaphore(%arg11 : memref<!tpu.dma_semaphore, #tpu.memory_space<semaphore_mem>>)
      %dma_start3A_246 = arith.constant 22 : i32
      %dma_start3A_247 = arith.constant 22528 : i32
      %dma_start3A_248 = tpu.memref_slice %arg7[%dma_start3A_247] : memref<26624xi32, #tpu.memory_space<vmem>> -> memref<1024xi32, #tpu.memory_space<vmem>>
      %dma_start3A_249 = tpu.memref_slice %arg2[%dma_start3A_246, %mul3A_4] : memref<26x16384xi32, #tpu.memory_space<hbm>> -> memref<1x1024xi32, #tpu.memory_space<hbm>>
      %dma_start3A_250 = tpu.memref_squeeze %dma_start3A_249 : memref<1x1024xi32, #tpu.memory_space<hbm>> -> memref<1024xi32, #tpu.memory_space<hbm>>
      %dma_start3A_251 = arith.constant 22528 : i32
      %dma_start3A_252 = tpu.memref_slice %arg7[%dma_start3A_251] : memref<26624xi32, #tpu.memory_space<vmem>> -> memref<1024xi32, #tpu.memory_space<vmem>>
      %dma_start3A_253 = tpu.memref_slice %arg2[%dma_start3A_246, %mul3A_4] : memref<26x16384xi32, #tpu.memory_space<hbm>> -> memref<1x1024xi32, #tpu.memory_space<hbm>>
      %dma_start3A_254 = tpu.memref_squeeze %dma_start3A_253 : memref<1x1024xi32, #tpu.memory_space<hbm>> -> memref<1024xi32, #tpu.memory_space<hbm>>
      tpu.enqueue_dma source(%dma_start3A_254 : memref<1024xi32, #tpu.memory_space<hbm>>) target(%dma_start3A_252 : memref<1024xi32, #tpu.memory_space<vmem>>) target_semaphore(%arg11 : memref<!tpu.dma_semaphore, #tpu.memory_space<semaphore_mem>>)
      %dma_start3A_255 = arith.constant 23 : i32
      %dma_start3A_256 = arith.constant 23552 : i32
      %dma_start3A_257 = tpu.memref_slice %arg7[%dma_start3A_256] : memref<26624xi32, #tpu.memory_space<vmem>> -> memref<1024xi32, #tpu.memory_space<vmem>>
      %dma_start3A_258 = tpu.memref_slice %arg2[%dma_start3A_255, %mul3A_4] : memref<26x16384xi32, #tpu.memory_space<hbm>> -> memref<1x1024xi32, #tpu.memory_space<hbm>>
      %dma_start3A_259 = tpu.memref_squeeze %dma_start3A_258 : memref<1x1024xi32, #tpu.memory_space<hbm>> -> memref<1024xi32, #tpu.memory_space<hbm>>
      %dma_start3A_260 = arith.constant 23552 : i32
      %dma_start3A_261 = tpu.memref_slice %arg7[%dma_start3A_260] : memref<26624xi32, #tpu.memory_space<vmem>> -> memref<1024xi32, #tpu.memory_space<vmem>>
      %dma_start3A_262 = tpu.memref_slice %arg2[%dma_start3A_255, %mul3A_4] : memref<26x16384xi32, #tpu.memory_space<hbm>> -> memref<1x1024xi32, #tpu.memory_space<hbm>>
      %dma_start3A_263 = tpu.memref_squeeze %dma_start3A_262 : memref<1x1024xi32, #tpu.memory_space<hbm>> -> memref<1024xi32, #tpu.memory_space<hbm>>
      tpu.enqueue_dma source(%dma_start3A_263 : memref<1024xi32, #tpu.memory_space<hbm>>) target(%dma_start3A_261 : memref<1024xi32, #tpu.memory_space<vmem>>) target_semaphore(%arg11 : memref<!tpu.dma_semaphore, #tpu.memory_space<semaphore_mem>>)
      %dma_start3A_264 = arith.constant 24 : i32
      %dma_start3A_265 = arith.constant 24576 : i32
      %dma_start3A_266 = tpu.memref_slice %arg7[%dma_start3A_265] : memref<26624xi32, #tpu.memory_space<vmem>> -> memref<1024xi32, #tpu.memory_space<vmem>>
      %dma_start3A_267 = tpu.memref_slice %arg2[%dma_start3A_264, %mul3A_4] : memref<26x16384xi32, #tpu.memory_space<hbm>> -> memref<1x1024xi32, #tpu.memory_space<hbm>>
      %dma_start3A_268 = tpu.memref_squeeze %dma_start3A_267 : memref<1x1024xi32, #tpu.memory_space<hbm>> -> memref<1024xi32, #tpu.memory_space<hbm>>
      %dma_start3A_269 = arith.constant 24576 : i32
      %dma_start3A_270 = tpu.memref_slice %arg7[%dma_start3A_269] : memref<26624xi32, #tpu.memory_space<vmem>> -> memref<1024xi32, #tpu.memory_space<vmem>>
      %dma_start3A_271 = tpu.memref_slice %arg2[%dma_start3A_264, %mul3A_4] : memref<26x16384xi32, #tpu.memory_space<hbm>> -> memref<1x1024xi32, #tpu.memory_space<hbm>>
      %dma_start3A_272 = tpu.memref_squeeze %dma_start3A_271 : memref<1x1024xi32, #tpu.memory_space<hbm>> -> memref<1024xi32, #tpu.memory_space<hbm>>
      tpu.enqueue_dma source(%dma_start3A_272 : memref<1024xi32, #tpu.memory_space<hbm>>) target(%dma_start3A_270 : memref<1024xi32, #tpu.memory_space<vmem>>) target_semaphore(%arg11 : memref<!tpu.dma_semaphore, #tpu.memory_space<semaphore_mem>>)
      %dma_start3A_273 = arith.constant 25 : i32
      %dma_start3A_274 = arith.constant 25600 : i32
      %dma_start3A_275 = tpu.memref_slice %arg7[%dma_start3A_274] : memref<26624xi32, #tpu.memory_space<vmem>> -> memref<1024xi32, #tpu.memory_space<vmem>>
      %dma_start3A_276 = tpu.memref_slice %arg2[%dma_start3A_273, %mul3A_4] : memref<26x16384xi32, #tpu.memory_space<hbm>> -> memref<1x1024xi32, #tpu.memory_space<hbm>>
      %dma_start3A_277 = tpu.memref_squeeze %dma_start3A_276 : memref<1x1024xi32, #tpu.memory_space<hbm>> -> memref<1024xi32, #tpu.memory_space<hbm>>
      %dma_start3A_278 = arith.constant 25600 : i32
      %dma_start3A_279 = tpu.memref_slice %arg7[%dma_start3A_278] : memref<26624xi32, #tpu.memory_space<vmem>> -> memref<1024xi32, #tpu.memory_space<vmem>>
      %dma_start3A_280 = tpu.memref_slice %arg2[%dma_start3A_273, %mul3A_4] : memref<26x16384xi32, #tpu.memory_space<hbm>> -> memref<1x1024xi32, #tpu.memory_space<hbm>>
      %dma_start3A_281 = tpu.memref_squeeze %dma_start3A_280 : memref<1x1024xi32, #tpu.memory_space<hbm>> -> memref<1024xi32, #tpu.memory_space<hbm>>
      tpu.enqueue_dma source(%dma_start3A_281 : memref<1024xi32, #tpu.memory_space<hbm>>) target(%dma_start3A_279 : memref<1024xi32, #tpu.memory_space<vmem>>) target_semaphore(%arg11 : memref<!tpu.dma_semaphore, #tpu.memory_space<semaphore_mem>>)
      tpu.enqueue_dma source(%arg4 : memref<32xf32, #tpu.memory_space<hbm>>) target(%arg8 : memref<32xf32, #tpu.memory_space<vmem>>) target_semaphore(%arg12 : memref<!tpu.dma_semaphore, #tpu.memory_space<semaphore_mem>>)
      tpu.wait_dma2 semaphore(%arg12 : memref<!tpu.dma_semaphore, #tpu.memory_space<semaphore_mem>>) src(%arg4 : memref<32xf32, #tpu.memory_space<hbm>>) dst(%arg8 : memref<32xf32, #tpu.memory_space<vmem>>)
      %get3A = arith.constant 0 : index
      %get3A_282 = tpu.vector_load %arg8[%get3A] {strides = array<i32>} : memref<32xf32, #tpu.memory_space<vmem>>, vector<16xf32>,
      %get3A_283 = arith.constant 16 : index
      %get3A_284 = tpu.vector_load %arg8[%get3A_283] {strides = array<i32>} : memref<32xf32, #tpu.memory_space<vmem>>, vector<16xf32>,
      %broadcast_in_dim3A = arith.constant 0 : i32
      %broadcast_in_dim3A_285 = vector.broadcast %broadcast_in_dim3A : i32 to vector<16xi32>
      %lt3A_286 = arith.constant 0 : i32
      %lt3A_287 = vector.broadcast %lt3A_286 : i32 to vector<16xi32>
      %lt3A_288 = arith.cmpi slt, %broadcast_in_dim3A_285, %lt3A_287 : vector<16xi32>
      %add3A_289 = arith.constant 16 : i32
      %add3A_290 = vector.broadcast %add3A_289 : i32 to vector<16xi32>
      %add3A_291 = arith.addi %broadcast_in_dim3A_285, %add3A_290 : vector<16xi32>
      %select_n3A = arith.select %lt3A_288, %add3A_291, %broadcast_in_dim3A_285 : vector<16xi1>, vector<16xi32>
      %reshape3A = vector.shape_cast %select_n3A : vector<16xi32> to vector<16x1xi32>
      %gather3A = vector.shape_cast %reshape3A : vector<16x1xi32> to vector<16xi32>
      %gather3A_292 = tpu.dynamic_gather %get3A_282[%gather3A] in [0] : vector<16xf32>, vector<16xi32> -> vector<16xf32>
      %broadcast_in_dim3A_293 = arith.constant 1 : i32
      %broadcast_in_dim3A_294 = vector.broadcast %broadcast_in_dim3A_293 : i32 to vector<16xi32>
      %lt3A_295 = arith.constant 0 : i32
      %lt3A_296 = vector.broadcast %lt3A_295 : i32 to vector<16xi32>
      %lt3A_297 = arith.cmpi slt, %broadcast_in_dim3A_294, %lt3A_296 : vector<16xi32>
      %add3A_298 = arith.constant 16 : i32
      %add3A_299 = vector.broadcast %add3A_298 : i32 to vector<16xi32>
      %add3A_300 = arith.addi %broadcast_in_dim3A_294, %add3A_299 : vector<16xi32>
      %select_n3A_301 = arith.select %lt3A_297, %add3A_300, %broadcast_in_dim3A_294 : vector<16xi1>, vector<16xi32>
      %reshape3A_302 = vector.shape_cast %select_n3A_301 : vector<16xi32> to vector<16x1xi32>
      %gather3A_303 = vector.shape_cast %reshape3A_302 : vector<16x1xi32> to vector<16xi32>
      %gather3A_304 = tpu.dynamic_gather %get3A_282[%gather3A_303] in [0] : vector<16xf32>, vector<16xi32> -> vector<16xf32>
      %broadcast_in_dim3A_305 = arith.constant 2 : i32
      %broadcast_in_dim3A_306 = vector.broadcast %broadcast_in_dim3A_305 : i32 to vector<16xi32>
      %lt3A_307 = arith.constant 0 : i32
      %lt3A_308 = vector.broadcast %lt3A_307 : i32 to vector<16xi32>
      %lt3A_309 = arith.cmpi slt, %broadcast_in_dim3A_306, %lt3A_308 : vector<16xi32>
      %add3A_310 = arith.constant 16 : i32
      %add3A_311 = vector.broadcast %add3A_310 : i32 to vector<16xi32>
      %add3A_312 = arith.addi %broadcast_in_dim3A_306, %add3A_311 : vector<16xi32>
      %select_n3A_313 = arith.select %lt3A_309, %add3A_312, %broadcast_in_dim3A_306 : vector<16xi1>, vector<16xi32>
      %reshape3A_314 = vector.shape_cast %select_n3A_313 : vector<16xi32> to vector<16x1xi32>
      %gather3A_315 = vector.shape_cast %reshape3A_314 : vector<16x1xi32> to vector<16xi32>
      %gather3A_316 = tpu.dynamic_gather %get3A_282[%gather3A_315] in [0] : vector<16xf32>, vector<16xi32> -> vector<16xf32>
      %broadcast_in_dim3A_317 = arith.constant 3 : i32
      %broadcast_in_dim3A_318 = vector.broadcast %broadcast_in_dim3A_317 : i32 to vector<16xi32>
      %lt3A_319 = arith.constant 0 : i32
      %lt3A_320 = vector.broadcast %lt3A_319 : i32 to vector<16xi32>
      %lt3A_321 = arith.cmpi slt, %broadcast_in_dim3A_318, %lt3A_320 : vector<16xi32>
      %add3A_322 = arith.constant 16 : i32
      %add3A_323 = vector.broadcast %add3A_322 : i32 to vector<16xi32>
      %add3A_324 = arith.addi %broadcast_in_dim3A_318, %add3A_323 : vector<16xi32>
      %select_n3A_325 = arith.select %lt3A_321, %add3A_324, %broadcast_in_dim3A_318 : vector<16xi1>, vector<16xi32>
      %reshape3A_326 = vector.shape_cast %select_n3A_325 : vector<16xi32> to vector<16x1xi32>
      %gather3A_327 = vector.shape_cast %reshape3A_326 : vector<16x1xi32> to vector<16xi32>
      %gather3A_328 = tpu.dynamic_gather %get3A_282[%gather3A_327] in [0] : vector<16xf32>, vector<16xi32> -> vector<16xf32>
      %broadcast_in_dim3A_329 = arith.constant 4 : i32
      %broadcast_in_dim3A_330 = vector.broadcast %broadcast_in_dim3A_329 : i32 to vector<16xi32>
      %lt3A_331 = arith.constant 0 : i32
      %lt3A_332 = vector.broadcast %lt3A_331 : i32 to vector<16xi32>
      %lt3A_333 = arith.cmpi slt, %broadcast_in_dim3A_330, %lt3A_332 : vector<16xi32>
      %add3A_334 = arith.constant 16 : i32
      %add3A_335 = vector.broadcast %add3A_334 : i32 to vector<16xi32>
      %add3A_336 = arith.addi %broadcast_in_dim3A_330, %add3A_335 : vector<16xi32>
      %select_n3A_337 = arith.select %lt3A_333, %add3A_336, %broadcast_in_dim3A_330 : vector<16xi1>, vector<16xi32>
      %reshape3A_338 = vector.shape_cast %select_n3A_337 : vector<16xi32> to vector<16x1xi32>
      %gather3A_339 = vector.shape_cast %reshape3A_338 : vector<16x1xi32> to vector<16xi32>
      %gather3A_340 = tpu.dynamic_gather %get3A_282[%gather3A_339] in [0] : vector<16xf32>, vector<16xi32> -> vector<16xf32>
      %broadcast_in_dim3A_341 = arith.constant 5 : i32
      %broadcast_in_dim3A_342 = vector.broadcast %broadcast_in_dim3A_341 : i32 to vector<16xi32>
      %lt3A_343 = arith.constant 0 : i32
      %lt3A_344 = vector.broadcast %lt3A_343 : i32 to vector<16xi32>
      %lt3A_345 = arith.cmpi slt, %broadcast_in_dim3A_342, %lt3A_344 : vector<16xi32>
      %add3A_346 = arith.constant 16 : i32
      %add3A_347 = vector.broadcast %add3A_346 : i32 to vector<16xi32>
      %add3A_348 = arith.addi %broadcast_in_dim3A_342, %add3A_347 : vector<16xi32>
      %select_n3A_349 = arith.select %lt3A_345, %add3A_348, %broadcast_in_dim3A_342 : vector<16xi1>, vector<16xi32>
      %reshape3A_350 = vector.shape_cast %select_n3A_349 : vector<16xi32> to vector<16x1xi32>
      %gather3A_351 = vector.shape_cast %reshape3A_350 : vector<16x1xi32> to vector<16xi32>
      %gather3A_352 = tpu.dynamic_gather %get3A_282[%gather3A_351] in [0] : vector<16xf32>, vector<16xi32> -> vector<16xf32>
      %broadcast_in_dim3A_353 = arith.constant 6 : i32
      %broadcast_in_dim3A_354 = vector.broadcast %broadcast_in_dim3A_353 : i32 to vector<16xi32>
      %lt3A_355 = arith.constant 0 : i32
      %lt3A_356 = vector.broadcast %lt3A_355 : i32 to vector<16xi32>
      %lt3A_357 = arith.cmpi slt, %broadcast_in_dim3A_354, %lt3A_356 : vector<16xi32>
      %add3A_358 = arith.constant 16 : i32
      %add3A_359 = vector.broadcast %add3A_358 : i32 to vector<16xi32>
      %add3A_360 = arith.addi %broadcast_in_dim3A_354, %add3A_359 : vector<16xi32>
      %select_n3A_361 = arith.select %lt3A_357, %add3A_360, %broadcast_in_dim3A_354 : vector<16xi1>, vector<16xi32>
      %reshape3A_362 = vector.shape_cast %select_n3A_361 : vector<16xi32> to vector<16x1xi32>
      %gather3A_363 = vector.shape_cast %reshape3A_362 : vector<16x1xi32> to vector<16xi32>
      %gather3A_364 = tpu.dynamic_gather %get3A_282[%gather3A_363] in [0] : vector<16xf32>, vector<16xi32> -> vector<16xf32>
      %broadcast_in_dim3A_365 = arith.constant 7 : i32
      %broadcast_in_dim3A_366 = vector.broadcast %broadcast_in_dim3A_365 : i32 to vector<16xi32>
      %lt3A_367 = arith.constant 0 : i32
      %lt3A_368 = vector.broadcast %lt3A_367 : i32 to vector<16xi32>
      %lt3A_369 = arith.cmpi slt, %broadcast_in_dim3A_366, %lt3A_368 : vector<16xi32>
      %add3A_370 = arith.constant 16 : i32
      %add3A_371 = vector.broadcast %add3A_370 : i32 to vector<16xi32>
      %add3A_372 = arith.addi %broadcast_in_dim3A_366, %add3A_371 : vector<16xi32>
      %select_n3A_373 = arith.select %lt3A_369, %add3A_372, %broadcast_in_dim3A_366 : vector<16xi1>, vector<16xi32>
      %reshape3A_374 = vector.shape_cast %select_n3A_373 : vector<16xi32> to vector<16x1xi32>
      %gather3A_375 = vector.shape_cast %reshape3A_374 : vector<16x1xi32> to vector<16xi32>
      %gather3A_376 = tpu.dynamic_gather %get3A_282[%gather3A_375] in [0] : vector<16xf32>, vector<16xi32> -> vector<16xf32>
      %broadcast_in_dim3A_377 = arith.constant 8 : i32
      %broadcast_in_dim3A_378 = vector.broadcast %broadcast_in_dim3A_377 : i32 to vector<16xi32>
      %lt3A_379 = arith.constant 0 : i32
      %lt3A_380 = vector.broadcast %lt3A_379 : i32 to vector<16xi32>
      %lt3A_381 = arith.cmpi slt, %broadcast_in_dim3A_378, %lt3A_380 : vector<16xi32>
      %add3A_382 = arith.constant 16 : i32
      %add3A_383 = vector.broadcast %add3A_382 : i32 to vector<16xi32>
      %add3A_384 = arith.addi %broadcast_in_dim3A_378, %add3A_383 : vector<16xi32>
      %select_n3A_385 = arith.select %lt3A_381, %add3A_384, %broadcast_in_dim3A_378 : vector<16xi1>, vector<16xi32>
      %reshape3A_386 = vector.shape_cast %select_n3A_385 : vector<16xi32> to vector<16x1xi32>
      %gather3A_387 = vector.shape_cast %reshape3A_386 : vector<16x1xi32> to vector<16xi32>
      %gather3A_388 = tpu.dynamic_gather %get3A_282[%gather3A_387] in [0] : vector<16xf32>, vector<16xi32> -> vector<16xf32>
      %broadcast_in_dim3A_389 = arith.constant 9 : i32
      %broadcast_in_dim3A_390 = vector.broadcast %broadcast_in_dim3A_389 : i32 to vector<16xi32>
      %lt3A_391 = arith.constant 0 : i32
      %lt3A_392 = vector.broadcast %lt3A_391 : i32 to vector<16xi32>
      %lt3A_393 = arith.cmpi slt, %broadcast_in_dim3A_390, %lt3A_392 : vector<16xi32>
      %add3A_394 = arith.constant 16 : i32
      %add3A_395 = vector.broadcast %add3A_394 : i32 to vector<16xi32>
      %add3A_396 = arith.addi %broadcast_in_dim3A_390, %add3A_395 : vector<16xi32>
      %select_n3A_397 = arith.select %lt3A_393, %add3A_396, %broadcast_in_dim3A_390 : vector<16xi1>, vector<16xi32>
      %reshape3A_398 = vector.shape_cast %select_n3A_397 : vector<16xi32> to vector<16x1xi32>
      %gather3A_399 = vector.shape_cast %reshape3A_398 : vector<16x1xi32> to vector<16xi32>
      %gather3A_400 = tpu.dynamic_gather %get3A_282[%gather3A_399] in [0] : vector<16xf32>, vector<16xi32> -> vector<16xf32>
      %broadcast_in_dim3A_401 = arith.constant 10 : i32
      %broadcast_in_dim3A_402 = vector.broadcast %broadcast_in_dim3A_401 : i32 to vector<16xi32>
      %lt3A_403 = arith.constant 0 : i32
      %lt3A_404 = vector.broadcast %lt3A_403 : i32 to vector<16xi32>
      %lt3A_405 = arith.cmpi slt, %broadcast_in_dim3A_402, %lt3A_404 : vector<16xi32>
      %add3A_406 = arith.constant 16 : i32
      %add3A_407 = vector.broadcast %add3A_406 : i32 to vector<16xi32>
      %add3A_408 = arith.addi %broadcast_in_dim3A_402, %add3A_407 : vector<16xi32>
      %select_n3A_409 = arith.select %lt3A_405, %add3A_408, %broadcast_in_dim3A_402 : vector<16xi1>, vector<16xi32>
      %reshape3A_410 = vector.shape_cast %select_n3A_409 : vector<16xi32> to vector<16x1xi32>
      %gather3A_411 = vector.shape_cast %reshape3A_410 : vector<16x1xi32> to vector<16xi32>
      %gather3A_412 = tpu.dynamic_gather %get3A_282[%gather3A_411] in [0] : vector<16xf32>, vector<16xi32> -> vector<16xf32>
      %broadcast_in_dim3A_413 = arith.constant 11 : i32
      %broadcast_in_dim3A_414 = vector.broadcast %broadcast_in_dim3A_413 : i32 to vector<16xi32>
      %lt3A_415 = arith.constant 0 : i32
      %lt3A_416 = vector.broadcast %lt3A_415 : i32 to vector<16xi32>
      %lt3A_417 = arith.cmpi slt, %broadcast_in_dim3A_414, %lt3A_416 : vector<16xi32>
      %add3A_418 = arith.constant 16 : i32
      %add3A_419 = vector.broadcast %add3A_418 : i32 to vector<16xi32>
      %add3A_420 = arith.addi %broadcast_in_dim3A_414, %add3A_419 : vector<16xi32>
      %select_n3A_421 = arith.select %lt3A_417, %add3A_420, %broadcast_in_dim3A_414 : vector<16xi1>, vector<16xi32>
      %reshape3A_422 = vector.shape_cast %select_n3A_421 : vector<16xi32> to vector<16x1xi32>
      %gather3A_423 = vector.shape_cast %reshape3A_422 : vector<16x1xi32> to vector<16xi32>
      %gather3A_424 = tpu.dynamic_gather %get3A_282[%gather3A_423] in [0] : vector<16xf32>, vector<16xi32> -> vector<16xf32>
      %broadcast_in_dim3A_425 = arith.constant 12 : i32
      %broadcast_in_dim3A_426 = vector.broadcast %broadcast_in_dim3A_425 : i32 to vector<16xi32>
      %lt3A_427 = arith.constant 0 : i32
      %lt3A_428 = vector.broadcast %lt3A_427 : i32 to vector<16xi32>
      %lt3A_429 = arith.cmpi slt, %broadcast_in_dim3A_426, %lt3A_428 : vector<16xi32>
      %add3A_430 = arith.constant 16 : i32
      %add3A_431 = vector.broadcast %add3A_430 : i32 to vector<16xi32>
      %add3A_432 = arith.addi %broadcast_in_dim3A_426, %add3A_431 : vector<16xi32>
      %select_n3A_433 = arith.select %lt3A_429, %add3A_432, %broadcast_in_dim3A_426 : vector<16xi1>, vector<16xi32>
      %reshape3A_434 = vector.shape_cast %select_n3A_433 : vector<16xi32> to vector<16x1xi32>
      %gather3A_435 = vector.shape_cast %reshape3A_434 : vector<16x1xi32> to vector<16xi32>
      %gather3A_436 = tpu.dynamic_gather %get3A_282[%gather3A_435] in [0] : vector<16xf32>, vector<16xi32> -> vector<16xf32>
      %broadcast_in_dim3A_437 = arith.constant 13 : i32
      %broadcast_in_dim3A_438 = vector.broadcast %broadcast_in_dim3A_437 : i32 to vector<16xi32>
      %lt3A_439 = arith.constant 0 : i32
      %lt3A_440 = vector.broadcast %lt3A_439 : i32 to vector<16xi32>
      %lt3A_441 = arith.cmpi slt, %broadcast_in_dim3A_438, %lt3A_440 : vector<16xi32>
      %add3A_442 = arith.constant 16 : i32
      %add3A_443 = vector.broadcast %add3A_442 : i32 to vector<16xi32>
      %add3A_444 = arith.addi %broadcast_in_dim3A_438, %add3A_443 : vector<16xi32>
      %select_n3A_445 = arith.select %lt3A_441, %add3A_444, %broadcast_in_dim3A_438 : vector<16xi1>, vector<16xi32>
      %reshape3A_446 = vector.shape_cast %select_n3A_445 : vector<16xi32> to vector<16x1xi32>
      %gather3A_447 = vector.shape_cast %reshape3A_446 : vector<16x1xi32> to vector<16xi32>
      %gather3A_448 = tpu.dynamic_gather %get3A_282[%gather3A_447] in [0] : vector<16xf32>, vector<16xi32> -> vector<16xf32>
      %broadcast_in_dim3A_449 = arith.constant 14 : i32
      %broadcast_in_dim3A_450 = vector.broadcast %broadcast_in_dim3A_449 : i32 to vector<16xi32>
      %lt3A_451 = arith.constant 0 : i32
      %lt3A_452 = vector.broadcast %lt3A_451 : i32 to vector<16xi32>
      %lt3A_453 = arith.cmpi slt, %broadcast_in_dim3A_450, %lt3A_452 : vector<16xi32>
      %add3A_454 = arith.constant 16 : i32
      %add3A_455 = vector.broadcast %add3A_454 : i32 to vector<16xi32>
      %add3A_456 = arith.addi %broadcast_in_dim3A_450, %add3A_455 : vector<16xi32>
      %select_n3A_457 = arith.select %lt3A_453, %add3A_456, %broadcast_in_dim3A_450 : vector<16xi1>, vector<16xi32>
      %reshape3A_458 = vector.shape_cast %select_n3A_457 : vector<16xi32> to vector<16x1xi32>
      %gather3A_459 = vector.shape_cast %reshape3A_458 : vector<16x1xi32> to vector<16xi32>
      %gather3A_460 = tpu.dynamic_gather %get3A_282[%gather3A_459] in [0] : vector<16xf32>, vector<16xi32> -> vector<16xf32>
      %broadcast_in_dim3A_461 = arith.constant 15 : i32
      %broadcast_in_dim3A_462 = vector.broadcast %broadcast_in_dim3A_461 : i32 to vector<16xi32>
      %lt3A_463 = arith.constant 0 : i32
      %lt3A_464 = vector.broadcast %lt3A_463 : i32 to vector<16xi32>
      %lt3A_465 = arith.cmpi slt, %broadcast_in_dim3A_462, %lt3A_464 : vector<16xi32>
      %add3A_466 = arith.constant 16 : i32
      %add3A_467 = vector.broadcast %add3A_466 : i32 to vector<16xi32>
      %add3A_468 = arith.addi %broadcast_in_dim3A_462, %add3A_467 : vector<16xi32>
      %select_n3A_469 = arith.select %lt3A_465, %add3A_468, %broadcast_in_dim3A_462 : vector<16xi1>, vector<16xi32>
      %reshape3A_470 = vector.shape_cast %select_n3A_469 : vector<16xi32> to vector<16x1xi32>
      %gather3A_471 = vector.shape_cast %reshape3A_470 : vector<16x1xi32> to vector<16xi32>
      %gather3A_472 = tpu.dynamic_gather %get3A_282[%gather3A_471] in [0] : vector<16xf32>, vector<16xi32> -> vector<16xf32>
      %broadcast_in_dim3A_473 = arith.constant 0 : i32
      %broadcast_in_dim3A_474 = vector.broadcast %broadcast_in_dim3A_473 : i32 to vector<16xi32>
      %lt3A_475 = arith.constant 0 : i32
      %lt3A_476 = vector.broadcast %lt3A_475 : i32 to vector<16xi32>
      %lt3A_477 = arith.cmpi slt, %broadcast_in_dim3A_474, %lt3A_476 : vector<16xi32>
      %add3A_478 = arith.constant 16 : i32
      %add3A_479 = vector.broadcast %add3A_478 : i32 to vector<16xi32>
      %add3A_480 = arith.addi %broadcast_in_dim3A_474, %add3A_479 : vector<16xi32>
      %select_n3A_481 = arith.select %lt3A_477, %add3A_480, %broadcast_in_dim3A_474 : vector<16xi1>, vector<16xi32>
      %reshape3A_482 = vector.shape_cast %select_n3A_481 : vector<16xi32> to vector<16x1xi32>
      %gather3A_483 = vector.shape_cast %reshape3A_482 : vector<16x1xi32> to vector<16xi32>
      %gather3A_484 = tpu.dynamic_gather %get3A_284[%gather3A_483] in [0] : vector<16xf32>, vector<16xi32> -> vector<16xf32>
      %broadcast_in_dim3A_485 = arith.constant 1 : i32
      %broadcast_in_dim3A_486 = vector.broadcast %broadcast_in_dim3A_485 : i32 to vector<16xi32>
      %lt3A_487 = arith.constant 0 : i32
      %lt3A_488 = vector.broadcast %lt3A_487 : i32 to vector<16xi32>
      %lt3A_489 = arith.cmpi slt, %broadcast_in_dim3A_486, %lt3A_488 : vector<16xi32>
      %add3A_490 = arith.constant 16 : i32
      %add3A_491 = vector.broadcast %add3A_490 : i32 to vector<16xi32>
      %add3A_492 = arith.addi %broadcast_in_dim3A_486, %add3A_491 : vector<16xi32>
      %select_n3A_493 = arith.select %lt3A_489, %add3A_492, %broadcast_in_dim3A_486 : vector<16xi1>, vector<16xi32>
      %reshape3A_494 = vector.shape_cast %select_n3A_493 : vector<16xi32> to vector<16x1xi32>
      %gather3A_495 = vector.shape_cast %reshape3A_494 : vector<16x1xi32> to vector<16xi32>
      %gather3A_496 = tpu.dynamic_gather %get3A_284[%gather3A_495] in [0] : vector<16xf32>, vector<16xi32> -> vector<16xf32>
      %broadcast_in_dim3A_497 = arith.constant 2 : i32
      %broadcast_in_dim3A_498 = vector.broadcast %broadcast_in_dim3A_497 : i32 to vector<16xi32>
      %lt3A_499 = arith.constant 0 : i32
      %lt3A_500 = vector.broadcast %lt3A_499 : i32 to vector<16xi32>
      %lt3A_501 = arith.cmpi slt, %broadcast_in_dim3A_498, %lt3A_500 : vector<16xi32>
      %add3A_502 = arith.constant 16 : i32
      %add3A_503 = vector.broadcast %add3A_502 : i32 to vector<16xi32>
      %add3A_504 = arith.addi %broadcast_in_dim3A_498, %add3A_503 : vector<16xi32>
      %select_n3A_505 = arith.select %lt3A_501, %add3A_504, %broadcast_in_dim3A_498 : vector<16xi1>, vector<16xi32>
      %reshape3A_506 = vector.shape_cast %select_n3A_505 : vector<16xi32> to vector<16x1xi32>
      %gather3A_507 = vector.shape_cast %reshape3A_506 : vector<16x1xi32> to vector<16xi32>
      %gather3A_508 = tpu.dynamic_gather %get3A_284[%gather3A_507] in [0] : vector<16xf32>, vector<16xi32> -> vector<16xf32>
      %broadcast_in_dim3A_509 = arith.constant 3 : i32
      %broadcast_in_dim3A_510 = vector.broadcast %broadcast_in_dim3A_509 : i32 to vector<16xi32>
      %lt3A_511 = arith.constant 0 : i32
      %lt3A_512 = vector.broadcast %lt3A_511 : i32 to vector<16xi32>
      %lt3A_513 = arith.cmpi slt, %broadcast_in_dim3A_510, %lt3A_512 : vector<16xi32>
      %add3A_514 = arith.constant 16 : i32
      %add3A_515 = vector.broadcast %add3A_514 : i32 to vector<16xi32>
      %add3A_516 = arith.addi %broadcast_in_dim3A_510, %add3A_515 : vector<16xi32>
      %select_n3A_517 = arith.select %lt3A_513, %add3A_516, %broadcast_in_dim3A_510 : vector<16xi1>, vector<16xi32>
      %reshape3A_518 = vector.shape_cast %select_n3A_517 : vector<16xi32> to vector<16x1xi32>
      %gather3A_519 = vector.shape_cast %reshape3A_518 : vector<16x1xi32> to vector<16xi32>
      %gather3A_520 = tpu.dynamic_gather %get3A_284[%gather3A_519] in [0] : vector<16xf32>, vector<16xi32> -> vector<16xf32>
      %broadcast_in_dim3A_521 = arith.constant 4 : i32
      %broadcast_in_dim3A_522 = vector.broadcast %broadcast_in_dim3A_521 : i32 to vector<16xi32>
      %lt3A_523 = arith.constant 0 : i32
      %lt3A_524 = vector.broadcast %lt3A_523 : i32 to vector<16xi32>
      %lt3A_525 = arith.cmpi slt, %broadcast_in_dim3A_522, %lt3A_524 : vector<16xi32>
      %add3A_526 = arith.constant 16 : i32
      %add3A_527 = vector.broadcast %add3A_526 : i32 to vector<16xi32>
      %add3A_528 = arith.addi %broadcast_in_dim3A_522, %add3A_527 : vector<16xi32>
      %select_n3A_529 = arith.select %lt3A_525, %add3A_528, %broadcast_in_dim3A_522 : vector<16xi1>, vector<16xi32>
      %reshape3A_530 = vector.shape_cast %select_n3A_529 : vector<16xi32> to vector<16x1xi32>
      %gather3A_531 = vector.shape_cast %reshape3A_530 : vector<16x1xi32> to vector<16xi32>
      %gather3A_532 = tpu.dynamic_gather %get3A_284[%gather3A_531] in [0] : vector<16xf32>, vector<16xi32> -> vector<16xf32>
      %broadcast_in_dim3A_533 = arith.constant 5 : i32
      %broadcast_in_dim3A_534 = vector.broadcast %broadcast_in_dim3A_533 : i32 to vector<16xi32>
      %lt3A_535 = arith.constant 0 : i32
      %lt3A_536 = vector.broadcast %lt3A_535 : i32 to vector<16xi32>
      %lt3A_537 = arith.cmpi slt, %broadcast_in_dim3A_534, %lt3A_536 : vector<16xi32>
      %add3A_538 = arith.constant 16 : i32
      %add3A_539 = vector.broadcast %add3A_538 : i32 to vector<16xi32>
      %add3A_540 = arith.addi %broadcast_in_dim3A_534, %add3A_539 : vector<16xi32>
      %select_n3A_541 = arith.select %lt3A_537, %add3A_540, %broadcast_in_dim3A_534 : vector<16xi1>, vector<16xi32>
      %reshape3A_542 = vector.shape_cast %select_n3A_541 : vector<16xi32> to vector<16x1xi32>
      %gather3A_543 = vector.shape_cast %reshape3A_542 : vector<16x1xi32> to vector<16xi32>
      %gather3A_544 = tpu.dynamic_gather %get3A_284[%gather3A_543] in [0] : vector<16xf32>, vector<16xi32> -> vector<16xf32>
      %broadcast_in_dim3A_545 = arith.constant 6 : i32
      %broadcast_in_dim3A_546 = vector.broadcast %broadcast_in_dim3A_545 : i32 to vector<16xi32>
      %lt3A_547 = arith.constant 0 : i32
      %lt3A_548 = vector.broadcast %lt3A_547 : i32 to vector<16xi32>
      %lt3A_549 = arith.cmpi slt, %broadcast_in_dim3A_546, %lt3A_548 : vector<16xi32>
      %add3A_550 = arith.constant 16 : i32
      %add3A_551 = vector.broadcast %add3A_550 : i32 to vector<16xi32>
      %add3A_552 = arith.addi %broadcast_in_dim3A_546, %add3A_551 : vector<16xi32>
      %select_n3A_553 = arith.select %lt3A_549, %add3A_552, %broadcast_in_dim3A_546 : vector<16xi1>, vector<16xi32>
      %reshape3A_554 = vector.shape_cast %select_n3A_553 : vector<16xi32> to vector<16x1xi32>
      %gather3A_555 = vector.shape_cast %reshape3A_554 : vector<16x1xi32> to vector<16xi32>
      %gather3A_556 = tpu.dynamic_gather %get3A_284[%gather3A_555] in [0] : vector<16xf32>, vector<16xi32> -> vector<16xf32>
      %broadcast_in_dim3A_557 = arith.constant 7 : i32
      %broadcast_in_dim3A_558 = vector.broadcast %broadcast_in_dim3A_557 : i32 to vector<16xi32>
      %lt3A_559 = arith.constant 0 : i32
      %lt3A_560 = vector.broadcast %lt3A_559 : i32 to vector<16xi32>
      %lt3A_561 = arith.cmpi slt, %broadcast_in_dim3A_558, %lt3A_560 : vector<16xi32>
      %add3A_562 = arith.constant 16 : i32
      %add3A_563 = vector.broadcast %add3A_562 : i32 to vector<16xi32>
      %add3A_564 = arith.addi %broadcast_in_dim3A_558, %add3A_563 : vector<16xi32>
      %select_n3A_565 = arith.select %lt3A_561, %add3A_564, %broadcast_in_dim3A_558 : vector<16xi1>, vector<16xi32>
      %reshape3A_566 = vector.shape_cast %select_n3A_565 : vector<16xi32> to vector<16x1xi32>
      %gather3A_567 = vector.shape_cast %reshape3A_566 : vector<16x1xi32> to vector<16xi32>
      %gather3A_568 = tpu.dynamic_gather %get3A_284[%gather3A_567] in [0] : vector<16xf32>, vector<16xi32> -> vector<16xf32>
      %broadcast_in_dim3A_569 = arith.constant 8 : i32
      %broadcast_in_dim3A_570 = vector.broadcast %broadcast_in_dim3A_569 : i32 to vector<16xi32>
      %lt3A_571 = arith.constant 0 : i32
      %lt3A_572 = vector.broadcast %lt3A_571 : i32 to vector<16xi32>
      %lt3A_573 = arith.cmpi slt, %broadcast_in_dim3A_570, %lt3A_572 : vector<16xi32>
      %add3A_574 = arith.constant 16 : i32
      %add3A_575 = vector.broadcast %add3A_574 : i32 to vector<16xi32>
      %add3A_576 = arith.addi %broadcast_in_dim3A_570, %add3A_575 : vector<16xi32>
      %select_n3A_577 = arith.select %lt3A_573, %add3A_576, %broadcast_in_dim3A_570 : vector<16xi1>, vector<16xi32>
      %reshape3A_578 = vector.shape_cast %select_n3A_577 : vector<16xi32> to vector<16x1xi32>
      %gather3A_579 = vector.shape_cast %reshape3A_578 : vector<16x1xi32> to vector<16xi32>
      %gather3A_580 = tpu.dynamic_gather %get3A_284[%gather3A_579] in [0] : vector<16xf32>, vector<16xi32> -> vector<16xf32>
      %broadcast_in_dim3A_581 = arith.constant 9 : i32
      %broadcast_in_dim3A_582 = vector.broadcast %broadcast_in_dim3A_581 : i32 to vector<16xi32>
      %lt3A_583 = arith.constant 0 : i32
      %lt3A_584 = vector.broadcast %lt3A_583 : i32 to vector<16xi32>
      %lt3A_585 = arith.cmpi slt, %broadcast_in_dim3A_582, %lt3A_584 : vector<16xi32>
      %add3A_586 = arith.constant 16 : i32
      %add3A_587 = vector.broadcast %add3A_586 : i32 to vector<16xi32>
      %add3A_588 = arith.addi %broadcast_in_dim3A_582, %add3A_587 : vector<16xi32>
      %select_n3A_589 = arith.select %lt3A_585, %add3A_588, %broadcast_in_dim3A_582 : vector<16xi1>, vector<16xi32>
      %reshape3A_590 = vector.shape_cast %select_n3A_589 : vector<16xi32> to vector<16x1xi32>
      %gather3A_591 = vector.shape_cast %reshape3A_590 : vector<16x1xi32> to vector<16xi32>
      %gather3A_592 = tpu.dynamic_gather %get3A_284[%gather3A_591] in [0] : vector<16xf32>, vector<16xi32> -> vector<16xf32>
      %broadcast_in_dim3A_593 = arith.constant 10 : i32
      %broadcast_in_dim3A_594 = vector.broadcast %broadcast_in_dim3A_593 : i32 to vector<16xi32>
      %lt3A_595 = arith.constant 0 : i32
      %lt3A_596 = vector.broadcast %lt3A_595 : i32 to vector<16xi32>
      %lt3A_597 = arith.cmpi slt, %broadcast_in_dim3A_594, %lt3A_596 : vector<16xi32>
      %add3A_598 = arith.constant 16 : i32
      %add3A_599 = vector.broadcast %add3A_598 : i32 to vector<16xi32>
      %add3A_600 = arith.addi %broadcast_in_dim3A_594, %add3A_599 : vector<16xi32>
      %select_n3A_601 = arith.select %lt3A_597, %add3A_600, %broadcast_in_dim3A_594 : vector<16xi1>, vector<16xi32>
      %reshape3A_602 = vector.shape_cast %select_n3A_601 : vector<16xi32> to vector<16x1xi32>
      %gather3A_603 = vector.shape_cast %reshape3A_602 : vector<16x1xi32> to vector<16xi32>
      %gather3A_604 = tpu.dynamic_gather %get3A_284[%gather3A_603] in [0] : vector<16xf32>, vector<16xi32> -> vector<16xf32>
      %dma_wait3A = arith.constant 0 : i32
      %dma_wait3A_605 = arith.constant 0 : i32
      %dma_wait3A_606 = tpu.memref_slice %arg7[%dma_wait3A_605] : memref<26624xi32, #tpu.memory_space<vmem>> -> memref<1024xi32, #tpu.memory_space<vmem>>
      %dma_wait3A_607 = tpu.memref_slice %arg2[%dma_wait3A, %mul3A_4] : memref<26x16384xi32, #tpu.memory_space<hbm>> -> memref<1x1024xi32, #tpu.memory_space<hbm>>
      %dma_wait3A_608 = tpu.memref_squeeze %dma_wait3A_607 : memref<1x1024xi32, #tpu.memory_space<hbm>> -> memref<1024xi32, #tpu.memory_space<hbm>>
      %dma_wait3A_609 = arith.constant 0 : i32
      %dma_wait3A_610 = tpu.memref_slice %arg7[%dma_wait3A_609] : memref<26624xi32, #tpu.memory_space<vmem>> -> memref<1024xi32, #tpu.memory_space<vmem>>
      %dma_wait3A_611 = tpu.memref_slice %arg2[%dma_wait3A, %mul3A_4] : memref<26x16384xi32, #tpu.memory_space<hbm>> -> memref<1x1024xi32, #tpu.memory_space<hbm>>
      %dma_wait3A_612 = tpu.memref_squeeze %dma_wait3A_611 : memref<1x1024xi32, #tpu.memory_space<hbm>> -> memref<1024xi32, #tpu.memory_space<hbm>>
      tpu.wait_dma2 semaphore(%arg11 : memref<!tpu.dma_semaphore, #tpu.memory_space<semaphore_mem>>) src(%dma_wait3A_612 : memref<1024xi32, #tpu.memory_space<hbm>>) dst(%dma_wait3A_610 : memref<1024xi32, #tpu.memory_space<vmem>>)
      %dma_wait3A_613 = arith.constant 1 : i32
      %dma_wait3A_614 = arith.constant 1024 : i32
      %dma_wait3A_615 = tpu.memref_slice %arg7[%dma_wait3A_614] : memref<26624xi32, #tpu.memory_space<vmem>> -> memref<1024xi32, #tpu.memory_space<vmem>>
      %dma_wait3A_616 = tpu.memref_slice %arg2[%dma_wait3A_613, %mul3A_4] : memref<26x16384xi32, #tpu.memory_space<hbm>> -> memref<1x1024xi32, #tpu.memory_space<hbm>>
      %dma_wait3A_617 = tpu.memref_squeeze %dma_wait3A_616 : memref<1x1024xi32, #tpu.memory_space<hbm>> -> memref<1024xi32, #tpu.memory_space<hbm>>
      %dma_wait3A_618 = arith.constant 1024 : i32
      %dma_wait3A_619 = tpu.memref_slice %arg7[%dma_wait3A_618] : memref<26624xi32, #tpu.memory_space<vmem>> -> memref<1024xi32, #tpu.memory_space<vmem>>
      %dma_wait3A_620 = tpu.memref_slice %arg2[%dma_wait3A_613, %mul3A_4] : memref<26x16384xi32, #tpu.memory_space<hbm>> -> memref<1x1024xi32, #tpu.memory_space<hbm>>
      %dma_wait3A_621 = tpu.memref_squeeze %dma_wait3A_620 : memref<1x1024xi32, #tpu.memory_space<hbm>> -> memref<1024xi32, #tpu.memory_space<hbm>>
      tpu.wait_dma2 semaphore(%arg11 : memref<!tpu.dma_semaphore, #tpu.memory_space<semaphore_mem>>) src(%dma_wait3A_621 : memref<1024xi32, #tpu.memory_space<hbm>>) dst(%dma_wait3A_619 : memref<1024xi32, #tpu.memory_space<vmem>>)
      %dma_wait3A_622 = arith.constant 2 : i32
      %dma_wait3A_623 = arith.constant 2048 : i32
      %dma_wait3A_624 = tpu.memref_slice %arg7[%dma_wait3A_623] : memref<26624xi32, #tpu.memory_space<vmem>> -> memref<1024xi32, #tpu.memory_space<vmem>>
      %dma_wait3A_625 = tpu.memref_slice %arg2[%dma_wait3A_622, %mul3A_4] : memref<26x16384xi32, #tpu.memory_space<hbm>> -> memref<1x1024xi32, #tpu.memory_space<hbm>>
      %dma_wait3A_626 = tpu.memref_squeeze %dma_wait3A_625 : memref<1x1024xi32, #tpu.memory_space<hbm>> -> memref<1024xi32, #tpu.memory_space<hbm>>
      %dma_wait3A_627 = arith.constant 2048 : i32
      %dma_wait3A_628 = tpu.memref_slice %arg7[%dma_wait3A_627] : memref<26624xi32, #tpu.memory_space<vmem>> -> memref<1024xi32, #tpu.memory_space<vmem>>
      %dma_wait3A_629 = tpu.memref_slice %arg2[%dma_wait3A_622, %mul3A_4] : memref<26x16384xi32, #tpu.memory_space<hbm>> -> memref<1x1024xi32, #tpu.memory_space<hbm>>
      %dma_wait3A_630 = tpu.memref_squeeze %dma_wait3A_629 : memref<1x1024xi32, #tpu.memory_space<hbm>> -> memref<1024xi32, #tpu.memory_space<hbm>>
      tpu.wait_dma2 semaphore(%arg11 : memref<!tpu.dma_semaphore, #tpu.memory_space<semaphore_mem>>) src(%dma_wait3A_630 : memref<1024xi32, #tpu.memory_space<hbm>>) dst(%dma_wait3A_628 : memref<1024xi32, #tpu.memory_space<vmem>>)
      %dma_wait3A_631 = arith.constant 3 : i32
      %dma_wait3A_632 = arith.constant 3072 : i32
      %dma_wait3A_633 = tpu.memref_slice %arg7[%dma_wait3A_632] : memref<26624xi32, #tpu.memory_space<vmem>> -> memref<1024xi32, #tpu.memory_space<vmem>>
      %dma_wait3A_634 = tpu.memref_slice %arg2[%dma_wait3A_631, %mul3A_4] : memref<26x16384xi32, #tpu.memory_space<hbm>> -> memref<1x1024xi32, #tpu.memory_space<hbm>>
      %dma_wait3A_635 = tpu.memref_squeeze %dma_wait3A_634 : memref<1x1024xi32, #tpu.memory_space<hbm>> -> memref<1024xi32, #tpu.memory_space<hbm>>
      %dma_wait3A_636 = arith.constant 3072 : i32
      %dma_wait3A_637 = tpu.memref_slice %arg7[%dma_wait3A_636] : memref<26624xi32, #tpu.memory_space<vmem>> -> memref<1024xi32, #tpu.memory_space<vmem>>
      %dma_wait3A_638 = tpu.memref_slice %arg2[%dma_wait3A_631, %mul3A_4] : memref<26x16384xi32, #tpu.memory_space<hbm>> -> memref<1x1024xi32, #tpu.memory_space<hbm>>
      %dma_wait3A_639 = tpu.memref_squeeze %dma_wait3A_638 : memref<1x1024xi32, #tpu.memory_space<hbm>> -> memref<1024xi32, #tpu.memory_space<hbm>>
      tpu.wait_dma2 semaphore(%arg11 : memref<!tpu.dma_semaphore, #tpu.memory_space<semaphore_mem>>) src(%dma_wait3A_639 : memref<1024xi32, #tpu.memory_space<hbm>>) dst(%dma_wait3A_637 : memref<1024xi32, #tpu.memory_space<vmem>>)
      %dma_wait3A_640 = arith.constant 4 : i32
      %dma_wait3A_641 = arith.constant 4096 : i32
      %dma_wait3A_642 = tpu.memref_slice %arg7[%dma_wait3A_641] : memref<26624xi32, #tpu.memory_space<vmem>> -> memref<1024xi32, #tpu.memory_space<vmem>>
      %dma_wait3A_643 = tpu.memref_slice %arg2[%dma_wait3A_640, %mul3A_4] : memref<26x16384xi32, #tpu.memory_space<hbm>> -> memref<1x1024xi32, #tpu.memory_space<hbm>>
      %dma_wait3A_644 = tpu.memref_squeeze %dma_wait3A_643 : memref<1x1024xi32, #tpu.memory_space<hbm>> -> memref<1024xi32, #tpu.memory_space<hbm>>
      %dma_wait3A_645 = arith.constant 4096 : i32
      %dma_wait3A_646 = tpu.memref_slice %arg7[%dma_wait3A_645] : memref<26624xi32, #tpu.memory_space<vmem>> -> memref<1024xi32, #tpu.memory_space<vmem>>
      %dma_wait3A_647 = tpu.memref_slice %arg2[%dma_wait3A_640, %mul3A_4] : memref<26x16384xi32, #tpu.memory_space<hbm>> -> memref<1x1024xi32, #tpu.memory_space<hbm>>
      %dma_wait3A_648 = tpu.memref_squeeze %dma_wait3A_647 : memref<1x1024xi32, #tpu.memory_space<hbm>> -> memref<1024xi32, #tpu.memory_space<hbm>>
      tpu.wait_dma2 semaphore(%arg11 : memref<!tpu.dma_semaphore, #tpu.memory_space<semaphore_mem>>) src(%dma_wait3A_648 : memref<1024xi32, #tpu.memory_space<hbm>>) dst(%dma_wait3A_646 : memref<1024xi32, #tpu.memory_space<vmem>>)
      %dma_wait3A_649 = arith.constant 5 : i32
      %dma_wait3A_650 = arith.constant 5120 : i32
      %dma_wait3A_651 = tpu.memref_slice %arg7[%dma_wait3A_650] : memref<26624xi32, #tpu.memory_space<vmem>> -> memref<1024xi32, #tpu.memory_space<vmem>>
      %dma_wait3A_652 = tpu.memref_slice %arg2[%dma_wait3A_649, %mul3A_4] : memref<26x16384xi32, #tpu.memory_space<hbm>> -> memref<1x1024xi32, #tpu.memory_space<hbm>>
      %dma_wait3A_653 = tpu.memref_squeeze %dma_wait3A_652 : memref<1x1024xi32, #tpu.memory_space<hbm>> -> memref<1024xi32, #tpu.memory_space<hbm>>
      %dma_wait3A_654 = arith.constant 5120 : i32
      %dma_wait3A_655 = tpu.memref_slice %arg7[%dma_wait3A_654] : memref<26624xi32, #tpu.memory_space<vmem>> -> memref<1024xi32, #tpu.memory_space<vmem>>
      %dma_wait3A_656 = tpu.memref_slice %arg2[%dma_wait3A_649, %mul3A_4] : memref<26x16384xi32, #tpu.memory_space<hbm>> -> memref<1x1024xi32, #tpu.memory_space<hbm>>
      %dma_wait3A_657 = tpu.memref_squeeze %dma_wait3A_656 : memref<1x1024xi32, #tpu.memory_space<hbm>> -> memref<1024xi32, #tpu.memory_space<hbm>>
      tpu.wait_dma2 semaphore(%arg11 : memref<!tpu.dma_semaphore, #tpu.memory_space<semaphore_mem>>) src(%dma_wait3A_657 : memref<1024xi32, #tpu.memory_space<hbm>>) dst(%dma_wait3A_655 : memref<1024xi32, #tpu.memory_space<vmem>>)
      %dma_wait3A_658 = arith.constant 6 : i32
      %dma_wait3A_659 = arith.constant 6144 : i32
      %dma_wait3A_660 = tpu.memref_slice %arg7[%dma_wait3A_659] : memref<26624xi32, #tpu.memory_space<vmem>> -> memref<1024xi32, #tpu.memory_space<vmem>>
      %dma_wait3A_661 = tpu.memref_slice %arg2[%dma_wait3A_658, %mul3A_4] : memref<26x16384xi32, #tpu.memory_space<hbm>> -> memref<1x1024xi32, #tpu.memory_space<hbm>>
      %dma_wait3A_662 = tpu.memref_squeeze %dma_wait3A_661 : memref<1x1024xi32, #tpu.memory_space<hbm>> -> memref<1024xi32, #tpu.memory_space<hbm>>
      %dma_wait3A_663 = arith.constant 6144 : i32
      %dma_wait3A_664 = tpu.memref_slice %arg7[%dma_wait3A_663] : memref<26624xi32, #tpu.memory_space<vmem>> -> memref<1024xi32, #tpu.memory_space<vmem>>
      %dma_wait3A_665 = tpu.memref_slice %arg2[%dma_wait3A_658, %mul3A_4] : memref<26x16384xi32, #tpu.memory_space<hbm>> -> memref<1x1024xi32, #tpu.memory_space<hbm>>
      %dma_wait3A_666 = tpu.memref_squeeze %dma_wait3A_665 : memref<1x1024xi32, #tpu.memory_space<hbm>> -> memref<1024xi32, #tpu.memory_space<hbm>>
      tpu.wait_dma2 semaphore(%arg11 : memref<!tpu.dma_semaphore, #tpu.memory_space<semaphore_mem>>) src(%dma_wait3A_666 : memref<1024xi32, #tpu.memory_space<hbm>>) dst(%dma_wait3A_664 : memref<1024xi32, #tpu.memory_space<vmem>>)
      %dma_wait3A_667 = arith.constant 7 : i32
      %dma_wait3A_668 = arith.constant 7168 : i32
      %dma_wait3A_669 = tpu.memref_slice %arg7[%dma_wait3A_668] : memref<26624xi32, #tpu.memory_space<vmem>> -> memref<1024xi32, #tpu.memory_space<vmem>>
      %dma_wait3A_670 = tpu.memref_slice %arg2[%dma_wait3A_667, %mul3A_4] : memref<26x16384xi32, #tpu.memory_space<hbm>> -> memref<1x1024xi32, #tpu.memory_space<hbm>>
      %dma_wait3A_671 = tpu.memref_squeeze %dma_wait3A_670 : memref<1x1024xi32, #tpu.memory_space<hbm>> -> memref<1024xi32, #tpu.memory_space<hbm>>
      %dma_wait3A_672 = arith.constant 7168 : i32
      %dma_wait3A_673 = tpu.memref_slice %arg7[%dma_wait3A_672] : memref<26624xi32, #tpu.memory_space<vmem>> -> memref<1024xi32, #tpu.memory_space<vmem>>
      %dma_wait3A_674 = tpu.memref_slice %arg2[%dma_wait3A_667, %mul3A_4] : memref<26x16384xi32, #tpu.memory_space<hbm>> -> memref<1x1024xi32, #tpu.memory_space<hbm>>
      %dma_wait3A_675 = tpu.memref_squeeze %dma_wait3A_674 : memref<1x1024xi32, #tpu.memory_space<hbm>> -> memref<1024xi32, #tpu.memory_space<hbm>>
      tpu.wait_dma2 semaphore(%arg11 : memref<!tpu.dma_semaphore, #tpu.memory_space<semaphore_mem>>) src(%dma_wait3A_675 : memref<1024xi32, #tpu.memory_space<hbm>>) dst(%dma_wait3A_673 : memref<1024xi32, #tpu.memory_space<vmem>>)
      %dma_wait3A_676 = arith.constant 8 : i32
      %dma_wait3A_677 = arith.constant 8192 : i32
      %dma_wait3A_678 = tpu.memref_slice %arg7[%dma_wait3A_677] : memref<26624xi32, #tpu.memory_space<vmem>> -> memref<1024xi32, #tpu.memory_space<vmem>>
      %dma_wait3A_679 = tpu.memref_slice %arg2[%dma_wait3A_676, %mul3A_4] : memref<26x16384xi32, #tpu.memory_space<hbm>> -> memref<1x1024xi32, #tpu.memory_space<hbm>>
      %dma_wait3A_680 = tpu.memref_squeeze %dma_wait3A_679 : memref<1x1024xi32, #tpu.memory_space<hbm>> -> memref<1024xi32, #tpu.memory_space<hbm>>
      %dma_wait3A_681 = arith.constant 8192 : i32
      %dma_wait3A_682 = tpu.memref_slice %arg7[%dma_wait3A_681] : memref<26624xi32, #tpu.memory_space<vmem>> -> memref<1024xi32, #tpu.memory_space<vmem>>
      %dma_wait3A_683 = tpu.memref_slice %arg2[%dma_wait3A_676, %mul3A_4] : memref<26x16384xi32, #tpu.memory_space<hbm>> -> memref<1x1024xi32, #tpu.memory_space<hbm>>
      %dma_wait3A_684 = tpu.memref_squeeze %dma_wait3A_683 : memref<1x1024xi32, #tpu.memory_space<hbm>> -> memref<1024xi32, #tpu.memory_space<hbm>>
      tpu.wait_dma2 semaphore(%arg11 : memref<!tpu.dma_semaphore, #tpu.memory_space<semaphore_mem>>) src(%dma_wait3A_684 : memref<1024xi32, #tpu.memory_space<hbm>>) dst(%dma_wait3A_682 : memref<1024xi32, #tpu.memory_space<vmem>>)
      %dma_wait3A_685 = arith.constant 9 : i32
      %dma_wait3A_686 = arith.constant 9216 : i32
      %dma_wait3A_687 = tpu.memref_slice %arg7[%dma_wait3A_686] : memref<26624xi32, #tpu.memory_space<vmem>> -> memref<1024xi32, #tpu.memory_space<vmem>>
      %dma_wait3A_688 = tpu.memref_slice %arg2[%dma_wait3A_685, %mul3A_4] : memref<26x16384xi32, #tpu.memory_space<hbm>> -> memref<1x1024xi32, #tpu.memory_space<hbm>>
      %dma_wait3A_689 = tpu.memref_squeeze %dma_wait3A_688 : memref<1x1024xi32, #tpu.memory_space<hbm>> -> memref<1024xi32, #tpu.memory_space<hbm>>
      %dma_wait3A_690 = arith.constant 9216 : i32
      %dma_wait3A_691 = tpu.memref_slice %arg7[%dma_wait3A_690] : memref<26624xi32, #tpu.memory_space<vmem>> -> memref<1024xi32, #tpu.memory_space<vmem>>
      %dma_wait3A_692 = tpu.memref_slice %arg2[%dma_wait3A_685, %mul3A_4] : memref<26x16384xi32, #tpu.memory_space<hbm>> -> memref<1x1024xi32, #tpu.memory_space<hbm>>
      %dma_wait3A_693 = tpu.memref_squeeze %dma_wait3A_692 : memref<1x1024xi32, #tpu.memory_space<hbm>> -> memref<1024xi32, #tpu.memory_space<hbm>>
      tpu.wait_dma2 semaphore(%arg11 : memref<!tpu.dma_semaphore, #tpu.memory_space<semaphore_mem>>) src(%dma_wait3A_693 : memref<1024xi32, #tpu.memory_space<hbm>>) dst(%dma_wait3A_691 : memref<1024xi32, #tpu.memory_space<vmem>>)
      %dma_wait3A_694 = arith.constant 10 : i32
      %dma_wait3A_695 = arith.constant 10240 : i32
      %dma_wait3A_696 = tpu.memref_slice %arg7[%dma_wait3A_695] : memref<26624xi32, #tpu.memory_space<vmem>> -> memref<1024xi32, #tpu.memory_space<vmem>>
      %dma_wait3A_697 = tpu.memref_slice %arg2[%dma_wait3A_694, %mul3A_4] : memref<26x16384xi32, #tpu.memory_space<hbm>> -> memref<1x1024xi32, #tpu.memory_space<hbm>>
      %dma_wait3A_698 = tpu.memref_squeeze %dma_wait3A_697 : memref<1x1024xi32, #tpu.memory_space<hbm>> -> memref<1024xi32, #tpu.memory_space<hbm>>
      %dma_wait3A_699 = arith.constant 10240 : i32
      %dma_wait3A_700 = tpu.memref_slice %arg7[%dma_wait3A_699] : memref<26624xi32, #tpu.memory_space<vmem>> -> memref<1024xi32, #tpu.memory_space<vmem>>
      %dma_wait3A_701 = tpu.memref_slice %arg2[%dma_wait3A_694, %mul3A_4] : memref<26x16384xi32, #tpu.memory_space<hbm>> -> memref<1x1024xi32, #tpu.memory_space<hbm>>
      %dma_wait3A_702 = tpu.memref_squeeze %dma_wait3A_701 : memref<1x1024xi32, #tpu.memory_space<hbm>> -> memref<1024xi32, #tpu.memory_space<hbm>>
      tpu.wait_dma2 semaphore(%arg11 : memref<!tpu.dma_semaphore, #tpu.memory_space<semaphore_mem>>) src(%dma_wait3A_702 : memref<1024xi32, #tpu.memory_space<hbm>>) dst(%dma_wait3A_700 : memref<1024xi32, #tpu.memory_space<vmem>>)
      %dma_wait3A_703 = arith.constant 11 : i32
      %dma_wait3A_704 = arith.constant 11264 : i32
      %dma_wait3A_705 = tpu.memref_slice %arg7[%dma_wait3A_704] : memref<26624xi32, #tpu.memory_space<vmem>> -> memref<1024xi32, #tpu.memory_space<vmem>>
      %dma_wait3A_706 = tpu.memref_slice %arg2[%dma_wait3A_703, %mul3A_4] : memref<26x16384xi32, #tpu.memory_space<hbm>> -> memref<1x1024xi32, #tpu.memory_space<hbm>>
      %dma_wait3A_707 = tpu.memref_squeeze %dma_wait3A_706 : memref<1x1024xi32, #tpu.memory_space<hbm>> -> memref<1024xi32, #tpu.memory_space<hbm>>
      %dma_wait3A_708 = arith.constant 11264 : i32
      %dma_wait3A_709 = tpu.memref_slice %arg7[%dma_wait3A_708] : memref<26624xi32, #tpu.memory_space<vmem>> -> memref<1024xi32, #tpu.memory_space<vmem>>
      %dma_wait3A_710 = tpu.memref_slice %arg2[%dma_wait3A_703, %mul3A_4] : memref<26x16384xi32, #tpu.memory_space<hbm>> -> memref<1x1024xi32, #tpu.memory_space<hbm>>
      %dma_wait3A_711 = tpu.memref_squeeze %dma_wait3A_710 : memref<1x1024xi32, #tpu.memory_space<hbm>> -> memref<1024xi32, #tpu.memory_space<hbm>>
      tpu.wait_dma2 semaphore(%arg11 : memref<!tpu.dma_semaphore, #tpu.memory_space<semaphore_mem>>) src(%dma_wait3A_711 : memref<1024xi32, #tpu.memory_space<hbm>>) dst(%dma_wait3A_709 : memref<1024xi32, #tpu.memory_space<vmem>>)
      %dma_wait3A_712 = arith.constant 12 : i32
      %dma_wait3A_713 = arith.constant 12288 : i32
      %dma_wait3A_714 = tpu.memref_slice %arg7[%dma_wait3A_713] : memref<26624xi32, #tpu.memory_space<vmem>> -> memref<1024xi32, #tpu.memory_space<vmem>>
      %dma_wait3A_715 = tpu.memref_slice %arg2[%dma_wait3A_712, %mul3A_4] : memref<26x16384xi32, #tpu.memory_space<hbm>> -> memref<1x1024xi32, #tpu.memory_space<hbm>>
      %dma_wait3A_716 = tpu.memref_squeeze %dma_wait3A_715 : memref<1x1024xi32, #tpu.memory_space<hbm>> -> memref<1024xi32, #tpu.memory_space<hbm>>
      %dma_wait3A_717 = arith.constant 12288 : i32
      %dma_wait3A_718 = tpu.memref_slice %arg7[%dma_wait3A_717] : memref<26624xi32, #tpu.memory_space<vmem>> -> memref<1024xi32, #tpu.memory_space<vmem>>
      %dma_wait3A_719 = tpu.memref_slice %arg2[%dma_wait3A_712, %mul3A_4] : memref<26x16384xi32, #tpu.memory_space<hbm>> -> memref<1x1024xi32, #tpu.memory_space<hbm>>
      %dma_wait3A_720 = tpu.memref_squeeze %dma_wait3A_719 : memref<1x1024xi32, #tpu.memory_space<hbm>> -> memref<1024xi32, #tpu.memory_space<hbm>>
      tpu.wait_dma2 semaphore(%arg11 : memref<!tpu.dma_semaphore, #tpu.memory_space<semaphore_mem>>) src(%dma_wait3A_720 : memref<1024xi32, #tpu.memory_space<hbm>>) dst(%dma_wait3A_718 : memref<1024xi32, #tpu.memory_space<vmem>>)
      %dma_wait3A_721 = arith.constant 13 : i32
      %dma_wait3A_722 = arith.constant 13312 : i32
      %dma_wait3A_723 = tpu.memref_slice %arg7[%dma_wait3A_722] : memref<26624xi32, #tpu.memory_space<vmem>> -> memref<1024xi32, #tpu.memory_space<vmem>>
      %dma_wait3A_724 = tpu.memref_slice %arg2[%dma_wait3A_721, %mul3A_4] : memref<26x16384xi32, #tpu.memory_space<hbm>> -> memref<1x1024xi32, #tpu.memory_space<hbm>>
      %dma_wait3A_725 = tpu.memref_squeeze %dma_wait3A_724 : memref<1x1024xi32, #tpu.memory_space<hbm>> -> memref<1024xi32, #tpu.memory_space<hbm>>
      %dma_wait3A_726 = arith.constant 13312 : i32
      %dma_wait3A_727 = tpu.memref_slice %arg7[%dma_wait3A_726] : memref<26624xi32, #tpu.memory_space<vmem>> -> memref<1024xi32, #tpu.memory_space<vmem>>
      %dma_wait3A_728 = tpu.memref_slice %arg2[%dma_wait3A_721, %mul3A_4] : memref<26x16384xi32, #tpu.memory_space<hbm>> -> memref<1x1024xi32, #tpu.memory_space<hbm>>
      %dma_wait3A_729 = tpu.memref_squeeze %dma_wait3A_728 : memref<1x1024xi32, #tpu.memory_space<hbm>> -> memref<1024xi32, #tpu.memory_space<hbm>>
      tpu.wait_dma2 semaphore(%arg11 : memref<!tpu.dma_semaphore, #tpu.memory_space<semaphore_mem>>) src(%dma_wait3A_729 : memref<1024xi32, #tpu.memory_space<hbm>>) dst(%dma_wait3A_727 : memref<1024xi32, #tpu.memory_space<vmem>>)
      %dma_wait3A_730 = arith.constant 14 : i32
      %dma_wait3A_731 = arith.constant 14336 : i32
      %dma_wait3A_732 = tpu.memref_slice %arg7[%dma_wait3A_731] : memref<26624xi32, #tpu.memory_space<vmem>> -> memref<1024xi32, #tpu.memory_space<vmem>>
      %dma_wait3A_733 = tpu.memref_slice %arg2[%dma_wait3A_730, %mul3A_4] : memref<26x16384xi32, #tpu.memory_space<hbm>> -> memref<1x1024xi32, #tpu.memory_space<hbm>>
      %dma_wait3A_734 = tpu.memref_squeeze %dma_wait3A_733 : memref<1x1024xi32, #tpu.memory_space<hbm>> -> memref<1024xi32, #tpu.memory_space<hbm>>
      %dma_wait3A_735 = arith.constant 14336 : i32
      %dma_wait3A_736 = tpu.memref_slice %arg7[%dma_wait3A_735] : memref<26624xi32, #tpu.memory_space<vmem>> -> memref<1024xi32, #tpu.memory_space<vmem>>
      %dma_wait3A_737 = tpu.memref_slice %arg2[%dma_wait3A_730, %mul3A_4] : memref<26x16384xi32, #tpu.memory_space<hbm>> -> memref<1x1024xi32, #tpu.memory_space<hbm>>
      %dma_wait3A_738 = tpu.memref_squeeze %dma_wait3A_737 : memref<1x1024xi32, #tpu.memory_space<hbm>> -> memref<1024xi32, #tpu.memory_space<hbm>>
      tpu.wait_dma2 semaphore(%arg11 : memref<!tpu.dma_semaphore, #tpu.memory_space<semaphore_mem>>) src(%dma_wait3A_738 : memref<1024xi32, #tpu.memory_space<hbm>>) dst(%dma_wait3A_736 : memref<1024xi32, #tpu.memory_space<vmem>>)
      %dma_wait3A_739 = arith.constant 15 : i32
      %dma_wait3A_740 = arith.constant 15360 : i32
      %dma_wait3A_741 = tpu.memref_slice %arg7[%dma_wait3A_740] : memref<26624xi32, #tpu.memory_space<vmem>> -> memref<1024xi32, #tpu.memory_space<vmem>>
      %dma_wait3A_742 = tpu.memref_slice %arg2[%dma_wait3A_739, %mul3A_4] : memref<26x16384xi32, #tpu.memory_space<hbm>> -> memref<1x1024xi32, #tpu.memory_space<hbm>>
      %dma_wait3A_743 = tpu.memref_squeeze %dma_wait3A_742 : memref<1x1024xi32, #tpu.memory_space<hbm>> -> memref<1024xi32, #tpu.memory_space<hbm>>
      %dma_wait3A_744 = arith.constant 15360 : i32
      %dma_wait3A_745 = tpu.memref_slice %arg7[%dma_wait3A_744] : memref<26624xi32, #tpu.memory_space<vmem>> -> memref<1024xi32, #tpu.memory_space<vmem>>
      %dma_wait3A_746 = tpu.memref_slice %arg2[%dma_wait3A_739, %mul3A_4] : memref<26x16384xi32, #tpu.memory_space<hbm>> -> memref<1x1024xi32, #tpu.memory_space<hbm>>
      %dma_wait3A_747 = tpu.memref_squeeze %dma_wait3A_746 : memref<1x1024xi32, #tpu.memory_space<hbm>> -> memref<1024xi32, #tpu.memory_space<hbm>>
      tpu.wait_dma2 semaphore(%arg11 : memref<!tpu.dma_semaphore, #tpu.memory_space<semaphore_mem>>) src(%dma_wait3A_747 : memref<1024xi32, #tpu.memory_space<hbm>>) dst(%dma_wait3A_745 : memref<1024xi32, #tpu.memory_space<vmem>>)
      %dma_wait3A_748 = arith.constant 16 : i32
      %dma_wait3A_749 = arith.constant 16384 : i32
      %dma_wait3A_750 = tpu.memref_slice %arg7[%dma_wait3A_749] : memref<26624xi32, #tpu.memory_space<vmem>> -> memref<1024xi32, #tpu.memory_space<vmem>>
      %dma_wait3A_751 = tpu.memref_slice %arg2[%dma_wait3A_748, %mul3A_4] : memref<26x16384xi32, #tpu.memory_space<hbm>> -> memref<1x1024xi32, #tpu.memory_space<hbm>>
      %dma_wait3A_752 = tpu.memref_squeeze %dma_wait3A_751 : memref<1x1024xi32, #tpu.memory_space<hbm>> -> memref<1024xi32, #tpu.memory_space<hbm>>
      %dma_wait3A_753 = arith.constant 16384 : i32
      %dma_wait3A_754 = tpu.memref_slice %arg7[%dma_wait3A_753] : memref<26624xi32, #tpu.memory_space<vmem>> -> memref<1024xi32, #tpu.memory_space<vmem>>
      %dma_wait3A_755 = tpu.memref_slice %arg2[%dma_wait3A_748, %mul3A_4] : memref<26x16384xi32, #tpu.memory_space<hbm>> -> memref<1x1024xi32, #tpu.memory_space<hbm>>
      %dma_wait3A_756 = tpu.memref_squeeze %dma_wait3A_755 : memref<1x1024xi32, #tpu.memory_space<hbm>> -> memref<1024xi32, #tpu.memory_space<hbm>>
      tpu.wait_dma2 semaphore(%arg11 : memref<!tpu.dma_semaphore, #tpu.memory_space<semaphore_mem>>) src(%dma_wait3A_756 : memref<1024xi32, #tpu.memory_space<hbm>>) dst(%dma_wait3A_754 : memref<1024xi32, #tpu.memory_space<vmem>>)
      %dma_wait3A_757 = arith.constant 17 : i32
      %dma_wait3A_758 = arith.constant 17408 : i32
      %dma_wait3A_759 = tpu.memref_slice %arg7[%dma_wait3A_758] : memref<26624xi32, #tpu.memory_space<vmem>> -> memref<1024xi32, #tpu.memory_space<vmem>>
      %dma_wait3A_760 = tpu.memref_slice %arg2[%dma_wait3A_757, %mul3A_4] : memref<26x16384xi32, #tpu.memory_space<hbm>> -> memref<1x1024xi32, #tpu.memory_space<hbm>>
      %dma_wait3A_761 = tpu.memref_squeeze %dma_wait3A_760 : memref<1x1024xi32, #tpu.memory_space<hbm>> -> memref<1024xi32, #tpu.memory_space<hbm>>
      %dma_wait3A_762 = arith.constant 17408 : i32
      %dma_wait3A_763 = tpu.memref_slice %arg7[%dma_wait3A_762] : memref<26624xi32, #tpu.memory_space<vmem>> -> memref<1024xi32, #tpu.memory_space<vmem>>
      %dma_wait3A_764 = tpu.memref_slice %arg2[%dma_wait3A_757, %mul3A_4] : memref<26x16384xi32, #tpu.memory_space<hbm>> -> memref<1x1024xi32, #tpu.memory_space<hbm>>
      %dma_wait3A_765 = tpu.memref_squeeze %dma_wait3A_764 : memref<1x1024xi32, #tpu.memory_space<hbm>> -> memref<1024xi32, #tpu.memory_space<hbm>>
      tpu.wait_dma2 semaphore(%arg11 : memref<!tpu.dma_semaphore, #tpu.memory_space<semaphore_mem>>) src(%dma_wait3A_765 : memref<1024xi32, #tpu.memory_space<hbm>>) dst(%dma_wait3A_763 : memref<1024xi32, #tpu.memory_space<vmem>>)
      %dma_wait3A_766 = arith.constant 18 : i32
      %dma_wait3A_767 = arith.constant 18432 : i32
      %dma_wait3A_768 = tpu.memref_slice %arg7[%dma_wait3A_767] : memref<26624xi32, #tpu.memory_space<vmem>> -> memref<1024xi32, #tpu.memory_space<vmem>>
      %dma_wait3A_769 = tpu.memref_slice %arg2[%dma_wait3A_766, %mul3A_4] : memref<26x16384xi32, #tpu.memory_space<hbm>> -> memref<1x1024xi32, #tpu.memory_space<hbm>>
      %dma_wait3A_770 = tpu.memref_squeeze %dma_wait3A_769 : memref<1x1024xi32, #tpu.memory_space<hbm>> -> memref<1024xi32, #tpu.memory_space<hbm>>
      %dma_wait3A_771 = arith.constant 18432 : i32
      %dma_wait3A_772 = tpu.memref_slice %arg7[%dma_wait3A_771] : memref<26624xi32, #tpu.memory_space<vmem>> -> memref<1024xi32, #tpu.memory_space<vmem>>
      %dma_wait3A_773 = tpu.memref_slice %arg2[%dma_wait3A_766, %mul3A_4] : memref<26x16384xi32, #tpu.memory_space<hbm>> -> memref<1x1024xi32, #tpu.memory_space<hbm>>
      %dma_wait3A_774 = tpu.memref_squeeze %dma_wait3A_773 : memref<1x1024xi32, #tpu.memory_space<hbm>> -> memref<1024xi32, #tpu.memory_space<hbm>>
      tpu.wait_dma2 semaphore(%arg11 : memref<!tpu.dma_semaphore, #tpu.memory_space<semaphore_mem>>) src(%dma_wait3A_774 : memref<1024xi32, #tpu.memory_space<hbm>>) dst(%dma_wait3A_772 : memref<1024xi32, #tpu.memory_space<vmem>>)
      %dma_wait3A_775 = arith.constant 19 : i32
      %dma_wait3A_776 = arith.constant 19456 : i32
      %dma_wait3A_777 = tpu.memref_slice %arg7[%dma_wait3A_776] : memref<26624xi32, #tpu.memory_space<vmem>> -> memref<1024xi32, #tpu.memory_space<vmem>>
      %dma_wait3A_778 = tpu.memref_slice %arg2[%dma_wait3A_775, %mul3A_4] : memref<26x16384xi32, #tpu.memory_space<hbm>> -> memref<1x1024xi32, #tpu.memory_space<hbm>>
      %dma_wait3A_779 = tpu.memref_squeeze %dma_wait3A_778 : memref<1x1024xi32, #tpu.memory_space<hbm>> -> memref<1024xi32, #tpu.memory_space<hbm>>
      %dma_wait3A_780 = arith.constant 19456 : i32
      %dma_wait3A_781 = tpu.memref_slice %arg7[%dma_wait3A_780] : memref<26624xi32, #tpu.memory_space<vmem>> -> memref<1024xi32, #tpu.memory_space<vmem>>
      %dma_wait3A_782 = tpu.memref_slice %arg2[%dma_wait3A_775, %mul3A_4] : memref<26x16384xi32, #tpu.memory_space<hbm>> -> memref<1x1024xi32, #tpu.memory_space<hbm>>
      %dma_wait3A_783 = tpu.memref_squeeze %dma_wait3A_782 : memref<1x1024xi32, #tpu.memory_space<hbm>> -> memref<1024xi32, #tpu.memory_space<hbm>>
      tpu.wait_dma2 semaphore(%arg11 : memref<!tpu.dma_semaphore, #tpu.memory_space<semaphore_mem>>) src(%dma_wait3A_783 : memref<1024xi32, #tpu.memory_space<hbm>>) dst(%dma_wait3A_781 : memref<1024xi32, #tpu.memory_space<vmem>>)
      %dma_wait3A_784 = arith.constant 20 : i32
      %dma_wait3A_785 = arith.constant 20480 : i32
      %dma_wait3A_786 = tpu.memref_slice %arg7[%dma_wait3A_785] : memref<26624xi32, #tpu.memory_space<vmem>> -> memref<1024xi32, #tpu.memory_space<vmem>>
      %dma_wait3A_787 = tpu.memref_slice %arg2[%dma_wait3A_784, %mul3A_4] : memref<26x16384xi32, #tpu.memory_space<hbm>> -> memref<1x1024xi32, #tpu.memory_space<hbm>>
      %dma_wait3A_788 = tpu.memref_squeeze %dma_wait3A_787 : memref<1x1024xi32, #tpu.memory_space<hbm>> -> memref<1024xi32, #tpu.memory_space<hbm>>
      %dma_wait3A_789 = arith.constant 20480 : i32
      %dma_wait3A_790 = tpu.memref_slice %arg7[%dma_wait3A_789] : memref<26624xi32, #tpu.memory_space<vmem>> -> memref<1024xi32, #tpu.memory_space<vmem>>
      %dma_wait3A_791 = tpu.memref_slice %arg2[%dma_wait3A_784, %mul3A_4] : memref<26x16384xi32, #tpu.memory_space<hbm>> -> memref<1x1024xi32, #tpu.memory_space<hbm>>
      %dma_wait3A_792 = tpu.memref_squeeze %dma_wait3A_791 : memref<1x1024xi32, #tpu.memory_space<hbm>> -> memref<1024xi32, #tpu.memory_space<hbm>>
      tpu.wait_dma2 semaphore(%arg11 : memref<!tpu.dma_semaphore, #tpu.memory_space<semaphore_mem>>) src(%dma_wait3A_792 : memref<1024xi32, #tpu.memory_space<hbm>>) dst(%dma_wait3A_790 : memref<1024xi32, #tpu.memory_space<vmem>>)
      %dma_wait3A_793 = arith.constant 21 : i32
      %dma_wait3A_794 = arith.constant 21504 : i32
      %dma_wait3A_795 = tpu.memref_slice %arg7[%dma_wait3A_794] : memref<26624xi32, #tpu.memory_space<vmem>> -> memref<1024xi32, #tpu.memory_space<vmem>>
      %dma_wait3A_796 = tpu.memref_slice %arg2[%dma_wait3A_793, %mul3A_4] : memref<26x16384xi32, #tpu.memory_space<hbm>> -> memref<1x1024xi32, #tpu.memory_space<hbm>>
      %dma_wait3A_797 = tpu.memref_squeeze %dma_wait3A_796 : memref<1x1024xi32, #tpu.memory_space<hbm>> -> memref<1024xi32, #tpu.memory_space<hbm>>
      %dma_wait3A_798 = arith.constant 21504 : i32
      %dma_wait3A_799 = tpu.memref_slice %arg7[%dma_wait3A_798] : memref<26624xi32, #tpu.memory_space<vmem>> -> memref<1024xi32, #tpu.memory_space<vmem>>
      %dma_wait3A_800 = tpu.memref_slice %arg2[%dma_wait3A_793, %mul3A_4] : memref<26x16384xi32, #tpu.memory_space<hbm>> -> memref<1x1024xi32, #tpu.memory_space<hbm>>
      %dma_wait3A_801 = tpu.memref_squeeze %dma_wait3A_800 : memref<1x1024xi32, #tpu.memory_space<hbm>> -> memref<1024xi32, #tpu.memory_space<hbm>>
      tpu.wait_dma2 semaphore(%arg11 : memref<!tpu.dma_semaphore, #tpu.memory_space<semaphore_mem>>) src(%dma_wait3A_801 : memref<1024xi32, #tpu.memory_space<hbm>>) dst(%dma_wait3A_799 : memref<1024xi32, #tpu.memory_space<vmem>>)
      %dma_wait3A_802 = arith.constant 22 : i32
      %dma_wait3A_803 = arith.constant 22528 : i32
      %dma_wait3A_804 = tpu.memref_slice %arg7[%dma_wait3A_803] : memref<26624xi32, #tpu.memory_space<vmem>> -> memref<1024xi32, #tpu.memory_space<vmem>>
      %dma_wait3A_805 = tpu.memref_slice %arg2[%dma_wait3A_802, %mul3A_4] : memref<26x16384xi32, #tpu.memory_space<hbm>> -> memref<1x1024xi32, #tpu.memory_space<hbm>>
      %dma_wait3A_806 = tpu.memref_squeeze %dma_wait3A_805 : memref<1x1024xi32, #tpu.memory_space<hbm>> -> memref<1024xi32, #tpu.memory_space<hbm>>
      %dma_wait3A_807 = arith.constant 22528 : i32
      %dma_wait3A_808 = tpu.memref_slice %arg7[%dma_wait3A_807] : memref<26624xi32, #tpu.memory_space<vmem>> -> memref<1024xi32, #tpu.memory_space<vmem>>
      %dma_wait3A_809 = tpu.memref_slice %arg2[%dma_wait3A_802, %mul3A_4] : memref<26x16384xi32, #tpu.memory_space<hbm>> -> memref<1x1024xi32, #tpu.memory_space<hbm>>
      %dma_wait3A_810 = tpu.memref_squeeze %dma_wait3A_809 : memref<1x1024xi32, #tpu.memory_space<hbm>> -> memref<1024xi32, #tpu.memory_space<hbm>>
      tpu.wait_dma2 semaphore(%arg11 : memref<!tpu.dma_semaphore, #tpu.memory_space<semaphore_mem>>) src(%dma_wait3A_810 : memref<1024xi32, #tpu.memory_space<hbm>>) dst(%dma_wait3A_808 : memref<1024xi32, #tpu.memory_space<vmem>>)
      %dma_wait3A_811 = arith.constant 23 : i32
      %dma_wait3A_812 = arith.constant 23552 : i32
      %dma_wait3A_813 = tpu.memref_slice %arg7[%dma_wait3A_812] : memref<26624xi32, #tpu.memory_space<vmem>> -> memref<1024xi32, #tpu.memory_space<vmem>>
      %dma_wait3A_814 = tpu.memref_slice %arg2[%dma_wait3A_811, %mul3A_4] : memref<26x16384xi32, #tpu.memory_space<hbm>> -> memref<1x1024xi32, #tpu.memory_space<hbm>>
      %dma_wait3A_815 = tpu.memref_squeeze %dma_wait3A_814 : memref<1x1024xi32, #tpu.memory_space<hbm>> -> memref<1024xi32, #tpu.memory_space<hbm>>
      %dma_wait3A_816 = arith.constant 23552 : i32
      %dma_wait3A_817 = tpu.memref_slice %arg7[%dma_wait3A_816] : memref<26624xi32, #tpu.memory_space<vmem>> -> memref<1024xi32, #tpu.memory_space<vmem>>
      %dma_wait3A_818 = tpu.memref_slice %arg2[%dma_wait3A_811, %mul3A_4] : memref<26x16384xi32, #tpu.memory_space<hbm>> -> memref<1x1024xi32, #tpu.memory_space<hbm>>
      %dma_wait3A_819 = tpu.memref_squeeze %dma_wait3A_818 : memref<1x1024xi32, #tpu.memory_space<hbm>> -> memref<1024xi32, #tpu.memory_space<hbm>>
      tpu.wait_dma2 semaphore(%arg11 : memref<!tpu.dma_semaphore, #tpu.memory_space<semaphore_mem>>) src(%dma_wait3A_819 : memref<1024xi32, #tpu.memory_space<hbm>>) dst(%dma_wait3A_817 : memref<1024xi32, #tpu.memory_space<vmem>>)
      %dma_wait3A_820 = arith.constant 24 : i32
      %dma_wait3A_821 = arith.constant 24576 : i32
      %dma_wait3A_822 = tpu.memref_slice %arg7[%dma_wait3A_821] : memref<26624xi32, #tpu.memory_space<vmem>> -> memref<1024xi32, #tpu.memory_space<vmem>>
      %dma_wait3A_823 = tpu.memref_slice %arg2[%dma_wait3A_820, %mul3A_4] : memref<26x16384xi32, #tpu.memory_space<hbm>> -> memref<1x1024xi32, #tpu.memory_space<hbm>>
      %dma_wait3A_824 = tpu.memref_squeeze %dma_wait3A_823 : memref<1x1024xi32, #tpu.memory_space<hbm>> -> memref<1024xi32, #tpu.memory_space<hbm>>
      %dma_wait3A_825 = arith.constant 24576 : i32
      %dma_wait3A_826 = tpu.memref_slice %arg7[%dma_wait3A_825] : memref<26624xi32, #tpu.memory_space<vmem>> -> memref<1024xi32, #tpu.memory_space<vmem>>
      %dma_wait3A_827 = tpu.memref_slice %arg2[%dma_wait3A_820, %mul3A_4] : memref<26x16384xi32, #tpu.memory_space<hbm>> -> memref<1x1024xi32, #tpu.memory_space<hbm>>
      %dma_wait3A_828 = tpu.memref_squeeze %dma_wait3A_827 : memref<1x1024xi32, #tpu.memory_space<hbm>> -> memref<1024xi32, #tpu.memory_space<hbm>>
      tpu.wait_dma2 semaphore(%arg11 : memref<!tpu.dma_semaphore, #tpu.memory_space<semaphore_mem>>) src(%dma_wait3A_828 : memref<1024xi32, #tpu.memory_space<hbm>>) dst(%dma_wait3A_826 : memref<1024xi32, #tpu.memory_space<vmem>>)
      %dma_wait3A_829 = arith.constant 25 : i32
      %dma_wait3A_830 = arith.constant 25600 : i32
      %dma_wait3A_831 = tpu.memref_slice %arg7[%dma_wait3A_830] : memref<26624xi32, #tpu.memory_space<vmem>> -> memref<1024xi32, #tpu.memory_space<vmem>>
      %dma_wait3A_832 = tpu.memref_slice %arg2[%dma_wait3A_829, %mul3A_4] : memref<26x16384xi32, #tpu.memory_space<hbm>> -> memref<1x1024xi32, #tpu.memory_space<hbm>>
      %dma_wait3A_833 = tpu.memref_squeeze %dma_wait3A_832 : memref<1x1024xi32, #tpu.memory_space<hbm>> -> memref<1024xi32, #tpu.memory_space<hbm>>
      %dma_wait3A_834 = arith.constant 25600 : i32
      %dma_wait3A_835 = tpu.memref_slice %arg7[%dma_wait3A_834] : memref<26624xi32, #tpu.memory_space<vmem>> -> memref<1024xi32, #tpu.memory_space<vmem>>
      %dma_wait3A_836 = tpu.memref_slice %arg2[%dma_wait3A_829, %mul3A_4] : memref<26x16384xi32, #tpu.memory_space<hbm>> -> memref<1x1024xi32, #tpu.memory_space<hbm>>
      %dma_wait3A_837 = tpu.memref_squeeze %dma_wait3A_836 : memref<1x1024xi32, #tpu.memory_space<hbm>> -> memref<1024xi32, #tpu.memory_space<hbm>>
      tpu.wait_dma2 semaphore(%arg11 : memref<!tpu.dma_semaphore, #tpu.memory_space<semaphore_mem>>) src(%dma_wait3A_837 : memref<1024xi32, #tpu.memory_space<hbm>>) dst(%dma_wait3A_835 : memref<1024xi32, #tpu.memory_space<vmem>>)
      %dma_wait3A_838 = arith.constant 0 : i32
      %dma_wait3A_839 = arith.constant 0 : i32
      %dma_wait3A_840 = tpu.memref_slice %arg6[%dma_wait3A_839] : memref<100000xf32, #tpu.memory_space<vmem>> -> memref<25088xf32, #tpu.memory_space<vmem>>
      %dma_wait3A_841 = arith.constant 0 : i32
      %dma_wait3A_842 = tpu.memref_slice %arg3[%dma_wait3A_838, %dma_wait3A_841] : memref<1x100000xf32, #tpu.memory_space<hbm>> -> memref<1x25088xf32, #tpu.memory_space<hbm>>
      %dma_wait3A_843 = tpu.memref_squeeze %dma_wait3A_842 : memref<1x25088xf32, #tpu.memory_space<hbm>> -> memref<25088xf32, #tpu.memory_space<hbm>>
      %dma_wait3A_844 = arith.constant 0 : i32
      %dma_wait3A_845 = tpu.memref_slice %arg6[%dma_wait3A_844] : memref<100000xf32, #tpu.memory_space<vmem>> -> memref<25088xf32, #tpu.memory_space<vmem>>
      %dma_wait3A_846 = arith.constant 0 : i32
      %dma_wait3A_847 = tpu.memref_slice %arg3[%dma_wait3A_838, %dma_wait3A_846] : memref<1x100000xf32, #tpu.memory_space<hbm>> -> memref<1x25088xf32, #tpu.memory_space<hbm>>
      %dma_wait3A_848 = tpu.memref_squeeze %dma_wait3A_847 : memref<1x25088xf32, #tpu.memory_space<hbm>> -> memref<25088xf32, #tpu.memory_space<hbm>>
      tpu.wait_dma2 semaphore(%arg10 : memref<!tpu.dma_semaphore, #tpu.memory_space<semaphore_mem>>) src(%dma_wait3A_848 : memref<25088xf32, #tpu.memory_space<hbm>>) dst(%dma_wait3A_845 : memref<25088xf32, #tpu.memory_space<vmem>>)
      %dma_wait3A_849 = arith.constant 0 : i32
      %dma_wait3A_850 = arith.constant 25088 : i32
      %dma_wait3A_851 = tpu.memref_slice %arg6[%dma_wait3A_850] : memref<100000xf32, #tpu.memory_space<vmem>> -> memref<25088xf32, #tpu.memory_space<vmem>>
      %dma_wait3A_852 = arith.constant 25088 : i32
      %dma_wait3A_853 = tpu.memref_slice %arg3[%dma_wait3A_849, %dma_wait3A_852] : memref<1x100000xf32, #tpu.memory_space<hbm>> -> memref<1x25088xf32, #tpu.memory_space<hbm>>
      %dma_wait3A_854 = tpu.memref_squeeze %dma_wait3A_853 : memref<1x25088xf32, #tpu.memory_space<hbm>> -> memref<25088xf32, #tpu.memory_space<hbm>>
      %dma_wait3A_855 = arith.constant 25088 : i32
      %dma_wait3A_856 = tpu.memref_slice %arg6[%dma_wait3A_855] : memref<100000xf32, #tpu.memory_space<vmem>> -> memref<25088xf32, #tpu.memory_space<vmem>>
      %dma_wait3A_857 = arith.constant 25088 : i32
      %dma_wait3A_858 = tpu.memref_slice %arg3[%dma_wait3A_849, %dma_wait3A_857] : memref<1x100000xf32, #tpu.memory_space<hbm>> -> memref<1x25088xf32, #tpu.memory_space<hbm>>
      %dma_wait3A_859 = tpu.memref_squeeze %dma_wait3A_858 : memref<1x25088xf32, #tpu.memory_space<hbm>> -> memref<25088xf32, #tpu.memory_space<hbm>>
      tpu.wait_dma2 semaphore(%arg10 : memref<!tpu.dma_semaphore, #tpu.memory_space<semaphore_mem>>) src(%dma_wait3A_859 : memref<25088xf32, #tpu.memory_space<hbm>>) dst(%dma_wait3A_856 : memref<25088xf32, #tpu.memory_space<vmem>>)
      %dma_wait3A_860 = arith.constant 0 : i32
      %dma_wait3A_861 = arith.constant 50176 : i32
      %dma_wait3A_862 = tpu.memref_slice %arg6[%dma_wait3A_861] : memref<100000xf32, #tpu.memory_space<vmem>> -> memref<25088xf32, #tpu.memory_space<vmem>>
      %dma_wait3A_863 = arith.constant 50176 : i32
      %dma_wait3A_864 = tpu.memref_slice %arg3[%dma_wait3A_860, %dma_wait3A_863] : memref<1x100000xf32, #tpu.memory_space<hbm>> -> memref<1x25088xf32, #tpu.memory_space<hbm>>
      %dma_wait3A_865 = tpu.memref_squeeze %dma_wait3A_864 : memref<1x25088xf32, #tpu.memory_space<hbm>> -> memref<25088xf32, #tpu.memory_space<hbm>>
      %dma_wait3A_866 = arith.constant 50176 : i32
      %dma_wait3A_867 = tpu.memref_slice %arg6[%dma_wait3A_866] : memref<100000xf32, #tpu.memory_space<vmem>> -> memref<25088xf32, #tpu.memory_space<vmem>>
      %dma_wait3A_868 = arith.constant 50176 : i32
      %dma_wait3A_869 = tpu.memref_slice %arg3[%dma_wait3A_860, %dma_wait3A_868] : memref<1x100000xf32, #tpu.memory_space<hbm>> -> memref<1x25088xf32, #tpu.memory_space<hbm>>
      %dma_wait3A_870 = tpu.memref_squeeze %dma_wait3A_869 : memref<1x25088xf32, #tpu.memory_space<hbm>> -> memref<25088xf32, #tpu.memory_space<hbm>>
      tpu.wait_dma2 semaphore(%arg10 : memref<!tpu.dma_semaphore, #tpu.memory_space<semaphore_mem>>) src(%dma_wait3A_870 : memref<25088xf32, #tpu.memory_space<hbm>>) dst(%dma_wait3A_867 : memref<25088xf32, #tpu.memory_space<vmem>>)
      %dma_wait3A_871 = arith.constant 0 : i32
      %dma_wait3A_872 = arith.constant 75264 : i32
      %dma_wait3A_873 = tpu.memref_slice %arg6[%dma_wait3A_872] : memref<100000xf32, #tpu.memory_space<vmem>> -> memref<24736xf32, #tpu.memory_space<vmem>>
      %dma_wait3A_874 = arith.constant 75264 : i32
      %dma_wait3A_875 = tpu.memref_slice %arg3[%dma_wait3A_871, %dma_wait3A_874] : memref<1x100000xf32, #tpu.memory_space<hbm>> -> memref<1x24736xf32, #tpu.memory_space<hbm>>
      %dma_wait3A_876 = tpu.memref_squeeze %dma_wait3A_875 : memref<1x24736xf32, #tpu.memory_space<hbm>> -> memref<24736xf32, #tpu.memory_space<hbm>>
      %dma_wait3A_877 = arith.constant 75264 : i32
      %dma_wait3A_878 = tpu.memref_slice %arg6[%dma_wait3A_877] : memref<100000xf32, #tpu.memory_space<vmem>> -> memref<24736xf32, #tpu.memory_space<vmem>>
      %dma_wait3A_879 = arith.constant 75264 : i32
      %dma_wait3A_880 = tpu.memref_slice %arg3[%dma_wait3A_871, %dma_wait3A_879] : memref<1x100000xf32, #tpu.memory_space<hbm>> -> memref<1x24736xf32, #tpu.memory_space<hbm>>
      %dma_wait3A_881 = tpu.memref_squeeze %dma_wait3A_880 : memref<1x24736xf32, #tpu.memory_space<hbm>> -> memref<24736xf32, #tpu.memory_space<hbm>>
      tpu.wait_dma2 semaphore(%arg10 : memref<!tpu.dma_semaphore, #tpu.memory_space<semaphore_mem>>) src(%dma_wait3A_881 : memref<24736xf32, #tpu.memory_space<hbm>>) dst(%dma_wait3A_878 : memref<24736xf32, #tpu.memory_space<vmem>>)
      %scan3A = arith.constant 0 : i32
      %scan3A_882 = arith.constant 64 : i32
      %scan3A_883 = arith.addi %scan3A, %scan3A_882 : i32
      %scan3A_884 = arith.constant 4 : i32
      scf.for %scan3A_886 = %scan3A to %scan3A_883 step %scan3A_884  : i32 {
        %mul3A_887 = arith.constant 1 : i32
        %mul3A_888 = arith.muli %scan3A_886, %mul3A_887 : i32
        %add3A_889 = arith.constant 0 : i32
        %add3A_890 = arith.addi %add3A_889, %mul3A_888 : i32
        %mul3A_891 = arith.constant 16 : i32
        %mul3A_892 = arith.muli %add3A_890, %mul3A_891 : i32
        %add3A_893 = arith.constant 0 : i32
        %add3A_894 = arith.addi %add3A_893, %mul3A_892 : i32
        %get3A_895 = arith.index_cast %add3A_894 : i32 to index
        %get3A_896 = tpu.vector_load %arg7[%get3A_895] {strides = array<i32>} : memref<26624xi32, #tpu.memory_space<vmem>>, vector<16xi32>,
        %gather3A_897 = tpu.vector_load_idx %arg6[%get3A_896] : memref<100000xf32, #tpu.memory_space<vmem>>[vector<16xi32>], vector<16xf32>,
        %mul3A_898 = arith.mulf %gather3A_897, %gather3A_292 : vector<16xf32>
        %add3A_899 = arith.addf %gather3A_604, %mul3A_898 : vector<16xf32>
        %add3A_900 = arith.constant 1024 : i32
        %add3A_901 = arith.addi %add3A_900, %mul3A_892 : i32
        %get3A_902 = arith.index_cast %add3A_901 : i32 to index
        %get3A_903 = tpu.vector_load %arg7[%get3A_902] {strides = array<i32>} : memref<26624xi32, #tpu.memory_space<vmem>>, vector<16xi32>,
        %gather3A_904 = tpu.vector_load_idx %arg6[%get3A_903] : memref<100000xf32, #tpu.memory_space<vmem>>[vector<16xi32>], vector<16xf32>,
        %mul3A_905 = arith.mulf %gather3A_904, %gather3A_304 : vector<16xf32>
        %add3A_906 = arith.constant 2048 : i32
        %add3A_907 = arith.addi %add3A_906, %mul3A_892 : i32
        %get3A_908 = arith.index_cast %add3A_907 : i32 to index
        %get3A_909 = tpu.vector_load %arg7[%get3A_908] {strides = array<i32>} : memref<26624xi32, #tpu.memory_space<vmem>>, vector<16xi32>,
        %gather3A_910 = tpu.vector_load_idx %arg6[%get3A_909] : memref<100000xf32, #tpu.memory_space<vmem>>[vector<16xi32>], vector<16xf32>,
        %mul3A_911 = arith.mulf %gather3A_910, %gather3A_316 : vector<16xf32>
        %add3A_912 = arith.constant 3072 : i32
        %add3A_913 = arith.addi %add3A_912, %mul3A_892 : i32
        %get3A_914 = arith.index_cast %add3A_913 : i32 to index
        %get3A_915 = tpu.vector_load %arg7[%get3A_914] {strides = array<i32>} : memref<26624xi32, #tpu.memory_space<vmem>>, vector<16xi32>,
        %gather3A_916 = tpu.vector_load_idx %arg6[%get3A_915] : memref<100000xf32, #tpu.memory_space<vmem>>[vector<16xi32>], vector<16xf32>,
        %mul3A_917 = arith.mulf %gather3A_916, %gather3A_328 : vector<16xf32>
        %add3A_918 = arith.constant 4096 : i32
        %add3A_919 = arith.addi %add3A_918, %mul3A_892 : i32
        %get3A_920 = arith.index_cast %add3A_919 : i32 to index
        %get3A_921 = tpu.vector_load %arg7[%get3A_920] {strides = array<i32>} : memref<26624xi32, #tpu.memory_space<vmem>>, vector<16xi32>,
        %gather3A_922 = tpu.vector_load_idx %arg6[%get3A_921] : memref<100000xf32, #tpu.memory_space<vmem>>[vector<16xi32>], vector<16xf32>,
        %mul3A_923 = arith.mulf %gather3A_922, %gather3A_340 : vector<16xf32>
        %add3A_924 = arith.addf %add3A_899, %mul3A_923 : vector<16xf32>
        %add3A_925 = arith.constant 5120 : i32
        %add3A_926 = arith.addi %add3A_925, %mul3A_892 : i32
        %get3A_927 = arith.index_cast %add3A_926 : i32 to index
        %get3A_928 = tpu.vector_load %arg7[%get3A_927] {strides = array<i32>} : memref<26624xi32, #tpu.memory_space<vmem>>, vector<16xi32>,
        %gather3A_929 = tpu.vector_load_idx %arg6[%get3A_928] : memref<100000xf32, #tpu.memory_space<vmem>>[vector<16xi32>], vector<16xf32>,
        %mul3A_930 = arith.mulf %gather3A_929, %gather3A_352 : vector<16xf32>
        %add3A_931 = arith.addf %mul3A_905, %mul3A_930 : vector<16xf32>
        %add3A_932 = arith.constant 6144 : i32
        %add3A_933 = arith.addi %add3A_932, %mul3A_892 : i32
        %get3A_934 = arith.index_cast %add3A_933 : i32 to index
        %get3A_935 = tpu.vector_load %arg7[%get3A_934] {strides = array<i32>} : memref<26624xi32, #tpu.memory_space<vmem>>, vector<16xi32>,
        %gather3A_936 = tpu.vector_load_idx %arg6[%get3A_935] : memref<100000xf32, #tpu.memory_space<vmem>>[vector<16xi32>], vector<16xf32>,
        %mul3A_937 = arith.mulf %gather3A_936, %gather3A_364 : vector<16xf32>
        %add3A_938 = arith.addf %mul3A_911, %mul3A_937 : vector<16xf32>
        %add3A_939 = arith.constant 7168 : i32
        %add3A_940 = arith.addi %add3A_939, %mul3A_892 : i32
        %get3A_941 = arith.index_cast %add3A_940 : i32 to index
        %get3A_942 = tpu.vector_load %arg7[%get3A_941] {strides = array<i32>} : memref<26624xi32, #tpu.memory_space<vmem>>, vector<16xi32>,
        %gather3A_943 = tpu.vector_load_idx %arg6[%get3A_942] : memref<100000xf32, #tpu.memory_space<vmem>>[vector<16xi32>], vector<16xf32>,
        %mul3A_944 = arith.mulf %gather3A_943, %gather3A_376 : vector<16xf32>
        %add3A_945 = arith.addf %mul3A_917, %mul3A_944 : vector<16xf32>
        %add3A_946 = arith.constant 8192 : i32
        %add3A_947 = arith.addi %add3A_946, %mul3A_892 : i32
        %get3A_948 = arith.index_cast %add3A_947 : i32 to index
        %get3A_949 = tpu.vector_load %arg7[%get3A_948] {strides = array<i32>} : memref<26624xi32, #tpu.memory_space<vmem>>, vector<16xi32>,
        %gather3A_950 = tpu.vector_load_idx %arg6[%get3A_949] : memref<100000xf32, #tpu.memory_space<vmem>>[vector<16xi32>], vector<16xf32>,
        %mul3A_951 = arith.mulf %gather3A_950, %gather3A_388 : vector<16xf32>
        %add3A_952 = arith.addf %add3A_924, %mul3A_951 : vector<16xf32>
        %add3A_953 = arith.constant 9216 : i32
        %add3A_954 = arith.addi %add3A_953, %mul3A_892 : i32
        %get3A_955 = arith.index_cast %add3A_954 : i32 to index
        %get3A_956 = tpu.vector_load %arg7[%get3A_955] {strides = array<i32>} : memref<26624xi32, #tpu.memory_space<vmem>>, vector<16xi32>,
        %gather3A_957 = tpu.vector_load_idx %arg6[%get3A_956] : memref<100000xf32, #tpu.memory_space<vmem>>[vector<16xi32>], vector<16xf32>,
        %mul3A_958 = arith.mulf %gather3A_957, %gather3A_400 : vector<16xf32>
        %add3A_959 = arith.addf %add3A_931, %mul3A_958 : vector<16xf32>
        %add3A_960 = arith.constant 10240 : i32
        %add3A_961 = arith.addi %add3A_960, %mul3A_892 : i32
        %get3A_962 = arith.index_cast %add3A_961 : i32 to index
        %get3A_963 = tpu.vector_load %arg7[%get3A_962] {strides = array<i32>} : memref<26624xi32, #tpu.memory_space<vmem>>, vector<16xi32>,
        %gather3A_964 = tpu.vector_load_idx %arg6[%get3A_963] : memref<100000xf32, #tpu.memory_space<vmem>>[vector<16xi32>], vector<16xf32>,
        %mul3A_965 = arith.mulf %gather3A_964, %gather3A_412 : vector<16xf32>
        %add3A_966 = arith.addf %add3A_938, %mul3A_965 : vector<16xf32>
        %add3A_967 = arith.constant 11264 : i32
        %add3A_968 = arith.addi %add3A_967, %mul3A_892 : i32
        %get3A_969 = arith.index_cast %add3A_968 : i32 to index
        %get3A_970 = tpu.vector_load %arg7[%get3A_969] {strides = array<i32>} : memref<26624xi32, #tpu.memory_space<vmem>>, vector<16xi32>,
        %gather3A_971 = tpu.vector_load_idx %arg6[%get3A_970] : memref<100000xf32, #tpu.memory_space<vmem>>[vector<16xi32>], vector<16xf32>,
        %mul3A_972 = arith.mulf %gather3A_971, %gather3A_424 : vector<16xf32>
        %add3A_973 = arith.addf %add3A_945, %mul3A_972 : vector<16xf32>
        %add3A_974 = arith.constant 12288 : i32
        %add3A_975 = arith.addi %add3A_974, %mul3A_892 : i32
        %get3A_976 = arith.index_cast %add3A_975 : i32 to index
        %get3A_977 = tpu.vector_load %arg7[%get3A_976] {strides = array<i32>} : memref<26624xi32, #tpu.memory_space<vmem>>, vector<16xi32>,
        %gather3A_978 = tpu.vector_load_idx %arg6[%get3A_977] : memref<100000xf32, #tpu.memory_space<vmem>>[vector<16xi32>], vector<16xf32>,
        %mul3A_979 = arith.mulf %gather3A_978, %gather3A_436 : vector<16xf32>
        %add3A_980 = arith.addf %add3A_952, %mul3A_979 : vector<16xf32>
        %add3A_981 = arith.constant 13312 : i32
        %add3A_982 = arith.addi %add3A_981, %mul3A_892 : i32
        %get3A_983 = arith.index_cast %add3A_982 : i32 to index
        %get3A_984 = tpu.vector_load %arg7[%get3A_983] {strides = array<i32>} : memref<26624xi32, #tpu.memory_space<vmem>>, vector<16xi32>,
        %gather3A_985 = tpu.vector_load_idx %arg6[%get3A_984] : memref<100000xf32, #tpu.memory_space<vmem>>[vector<16xi32>], vector<16xf32>,
        %mul3A_986 = arith.mulf %gather3A_985, %gather3A_448 : vector<16xf32>
        %add3A_987 = arith.addf %add3A_959, %mul3A_986 : vector<16xf32>
        %add3A_988 = arith.constant 14336 : i32
        %add3A_989 = arith.addi %add3A_988, %mul3A_892 : i32
        %get3A_990 = arith.index_cast %add3A_989 : i32 to index
        %get3A_991 = tpu.vector_load %arg7[%get3A_990] {strides = array<i32>} : memref<26624xi32, #tpu.memory_space<vmem>>, vector<16xi32>,
        %gather3A_992 = tpu.vector_load_idx %arg6[%get3A_991] : memref<100000xf32, #tpu.memory_space<vmem>>[vector<16xi32>], vector<16xf32>,
        %mul3A_993 = arith.mulf %gather3A_992, %gather3A_460 : vector<16xf32>
        %add3A_994 = arith.addf %add3A_966, %mul3A_993 : vector<16xf32>
        %add3A_995 = arith.constant 15360 : i32
        %add3A_996 = arith.addi %add3A_995, %mul3A_892 : i32
        %get3A_997 = arith.index_cast %add3A_996 : i32 to index
        %get3A_998 = tpu.vector_load %arg7[%get3A_997] {strides = array<i32>} : memref<26624xi32, #tpu.memory_space<vmem>>, vector<16xi32>,
        %gather3A_999 = tpu.vector_load_idx %arg6[%get3A_998] : memref<100000xf32, #tpu.memory_space<vmem>>[vector<16xi32>], vector<16xf32>,
        %mul3A_1000 = arith.mulf %gather3A_999, %gather3A_472 : vector<16xf32>
        %add3A_1001 = arith.addf %add3A_973, %mul3A_1000 : vector<16xf32>
        %add3A_1002 = arith.constant 16384 : i32
        %add3A_1003 = arith.addi %add3A_1002, %mul3A_892 : i32
        %get3A_1004 = arith.index_cast %add3A_1003 : i32 to index
        %get3A_1005 = tpu.vector_load %arg7[%get3A_1004] {strides = array<i32>} : memref<26624xi32, #tpu.memory_space<vmem>>, vector<16xi32>,
        %gather3A_1006 = tpu.vector_load_idx %arg6[%get3A_1005] : memref<100000xf32, #tpu.memory_space<vmem>>[vector<16xi32>], vector<16xf32>,
        %mul3A_1007 = arith.mulf %gather3A_1006, %gather3A_484 : vector<16xf32>
        %add3A_1008 = arith.addf %add3A_980, %mul3A_1007 : vector<16xf32>
        %add3A_1009 = arith.constant 17408 : i32
        %add3A_1010 = arith.addi %add3A_1009, %mul3A_892 : i32
        %get3A_1011 = arith.index_cast %add3A_1010 : i32 to index
        %get3A_1012 = tpu.vector_load %arg7[%get3A_1011] {strides = array<i32>} : memref<26624xi32, #tpu.memory_space<vmem>>, vector<16xi32>,
        %gather3A_1013 = tpu.vector_load_idx %arg6[%get3A_1012] : memref<100000xf32, #tpu.memory_space<vmem>>[vector<16xi32>], vector<16xf32>,
        %mul3A_1014 = arith.mulf %gather3A_1013, %gather3A_496 : vector<16xf32>
        %add3A_1015 = arith.addf %add3A_987, %mul3A_1014 : vector<16xf32>
        %add3A_1016 = arith.constant 18432 : i32
        %add3A_1017 = arith.addi %add3A_1016, %mul3A_892 : i32
        %get3A_1018 = arith.index_cast %add3A_1017 : i32 to index
        %get3A_1019 = tpu.vector_load %arg7[%get3A_1018] {strides = array<i32>} : memref<26624xi32, #tpu.memory_space<vmem>>, vector<16xi32>,
        %gather3A_1020 = tpu.vector_load_idx %arg6[%get3A_1019] : memref<100000xf32, #tpu.memory_space<vmem>>[vector<16xi32>], vector<16xf32>,
        %mul3A_1021 = arith.mulf %gather3A_1020, %gather3A_508 : vector<16xf32>
        %add3A_1022 = arith.addf %add3A_994, %mul3A_1021 : vector<16xf32>
        %add3A_1023 = arith.constant 19456 : i32
        %add3A_1024 = arith.addi %add3A_1023, %mul3A_892 : i32
        %get3A_1025 = arith.index_cast %add3A_1024 : i32 to index
        %get3A_1026 = tpu.vector_load %arg7[%get3A_1025] {strides = array<i32>} : memref<26624xi32, #tpu.memory_space<vmem>>, vector<16xi32>,
        %gather3A_1027 = tpu.vector_load_idx %arg6[%get3A_1026] : memref<100000xf32, #tpu.memory_space<vmem>>[vector<16xi32>], vector<16xf32>,
        %mul3A_1028 = arith.mulf %gather3A_1027, %gather3A_520 : vector<16xf32>
        %add3A_1029 = arith.addf %add3A_1001, %mul3A_1028 : vector<16xf32>
        %add3A_1030 = arith.constant 20480 : i32
        %add3A_1031 = arith.addi %add3A_1030, %mul3A_892 : i32
        %get3A_1032 = arith.index_cast %add3A_1031 : i32 to index
        %get3A_1033 = tpu.vector_load %arg7[%get3A_1032] {strides = array<i32>} : memref<26624xi32, #tpu.memory_space<vmem>>, vector<16xi32>,
        %gather3A_1034 = tpu.vector_load_idx %arg6[%get3A_1033] : memref<100000xf32, #tpu.memory_space<vmem>>[vector<16xi32>], vector<16xf32>,
        %mul3A_1035 = arith.mulf %gather3A_1034, %gather3A_532 : vector<16xf32>
        %add3A_1036 = arith.addf %add3A_1008, %mul3A_1035 : vector<16xf32>
        %add3A_1037 = arith.constant 21504 : i32
        %add3A_1038 = arith.addi %add3A_1037, %mul3A_892 : i32
        %get3A_1039 = arith.index_cast %add3A_1038 : i32 to index
        %get3A_1040 = tpu.vector_load %arg7[%get3A_1039] {strides = array<i32>} : memref<26624xi32, #tpu.memory_space<vmem>>, vector<16xi32>,
        %gather3A_1041 = tpu.vector_load_idx %arg6[%get3A_1040] : memref<100000xf32, #tpu.memory_space<vmem>>[vector<16xi32>], vector<16xf32>,
        %mul3A_1042 = arith.mulf %gather3A_1041, %gather3A_544 : vector<16xf32>
        %add3A_1043 = arith.addf %add3A_1015, %mul3A_1042 : vector<16xf32>
        %add3A_1044 = arith.constant 22528 : i32
        %add3A_1045 = arith.addi %add3A_1044, %mul3A_892 : i32
        %get3A_1046 = arith.index_cast %add3A_1045 : i32 to index
        %get3A_1047 = tpu.vector_load %arg7[%get3A_1046] {strides = array<i32>} : memref<26624xi32, #tpu.memory_space<vmem>>, vector<16xi32>,
        %gather3A_1048 = tpu.vector_load_idx %arg6[%get3A_1047] : memref<100000xf32, #tpu.memory_space<vmem>>[vector<16xi32>], vector<16xf32>,
        %mul3A_1049 = arith.mulf %gather3A_1048, %gather3A_556 : vector<16xf32>
        %add3A_1050 = arith.addf %add3A_1022, %mul3A_1049 : vector<16xf32>
        %add3A_1051 = arith.constant 23552 : i32
        %add3A_1052 = arith.addi %add3A_1051, %mul3A_892 : i32
        %get3A_1053 = arith.index_cast %add3A_1052 : i32 to index
        %get3A_1054 = tpu.vector_load %arg7[%get3A_1053] {strides = array<i32>} : memref<26624xi32, #tpu.memory_space<vmem>>, vector<16xi32>,
        %gather3A_1055 = tpu.vector_load_idx %arg6[%get3A_1054] : memref<100000xf32, #tpu.memory_space<vmem>>[vector<16xi32>], vector<16xf32>,
        %mul3A_1056 = arith.mulf %gather3A_1055, %gather3A_568 : vector<16xf32>
        %add3A_1057 = arith.addf %add3A_1029, %mul3A_1056 : vector<16xf32>
        %add3A_1058 = arith.constant 24576 : i32
        %add3A_1059 = arith.addi %add3A_1058, %mul3A_892 : i32
        %get3A_1060 = arith.index_cast %add3A_1059 : i32 to index
        %get3A_1061 = tpu.vector_load %arg7[%get3A_1060] {strides = array<i32>} : memref<26624xi32, #tpu.memory_space<vmem>>, vector<16xi32>,
        %gather3A_1062 = tpu.vector_load_idx %arg6[%get3A_1061] : memref<100000xf32, #tpu.memory_space<vmem>>[vector<16xi32>], vector<16xf32>,
        %mul3A_1063 = arith.mulf %gather3A_1062, %gather3A_580 : vector<16xf32>
        %add3A_1064 = arith.addf %add3A_1036, %mul3A_1063 : vector<16xf32>
        %add3A_1065 = arith.constant 25600 : i32
        %add3A_1066 = arith.addi %add3A_1065, %mul3A_892 : i32
        %get3A_1067 = arith.index_cast %add3A_1066 : i32 to index
        %get3A_1068 = tpu.vector_load %arg7[%get3A_1067] {strides = array<i32>} : memref<26624xi32, #tpu.memory_space<vmem>>, vector<16xi32>,
        %gather3A_1069 = tpu.vector_load_idx %arg6[%get3A_1068] : memref<100000xf32, #tpu.memory_space<vmem>>[vector<16xi32>], vector<16xf32>,
        %mul3A_1070 = arith.mulf %gather3A_1069, %gather3A_592 : vector<16xf32>
        %add3A_1071 = arith.addf %add3A_1043, %mul3A_1070 : vector<16xf32>
        %add3A_1072 = arith.addf %add3A_1064, %add3A_1071 : vector<16xf32>
        %add3A_1073 = arith.addf %add3A_1050, %add3A_1057 : vector<16xf32>
        %add3A_1074 = arith.addf %add3A_1072, %add3A_1073 : vector<16xf32>
        %swap3A = arith.index_cast %mul3A_892 : i32 to index
        %swap3A_1075 = tpu.vector_load %arg9[%swap3A] {strides = array<i32>} : memref<1024xf32, #tpu.memory_space<vmem>>, vector<16xf32>,
        tpu.vector_store %arg9[%swap3A], %add3A_1074 {strides = array<i32>} : memref<1024xf32, #tpu.memory_space<vmem>>, vector<16xf32>,
        %scan3A_1076 = arith.constant 1 : i32
        %scan3A_1077 = arith.addi %scan3A_886, %scan3A_1076 : i32
        %mul3A_1078 = arith.constant 1 : i32
        %mul3A_1079 = arith.muli %scan3A_1077, %mul3A_1078 : i32
        %add3A_1080 = arith.constant 0 : i32
        %add3A_1081 = arith.addi %add3A_1080, %mul3A_1079 : i32
        %mul3A_1082 = arith.constant 16 : i32
        %mul3A_1083 = arith.muli %add3A_1081, %mul3A_1082 : i32
        %add3A_1084 = arith.constant 0 : i32
        %add3A_1085 = arith.addi %add3A_1084, %mul3A_1083 : i32
        %get3A_1086 = arith.index_cast %add3A_1085 : i32 to index
        %get3A_1087 = tpu.vector_load %arg7[%get3A_1086] {strides = array<i32>} : memref<26624xi32, #tpu.memory_space<vmem>>, vector<16xi32>,
        %gather3A_1088 = tpu.vector_load_idx %arg6[%get3A_1087] : memref<100000xf32, #tpu.memory_space<vmem>>[vector<16xi32>], vector<16xf32>,
        %mul3A_1089 = arith.mulf %gather3A_1088, %gather3A_292 : vector<16xf32>
        %add3A_1090 = arith.addf %gather3A_604, %mul3A_1089 : vector<16xf32>
        %add3A_1091 = arith.constant 1024 : i32
        %add3A_1092 = arith.addi %add3A_1091, %mul3A_1083 : i32
        %get3A_1093 = arith.index_cast %add3A_1092 : i32 to index
        %get3A_1094 = tpu.vector_load %arg7[%get3A_1093] {strides = array<i32>} : memref<26624xi32, #tpu.memory_space<vmem>>, vector<16xi32>,
        %gather3A_1095 = tpu.vector_load_idx %arg6[%get3A_1094] : memref<100000xf32, #tpu.memory_space<vmem>>[vector<16xi32>], vector<16xf32>,
        %mul3A_1096 = arith.mulf %gather3A_1095, %gather3A_304 : vector<16xf32>
        %add3A_1097 = arith.constant 2048 : i32
        %add3A_1098 = arith.addi %add3A_1097, %mul3A_1083 : i32
        %get3A_1099 = arith.index_cast %add3A_1098 : i32 to index
        %get3A_1100 = tpu.vector_load %arg7[%get3A_1099] {strides = array<i32>} : memref<26624xi32, #tpu.memory_space<vmem>>, vector<16xi32>,
        %gather3A_1101 = tpu.vector_load_idx %arg6[%get3A_1100] : memref<100000xf32, #tpu.memory_space<vmem>>[vector<16xi32>], vector<16xf32>,
        %mul3A_1102 = arith.mulf %gather3A_1101, %gather3A_316 : vector<16xf32>
        %add3A_1103 = arith.constant 3072 : i32
        %add3A_1104 = arith.addi %add3A_1103, %mul3A_1083 : i32
        %get3A_1105 = arith.index_cast %add3A_1104 : i32 to index
        %get3A_1106 = tpu.vector_load %arg7[%get3A_1105] {strides = array<i32>} : memref<26624xi32, #tpu.memory_space<vmem>>, vector<16xi32>,
        %gather3A_1107 = tpu.vector_load_idx %arg6[%get3A_1106] : memref<100000xf32, #tpu.memory_space<vmem>>[vector<16xi32>], vector<16xf32>,
        %mul3A_1108 = arith.mulf %gather3A_1107, %gather3A_328 : vector<16xf32>
        %add3A_1109 = arith.constant 4096 : i32
        %add3A_1110 = arith.addi %add3A_1109, %mul3A_1083 : i32
        %get3A_1111 = arith.index_cast %add3A_1110 : i32 to index
        %get3A_1112 = tpu.vector_load %arg7[%get3A_1111] {strides = array<i32>} : memref<26624xi32, #tpu.memory_space<vmem>>, vector<16xi32>,
        %gather3A_1113 = tpu.vector_load_idx %arg6[%get3A_1112] : memref<100000xf32, #tpu.memory_space<vmem>>[vector<16xi32>], vector<16xf32>,
        %mul3A_1114 = arith.mulf %gather3A_1113, %gather3A_340 : vector<16xf32>
        %add3A_1115 = arith.addf %add3A_1090, %mul3A_1114 : vector<16xf32>
        %add3A_1116 = arith.constant 5120 : i32
        %add3A_1117 = arith.addi %add3A_1116, %mul3A_1083 : i32
        %get3A_1118 = arith.index_cast %add3A_1117 : i32 to index
        %get3A_1119 = tpu.vector_load %arg7[%get3A_1118] {strides = array<i32>} : memref<26624xi32, #tpu.memory_space<vmem>>, vector<16xi32>,
        %gather3A_1120 = tpu.vector_load_idx %arg6[%get3A_1119] : memref<100000xf32, #tpu.memory_space<vmem>>[vector<16xi32>], vector<16xf32>,
        %mul3A_1121 = arith.mulf %gather3A_1120, %gather3A_352 : vector<16xf32>
        %add3A_1122 = arith.addf %mul3A_1096, %mul3A_1121 : vector<16xf32>
        %add3A_1123 = arith.constant 6144 : i32
        %add3A_1124 = arith.addi %add3A_1123, %mul3A_1083 : i32
        %get3A_1125 = arith.index_cast %add3A_1124 : i32 to index
        %get3A_1126 = tpu.vector_load %arg7[%get3A_1125] {strides = array<i32>} : memref<26624xi32, #tpu.memory_space<vmem>>, vector<16xi32>,
        %gather3A_1127 = tpu.vector_load_idx %arg6[%get3A_1126] : memref<100000xf32, #tpu.memory_space<vmem>>[vector<16xi32>], vector<16xf32>,
        %mul3A_1128 = arith.mulf %gather3A_1127, %gather3A_364 : vector<16xf32>
        %add3A_1129 = arith.addf %mul3A_1102, %mul3A_1128 : vector<16xf32>
        %add3A_1130 = arith.constant 7168 : i32
        %add3A_1131 = arith.addi %add3A_1130, %mul3A_1083 : i32
        %get3A_1132 = arith.index_cast %add3A_1131 : i32 to index
        %get3A_1133 = tpu.vector_load %arg7[%get3A_1132] {strides = array<i32>} : memref<26624xi32, #tpu.memory_space<vmem>>, vector<16xi32>,
        %gather3A_1134 = tpu.vector_load_idx %arg6[%get3A_1133] : memref<100000xf32, #tpu.memory_space<vmem>>[vector<16xi32>], vector<16xf32>,
        %mul3A_1135 = arith.mulf %gather3A_1134, %gather3A_376 : vector<16xf32>
        %add3A_1136 = arith.addf %mul3A_1108, %mul3A_1135 : vector<16xf32>
        %add3A_1137 = arith.constant 8192 : i32
        %add3A_1138 = arith.addi %add3A_1137, %mul3A_1083 : i32
        %get3A_1139 = arith.index_cast %add3A_1138 : i32 to index
        %get3A_1140 = tpu.vector_load %arg7[%get3A_1139] {strides = array<i32>} : memref<26624xi32, #tpu.memory_space<vmem>>, vector<16xi32>,
        %gather3A_1141 = tpu.vector_load_idx %arg6[%get3A_1140] : memref<100000xf32, #tpu.memory_space<vmem>>[vector<16xi32>], vector<16xf32>,
        %mul3A_1142 = arith.mulf %gather3A_1141, %gather3A_388 : vector<16xf32>
        %add3A_1143 = arith.addf %add3A_1115, %mul3A_1142 : vector<16xf32>
        %add3A_1144 = arith.constant 9216 : i32
        %add3A_1145 = arith.addi %add3A_1144, %mul3A_1083 : i32
        %get3A_1146 = arith.index_cast %add3A_1145 : i32 to index
        %get3A_1147 = tpu.vector_load %arg7[%get3A_1146] {strides = array<i32>} : memref<26624xi32, #tpu.memory_space<vmem>>, vector<16xi32>,
        %gather3A_1148 = tpu.vector_load_idx %arg6[%get3A_1147] : memref<100000xf32, #tpu.memory_space<vmem>>[vector<16xi32>], vector<16xf32>,
        %mul3A_1149 = arith.mulf %gather3A_1148, %gather3A_400 : vector<16xf32>
        %add3A_1150 = arith.addf %add3A_1122, %mul3A_1149 : vector<16xf32>
        %add3A_1151 = arith.constant 10240 : i32
        %add3A_1152 = arith.addi %add3A_1151, %mul3A_1083 : i32
        %get3A_1153 = arith.index_cast %add3A_1152 : i32 to index
        %get3A_1154 = tpu.vector_load %arg7[%get3A_1153] {strides = array<i32>} : memref<26624xi32, #tpu.memory_space<vmem>>, vector<16xi32>,
        %gather3A_1155 = tpu.vector_load_idx %arg6[%get3A_1154] : memref<100000xf32, #tpu.memory_space<vmem>>[vector<16xi32>], vector<16xf32>,
        %mul3A_1156 = arith.mulf %gather3A_1155, %gather3A_412 : vector<16xf32>
        %add3A_1157 = arith.addf %add3A_1129, %mul3A_1156 : vector<16xf32>
        %add3A_1158 = arith.constant 11264 : i32
        %add3A_1159 = arith.addi %add3A_1158, %mul3A_1083 : i32
        %get3A_1160 = arith.index_cast %add3A_1159 : i32 to index
        %get3A_1161 = tpu.vector_load %arg7[%get3A_1160] {strides = array<i32>} : memref<26624xi32, #tpu.memory_space<vmem>>, vector<16xi32>,
        %gather3A_1162 = tpu.vector_load_idx %arg6[%get3A_1161] : memref<100000xf32, #tpu.memory_space<vmem>>[vector<16xi32>], vector<16xf32>,
        %mul3A_1163 = arith.mulf %gather3A_1162, %gather3A_424 : vector<16xf32>
        %add3A_1164 = arith.addf %add3A_1136, %mul3A_1163 : vector<16xf32>
        %add3A_1165 = arith.constant 12288 : i32
        %add3A_1166 = arith.addi %add3A_1165, %mul3A_1083 : i32
        %get3A_1167 = arith.index_cast %add3A_1166 : i32 to index
        %get3A_1168 = tpu.vector_load %arg7[%get3A_1167] {strides = array<i32>} : memref<26624xi32, #tpu.memory_space<vmem>>, vector<16xi32>,
        %gather3A_1169 = tpu.vector_load_idx %arg6[%get3A_1168] : memref<100000xf32, #tpu.memory_space<vmem>>[vector<16xi32>], vector<16xf32>,
        %mul3A_1170 = arith.mulf %gather3A_1169, %gather3A_436 : vector<16xf32>
        %add3A_1171 = arith.addf %add3A_1143, %mul3A_1170 : vector<16xf32>
        %add3A_1172 = arith.constant 13312 : i32
        %add3A_1173 = arith.addi %add3A_1172, %mul3A_1083 : i32
        %get3A_1174 = arith.index_cast %add3A_1173 : i32 to index
        %get3A_1175 = tpu.vector_load %arg7[%get3A_1174] {strides = array<i32>} : memref<26624xi32, #tpu.memory_space<vmem>>, vector<16xi32>,
        %gather3A_1176 = tpu.vector_load_idx %arg6[%get3A_1175] : memref<100000xf32, #tpu.memory_space<vmem>>[vector<16xi32>], vector<16xf32>,
        %mul3A_1177 = arith.mulf %gather3A_1176, %gather3A_448 : vector<16xf32>
        %add3A_1178 = arith.addf %add3A_1150, %mul3A_1177 : vector<16xf32>
        %add3A_1179 = arith.constant 14336 : i32
        %add3A_1180 = arith.addi %add3A_1179, %mul3A_1083 : i32
        %get3A_1181 = arith.index_cast %add3A_1180 : i32 to index
        %get3A_1182 = tpu.vector_load %arg7[%get3A_1181] {strides = array<i32>} : memref<26624xi32, #tpu.memory_space<vmem>>, vector<16xi32>,
        %gather3A_1183 = tpu.vector_load_idx %arg6[%get3A_1182] : memref<100000xf32, #tpu.memory_space<vmem>>[vector<16xi32>], vector<16xf32>,
        %mul3A_1184 = arith.mulf %gather3A_1183, %gather3A_460 : vector<16xf32>
        %add3A_1185 = arith.addf %add3A_1157, %mul3A_1184 : vector<16xf32>
        %add3A_1186 = arith.constant 15360 : i32
        %add3A_1187 = arith.addi %add3A_1186, %mul3A_1083 : i32
        %get3A_1188 = arith.index_cast %add3A_1187 : i32 to index
        %get3A_1189 = tpu.vector_load %arg7[%get3A_1188] {strides = array<i32>} : memref<26624xi32, #tpu.memory_space<vmem>>, vector<16xi32>,
        %gather3A_1190 = tpu.vector_load_idx %arg6[%get3A_1189] : memref<100000xf32, #tpu.memory_space<vmem>>[vector<16xi32>], vector<16xf32>,
        %mul3A_1191 = arith.mulf %gather3A_1190, %gather3A_472 : vector<16xf32>
        %add3A_1192 = arith.addf %add3A_1164, %mul3A_1191 : vector<16xf32>
        %add3A_1193 = arith.constant 16384 : i32
        %add3A_1194 = arith.addi %add3A_1193, %mul3A_1083 : i32
        %get3A_1195 = arith.index_cast %add3A_1194 : i32 to index
        %get3A_1196 = tpu.vector_load %arg7[%get3A_1195] {strides = array<i32>} : memref<26624xi32, #tpu.memory_space<vmem>>, vector<16xi32>,
        %gather3A_1197 = tpu.vector_load_idx %arg6[%get3A_1196] : memref<100000xf32, #tpu.memory_space<vmem>>[vector<16xi32>], vector<16xf32>,
        %mul3A_1198 = arith.mulf %gather3A_1197, %gather3A_484 : vector<16xf32>
        %add3A_1199 = arith.addf %add3A_1171, %mul3A_1198 : vector<16xf32>
        %add3A_1200 = arith.constant 17408 : i32
        %add3A_1201 = arith.addi %add3A_1200, %mul3A_1083 : i32
        %get3A_1202 = arith.index_cast %add3A_1201 : i32 to index
        %get3A_1203 = tpu.vector_load %arg7[%get3A_1202] {strides = array<i32>} : memref<26624xi32, #tpu.memory_space<vmem>>, vector<16xi32>,
        %gather3A_1204 = tpu.vector_load_idx %arg6[%get3A_1203] : memref<100000xf32, #tpu.memory_space<vmem>>[vector<16xi32>], vector<16xf32>,
        %mul3A_1205 = arith.mulf %gather3A_1204, %gather3A_496 : vector<16xf32>
        %add3A_1206 = arith.addf %add3A_1178, %mul3A_1205 : vector<16xf32>
        %add3A_1207 = arith.constant 18432 : i32
        %add3A_1208 = arith.addi %add3A_1207, %mul3A_1083 : i32
        %get3A_1209 = arith.index_cast %add3A_1208 : i32 to index
        %get3A_1210 = tpu.vector_load %arg7[%get3A_1209] {strides = array<i32>} : memref<26624xi32, #tpu.memory_space<vmem>>, vector<16xi32>,
        %gather3A_1211 = tpu.vector_load_idx %arg6[%get3A_1210] : memref<100000xf32, #tpu.memory_space<vmem>>[vector<16xi32>], vector<16xf32>,
        %mul3A_1212 = arith.mulf %gather3A_1211, %gather3A_508 : vector<16xf32>
        %add3A_1213 = arith.addf %add3A_1185, %mul3A_1212 : vector<16xf32>
        %add3A_1214 = arith.constant 19456 : i32
        %add3A_1215 = arith.addi %add3A_1214, %mul3A_1083 : i32
        %get3A_1216 = arith.index_cast %add3A_1215 : i32 to index
        %get3A_1217 = tpu.vector_load %arg7[%get3A_1216] {strides = array<i32>} : memref<26624xi32, #tpu.memory_space<vmem>>, vector<16xi32>,
        %gather3A_1218 = tpu.vector_load_idx %arg6[%get3A_1217] : memref<100000xf32, #tpu.memory_space<vmem>>[vector<16xi32>], vector<16xf32>,
        %mul3A_1219 = arith.mulf %gather3A_1218, %gather3A_520 : vector<16xf32>
        %add3A_1220 = arith.addf %add3A_1192, %mul3A_1219 : vector<16xf32>
        %add3A_1221 = arith.constant 20480 : i32
        %add3A_1222 = arith.addi %add3A_1221, %mul3A_1083 : i32
        %get3A_1223 = arith.index_cast %add3A_1222 : i32 to index
        %get3A_1224 = tpu.vector_load %arg7[%get3A_1223] {strides = array<i32>} : memref<26624xi32, #tpu.memory_space<vmem>>, vector<16xi32>,
        %gather3A_1225 = tpu.vector_load_idx %arg6[%get3A_1224] : memref<100000xf32, #tpu.memory_space<vmem>>[vector<16xi32>], vector<16xf32>,
        %mul3A_1226 = arith.mulf %gather3A_1225, %gather3A_532 : vector<16xf32>
        %add3A_1227 = arith.addf %add3A_1199, %mul3A_1226 : vector<16xf32>
        %add3A_1228 = arith.constant 21504 : i32
        %add3A_1229 = arith.addi %add3A_1228, %mul3A_1083 : i32
        %get3A_1230 = arith.index_cast %add3A_1229 : i32 to index
        %get3A_1231 = tpu.vector_load %arg7[%get3A_1230] {strides = array<i32>} : memref<26624xi32, #tpu.memory_space<vmem>>, vector<16xi32>,
        %gather3A_1232 = tpu.vector_load_idx %arg6[%get3A_1231] : memref<100000xf32, #tpu.memory_space<vmem>>[vector<16xi32>], vector<16xf32>,
        %mul3A_1233 = arith.mulf %gather3A_1232, %gather3A_544 : vector<16xf32>
        %add3A_1234 = arith.addf %add3A_1206, %mul3A_1233 : vector<16xf32>
        %add3A_1235 = arith.constant 22528 : i32
        %add3A_1236 = arith.addi %add3A_1235, %mul3A_1083 : i32
        %get3A_1237 = arith.index_cast %add3A_1236 : i32 to index
        %get3A_1238 = tpu.vector_load %arg7[%get3A_1237] {strides = array<i32>} : memref<26624xi32, #tpu.memory_space<vmem>>, vector<16xi32>,
        %gather3A_1239 = tpu.vector_load_idx %arg6[%get3A_1238] : memref<100000xf32, #tpu.memory_space<vmem>>[vector<16xi32>], vector<16xf32>,
        %mul3A_1240 = arith.mulf %gather3A_1239, %gather3A_556 : vector<16xf32>
        %add3A_1241 = arith.addf %add3A_1213, %mul3A_1240 : vector<16xf32>
        %add3A_1242 = arith.constant 23552 : i32
        %add3A_1243 = arith.addi %add3A_1242, %mul3A_1083 : i32
        %get3A_1244 = arith.index_cast %add3A_1243 : i32 to index
        %get3A_1245 = tpu.vector_load %arg7[%get3A_1244] {strides = array<i32>} : memref<26624xi32, #tpu.memory_space<vmem>>, vector<16xi32>,
        %gather3A_1246 = tpu.vector_load_idx %arg6[%get3A_1245] : memref<100000xf32, #tpu.memory_space<vmem>>[vector<16xi32>], vector<16xf32>,
        %mul3A_1247 = arith.mulf %gather3A_1246, %gather3A_568 : vector<16xf32>
        %add3A_1248 = arith.addf %add3A_1220, %mul3A_1247 : vector<16xf32>
        %add3A_1249 = arith.constant 24576 : i32
        %add3A_1250 = arith.addi %add3A_1249, %mul3A_1083 : i32
        %get3A_1251 = arith.index_cast %add3A_1250 : i32 to index
        %get3A_1252 = tpu.vector_load %arg7[%get3A_1251] {strides = array<i32>} : memref<26624xi32, #tpu.memory_space<vmem>>, vector<16xi32>,
        %gather3A_1253 = tpu.vector_load_idx %arg6[%get3A_1252] : memref<100000xf32, #tpu.memory_space<vmem>>[vector<16xi32>], vector<16xf32>,
        %mul3A_1254 = arith.mulf %gather3A_1253, %gather3A_580 : vector<16xf32>
        %add3A_1255 = arith.addf %add3A_1227, %mul3A_1254 : vector<16xf32>
        %add3A_1256 = arith.constant 25600 : i32
        %add3A_1257 = arith.addi %add3A_1256, %mul3A_1083 : i32
        %get3A_1258 = arith.index_cast %add3A_1257 : i32 to index
        %get3A_1259 = tpu.vector_load %arg7[%get3A_1258] {strides = array<i32>} : memref<26624xi32, #tpu.memory_space<vmem>>, vector<16xi32>,
        %gather3A_1260 = tpu.vector_load_idx %arg6[%get3A_1259] : memref<100000xf32, #tpu.memory_space<vmem>>[vector<16xi32>], vector<16xf32>,
        %mul3A_1261 = arith.mulf %gather3A_1260, %gather3A_592 : vector<16xf32>
        %add3A_1262 = arith.addf %add3A_1234, %mul3A_1261 : vector<16xf32>
        %add3A_1263 = arith.addf %add3A_1255, %add3A_1262 : vector<16xf32>
        %add3A_1264 = arith.addf %add3A_1241, %add3A_1248 : vector<16xf32>
        %add3A_1265 = arith.addf %add3A_1263, %add3A_1264 : vector<16xf32>
        %swap3A_1266 = arith.index_cast %mul3A_1083 : i32 to index
        %swap3A_1267 = tpu.vector_load %arg9[%swap3A_1266] {strides = array<i32>} : memref<1024xf32, #tpu.memory_space<vmem>>, vector<16xf32>,
        tpu.vector_store %arg9[%swap3A_1266], %add3A_1265 {strides = array<i32>} : memref<1024xf32, #tpu.memory_space<vmem>>, vector<16xf32>,
        %scan3A_1268 = arith.constant 2 : i32
        %scan3A_1269 = arith.addi %scan3A_886, %scan3A_1268 : i32
        %mul3A_1270 = arith.constant 1 : i32
        %mul3A_1271 = arith.muli %scan3A_1269, %mul3A_1270 : i32
        %add3A_1272 = arith.constant 0 : i32
        %add3A_1273 = arith.addi %add3A_1272, %mul3A_1271 : i32
        %mul3A_1274 = arith.constant 16 : i32
        %mul3A_1275 = arith.muli %add3A_1273, %mul3A_1274 : i32
        %add3A_1276 = arith.constant 0 : i32
        %add3A_1277 = arith.addi %add3A_1276, %mul3A_1275 : i32
        %get3A_1278 = arith.index_cast %add3A_1277 : i32 to index
        %get3A_1279 = tpu.vector_load %arg7[%get3A_1278] {strides = array<i32>} : memref<26624xi32, #tpu.memory_space<vmem>>, vector<16xi32>,
        %gather3A_1280 = tpu.vector_load_idx %arg6[%get3A_1279] : memref<100000xf32, #tpu.memory_space<vmem>>[vector<16xi32>], vector<16xf32>,
        %mul3A_1281 = arith.mulf %gather3A_1280, %gather3A_292 : vector<16xf32>
        %add3A_1282 = arith.addf %gather3A_604, %mul3A_1281 : vector<16xf32>
        %add3A_1283 = arith.constant 1024 : i32
        %add3A_1284 = arith.addi %add3A_1283, %mul3A_1275 : i32
        %get3A_1285 = arith.index_cast %add3A_1284 : i32 to index
        %get3A_1286 = tpu.vector_load %arg7[%get3A_1285] {strides = array<i32>} : memref<26624xi32, #tpu.memory_space<vmem>>, vector<16xi32>,
        %gather3A_1287 = tpu.vector_load_idx %arg6[%get3A_1286] : memref<100000xf32, #tpu.memory_space<vmem>>[vector<16xi32>], vector<16xf32>,
        %mul3A_1288 = arith.mulf %gather3A_1287, %gather3A_304 : vector<16xf32>
        %add3A_1289 = arith.constant 2048 : i32
        %add3A_1290 = arith.addi %add3A_1289, %mul3A_1275 : i32
        %get3A_1291 = arith.index_cast %add3A_1290 : i32 to index
        %get3A_1292 = tpu.vector_load %arg7[%get3A_1291] {strides = array<i32>} : memref<26624xi32, #tpu.memory_space<vmem>>, vector<16xi32>,
        %gather3A_1293 = tpu.vector_load_idx %arg6[%get3A_1292] : memref<100000xf32, #tpu.memory_space<vmem>>[vector<16xi32>], vector<16xf32>,
        %mul3A_1294 = arith.mulf %gather3A_1293, %gather3A_316 : vector<16xf32>
        %add3A_1295 = arith.constant 3072 : i32
        %add3A_1296 = arith.addi %add3A_1295, %mul3A_1275 : i32
        %get3A_1297 = arith.index_cast %add3A_1296 : i32 to index
        %get3A_1298 = tpu.vector_load %arg7[%get3A_1297] {strides = array<i32>} : memref<26624xi32, #tpu.memory_space<vmem>>, vector<16xi32>,
        %gather3A_1299 = tpu.vector_load_idx %arg6[%get3A_1298] : memref<100000xf32, #tpu.memory_space<vmem>>[vector<16xi32>], vector<16xf32>,
        %mul3A_1300 = arith.mulf %gather3A_1299, %gather3A_328 : vector<16xf32>
        %add3A_1301 = arith.constant 4096 : i32
        %add3A_1302 = arith.addi %add3A_1301, %mul3A_1275 : i32
        %get3A_1303 = arith.index_cast %add3A_1302 : i32 to index
        %get3A_1304 = tpu.vector_load %arg7[%get3A_1303] {strides = array<i32>} : memref<26624xi32, #tpu.memory_space<vmem>>, vector<16xi32>,
        %gather3A_1305 = tpu.vector_load_idx %arg6[%get3A_1304] : memref<100000xf32, #tpu.memory_space<vmem>>[vector<16xi32>], vector<16xf32>,
        %mul3A_1306 = arith.mulf %gather3A_1305, %gather3A_340 : vector<16xf32>
        %add3A_1307 = arith.addf %add3A_1282, %mul3A_1306 : vector<16xf32>
        %add3A_1308 = arith.constant 5120 : i32
        %add3A_1309 = arith.addi %add3A_1308, %mul3A_1275 : i32
        %get3A_1310 = arith.index_cast %add3A_1309 : i32 to index
        %get3A_1311 = tpu.vector_load %arg7[%get3A_1310] {strides = array<i32>} : memref<26624xi32, #tpu.memory_space<vmem>>, vector<16xi32>,
        %gather3A_1312 = tpu.vector_load_idx %arg6[%get3A_1311] : memref<100000xf32, #tpu.memory_space<vmem>>[vector<16xi32>], vector<16xf32>,
        %mul3A_1313 = arith.mulf %gather3A_1312, %gather3A_352 : vector<16xf32>
        %add3A_1314 = arith.addf %mul3A_1288, %mul3A_1313 : vector<16xf32>
        %add3A_1315 = arith.constant 6144 : i32
        %add3A_1316 = arith.addi %add3A_1315, %mul3A_1275 : i32
        %get3A_1317 = arith.index_cast %add3A_1316 : i32 to index
        %get3A_1318 = tpu.vector_load %arg7[%get3A_1317] {strides = array<i32>} : memref<26624xi32, #tpu.memory_space<vmem>>, vector<16xi32>,
        %gather3A_1319 = tpu.vector_load_idx %arg6[%get3A_1318] : memref<100000xf32, #tpu.memory_space<vmem>>[vector<16xi32>], vector<16xf32>,
        %mul3A_1320 = arith.mulf %gather3A_1319, %gather3A_364 : vector<16xf32>
        %add3A_1321 = arith.addf %mul3A_1294, %mul3A_1320 : vector<16xf32>
        %add3A_1322 = arith.constant 7168 : i32
        %add3A_1323 = arith.addi %add3A_1322, %mul3A_1275 : i32
        %get3A_1324 = arith.index_cast %add3A_1323 : i32 to index
        %get3A_1325 = tpu.vector_load %arg7[%get3A_1324] {strides = array<i32>} : memref<26624xi32, #tpu.memory_space<vmem>>, vector<16xi32>,
        %gather3A_1326 = tpu.vector_load_idx %arg6[%get3A_1325] : memref<100000xf32, #tpu.memory_space<vmem>>[vector<16xi32>], vector<16xf32>,
        %mul3A_1327 = arith.mulf %gather3A_1326, %gather3A_376 : vector<16xf32>
        %add3A_1328 = arith.addf %mul3A_1300, %mul3A_1327 : vector<16xf32>
        %add3A_1329 = arith.constant 8192 : i32
        %add3A_1330 = arith.addi %add3A_1329, %mul3A_1275 : i32
        %get3A_1331 = arith.index_cast %add3A_1330 : i32 to index
        %get3A_1332 = tpu.vector_load %arg7[%get3A_1331] {strides = array<i32>} : memref<26624xi32, #tpu.memory_space<vmem>>, vector<16xi32>,
        %gather3A_1333 = tpu.vector_load_idx %arg6[%get3A_1332] : memref<100000xf32, #tpu.memory_space<vmem>>[vector<16xi32>], vector<16xf32>,
        %mul3A_1334 = arith.mulf %gather3A_1333, %gather3A_388 : vector<16xf32>
        %add3A_1335 = arith.addf %add3A_1307, %mul3A_1334 : vector<16xf32>
        %add3A_1336 = arith.constant 9216 : i32
        %add3A_1337 = arith.addi %add3A_1336, %mul3A_1275 : i32
        %get3A_1338 = arith.index_cast %add3A_1337 : i32 to index
        %get3A_1339 = tpu.vector_load %arg7[%get3A_1338] {strides = array<i32>} : memref<26624xi32, #tpu.memory_space<vmem>>, vector<16xi32>,
        %gather3A_1340 = tpu.vector_load_idx %arg6[%get3A_1339] : memref<100000xf32, #tpu.memory_space<vmem>>[vector<16xi32>], vector<16xf32>,
        %mul3A_1341 = arith.mulf %gather3A_1340, %gather3A_400 : vector<16xf32>
        %add3A_1342 = arith.addf %add3A_1314, %mul3A_1341 : vector<16xf32>
        %add3A_1343 = arith.constant 10240 : i32
        %add3A_1344 = arith.addi %add3A_1343, %mul3A_1275 : i32
        %get3A_1345 = arith.index_cast %add3A_1344 : i32 to index
        %get3A_1346 = tpu.vector_load %arg7[%get3A_1345] {strides = array<i32>} : memref<26624xi32, #tpu.memory_space<vmem>>, vector<16xi32>,
        %gather3A_1347 = tpu.vector_load_idx %arg6[%get3A_1346] : memref<100000xf32, #tpu.memory_space<vmem>>[vector<16xi32>], vector<16xf32>,
        %mul3A_1348 = arith.mulf %gather3A_1347, %gather3A_412 : vector<16xf32>
        %add3A_1349 = arith.addf %add3A_1321, %mul3A_1348 : vector<16xf32>
        %add3A_1350 = arith.constant 11264 : i32
        %add3A_1351 = arith.addi %add3A_1350, %mul3A_1275 : i32
        %get3A_1352 = arith.index_cast %add3A_1351 : i32 to index
        %get3A_1353 = tpu.vector_load %arg7[%get3A_1352] {strides = array<i32>} : memref<26624xi32, #tpu.memory_space<vmem>>, vector<16xi32>,
        %gather3A_1354 = tpu.vector_load_idx %arg6[%get3A_1353] : memref<100000xf32, #tpu.memory_space<vmem>>[vector<16xi32>], vector<16xf32>,
        %mul3A_1355 = arith.mulf %gather3A_1354, %gather3A_424 : vector<16xf32>
        %add3A_1356 = arith.addf %add3A_1328, %mul3A_1355 : vector<16xf32>
        %add3A_1357 = arith.constant 12288 : i32
        %add3A_1358 = arith.addi %add3A_1357, %mul3A_1275 : i32
        %get3A_1359 = arith.index_cast %add3A_1358 : i32 to index
        %get3A_1360 = tpu.vector_load %arg7[%get3A_1359] {strides = array<i32>} : memref<26624xi32, #tpu.memory_space<vmem>>, vector<16xi32>,
        %gather3A_1361 = tpu.vector_load_idx %arg6[%get3A_1360] : memref<100000xf32, #tpu.memory_space<vmem>>[vector<16xi32>], vector<16xf32>,
        %mul3A_1362 = arith.mulf %gather3A_1361, %gather3A_436 : vector<16xf32>
        %add3A_1363 = arith.addf %add3A_1335, %mul3A_1362 : vector<16xf32>
        %add3A_1364 = arith.constant 13312 : i32
        %add3A_1365 = arith.addi %add3A_1364, %mul3A_1275 : i32
        %get3A_1366 = arith.index_cast %add3A_1365 : i32 to index
        %get3A_1367 = tpu.vector_load %arg7[%get3A_1366] {strides = array<i32>} : memref<26624xi32, #tpu.memory_space<vmem>>, vector<16xi32>,
        %gather3A_1368 = tpu.vector_load_idx %arg6[%get3A_1367] : memref<100000xf32, #tpu.memory_space<vmem>>[vector<16xi32>], vector<16xf32>,
        %mul3A_1369 = arith.mulf %gather3A_1368, %gather3A_448 : vector<16xf32>
        %add3A_1370 = arith.addf %add3A_1342, %mul3A_1369 : vector<16xf32>
        %add3A_1371 = arith.constant 14336 : i32
        %add3A_1372 = arith.addi %add3A_1371, %mul3A_1275 : i32
        %get3A_1373 = arith.index_cast %add3A_1372 : i32 to index
        %get3A_1374 = tpu.vector_load %arg7[%get3A_1373] {strides = array<i32>} : memref<26624xi32, #tpu.memory_space<vmem>>, vector<16xi32>,
        %gather3A_1375 = tpu.vector_load_idx %arg6[%get3A_1374] : memref<100000xf32, #tpu.memory_space<vmem>>[vector<16xi32>], vector<16xf32>,
        %mul3A_1376 = arith.mulf %gather3A_1375, %gather3A_460 : vector<16xf32>
        %add3A_1377 = arith.addf %add3A_1349, %mul3A_1376 : vector<16xf32>
        %add3A_1378 = arith.constant 15360 : i32
        %add3A_1379 = arith.addi %add3A_1378, %mul3A_1275 : i32
        %get3A_1380 = arith.index_cast %add3A_1379 : i32 to index
        %get3A_1381 = tpu.vector_load %arg7[%get3A_1380] {strides = array<i32>} : memref<26624xi32, #tpu.memory_space<vmem>>, vector<16xi32>,
        %gather3A_1382 = tpu.vector_load_idx %arg6[%get3A_1381] : memref<100000xf32, #tpu.memory_space<vmem>>[vector<16xi32>], vector<16xf32>,
        %mul3A_1383 = arith.mulf %gather3A_1382, %gather3A_472 : vector<16xf32>
        %add3A_1384 = arith.addf %add3A_1356, %mul3A_1383 : vector<16xf32>
        %add3A_1385 = arith.constant 16384 : i32
        %add3A_1386 = arith.addi %add3A_1385, %mul3A_1275 : i32
        %get3A_1387 = arith.index_cast %add3A_1386 : i32 to index
        %get3A_1388 = tpu.vector_load %arg7[%get3A_1387] {strides = array<i32>} : memref<26624xi32, #tpu.memory_space<vmem>>, vector<16xi32>,
        %gather3A_1389 = tpu.vector_load_idx %arg6[%get3A_1388] : memref<100000xf32, #tpu.memory_space<vmem>>[vector<16xi32>], vector<16xf32>,
        %mul3A_1390 = arith.mulf %gather3A_1389, %gather3A_484 : vector<16xf32>
        %add3A_1391 = arith.addf %add3A_1363, %mul3A_1390 : vector<16xf32>
        %add3A_1392 = arith.constant 17408 : i32
        %add3A_1393 = arith.addi %add3A_1392, %mul3A_1275 : i32
        %get3A_1394 = arith.index_cast %add3A_1393 : i32 to index
        %get3A_1395 = tpu.vector_load %arg7[%get3A_1394] {strides = array<i32>} : memref<26624xi32, #tpu.memory_space<vmem>>, vector<16xi32>,
        %gather3A_1396 = tpu.vector_load_idx %arg6[%get3A_1395] : memref<100000xf32, #tpu.memory_space<vmem>>[vector<16xi32>], vector<16xf32>,
        %mul3A_1397 = arith.mulf %gather3A_1396, %gather3A_496 : vector<16xf32>
        %add3A_1398 = arith.addf %add3A_1370, %mul3A_1397 : vector<16xf32>
        %add3A_1399 = arith.constant 18432 : i32
        %add3A_1400 = arith.addi %add3A_1399, %mul3A_1275 : i32
        %get3A_1401 = arith.index_cast %add3A_1400 : i32 to index
        %get3A_1402 = tpu.vector_load %arg7[%get3A_1401] {strides = array<i32>} : memref<26624xi32, #tpu.memory_space<vmem>>, vector<16xi32>,
        %gather3A_1403 = tpu.vector_load_idx %arg6[%get3A_1402] : memref<100000xf32, #tpu.memory_space<vmem>>[vector<16xi32>], vector<16xf32>,
        %mul3A_1404 = arith.mulf %gather3A_1403, %gather3A_508 : vector<16xf32>
        %add3A_1405 = arith.addf %add3A_1377, %mul3A_1404 : vector<16xf32>
        %add3A_1406 = arith.constant 19456 : i32
        %add3A_1407 = arith.addi %add3A_1406, %mul3A_1275 : i32
        %get3A_1408 = arith.index_cast %add3A_1407 : i32 to index
        %get3A_1409 = tpu.vector_load %arg7[%get3A_1408] {strides = array<i32>} : memref<26624xi32, #tpu.memory_space<vmem>>, vector<16xi32>,
        %gather3A_1410 = tpu.vector_load_idx %arg6[%get3A_1409] : memref<100000xf32, #tpu.memory_space<vmem>>[vector<16xi32>], vector<16xf32>,
        %mul3A_1411 = arith.mulf %gather3A_1410, %gather3A_520 : vector<16xf32>
        %add3A_1412 = arith.addf %add3A_1384, %mul3A_1411 : vector<16xf32>
        %add3A_1413 = arith.constant 20480 : i32
        %add3A_1414 = arith.addi %add3A_1413, %mul3A_1275 : i32
        %get3A_1415 = arith.index_cast %add3A_1414 : i32 to index
        %get3A_1416 = tpu.vector_load %arg7[%get3A_1415] {strides = array<i32>} : memref<26624xi32, #tpu.memory_space<vmem>>, vector<16xi32>,
        %gather3A_1417 = tpu.vector_load_idx %arg6[%get3A_1416] : memref<100000xf32, #tpu.memory_space<vmem>>[vector<16xi32>], vector<16xf32>,
        %mul3A_1418 = arith.mulf %gather3A_1417, %gather3A_532 : vector<16xf32>
        %add3A_1419 = arith.addf %add3A_1391, %mul3A_1418 : vector<16xf32>
        %add3A_1420 = arith.constant 21504 : i32
        %add3A_1421 = arith.addi %add3A_1420, %mul3A_1275 : i32
        %get3A_1422 = arith.index_cast %add3A_1421 : i32 to index
        %get3A_1423 = tpu.vector_load %arg7[%get3A_1422] {strides = array<i32>} : memref<26624xi32, #tpu.memory_space<vmem>>, vector<16xi32>,
        %gather3A_1424 = tpu.vector_load_idx %arg6[%get3A_1423] : memref<100000xf32, #tpu.memory_space<vmem>>[vector<16xi32>], vector<16xf32>,
        %mul3A_1425 = arith.mulf %gather3A_1424, %gather3A_544 : vector<16xf32>
        %add3A_1426 = arith.addf %add3A_1398, %mul3A_1425 : vector<16xf32>
        %add3A_1427 = arith.constant 22528 : i32
        %add3A_1428 = arith.addi %add3A_1427, %mul3A_1275 : i32
        %get3A_1429 = arith.index_cast %add3A_1428 : i32 to index
        %get3A_1430 = tpu.vector_load %arg7[%get3A_1429] {strides = array<i32>} : memref<26624xi32, #tpu.memory_space<vmem>>, vector<16xi32>,
        %gather3A_1431 = tpu.vector_load_idx %arg6[%get3A_1430] : memref<100000xf32, #tpu.memory_space<vmem>>[vector<16xi32>], vector<16xf32>,
        %mul3A_1432 = arith.mulf %gather3A_1431, %gather3A_556 : vector<16xf32>
        %add3A_1433 = arith.addf %add3A_1405, %mul3A_1432 : vector<16xf32>
        %add3A_1434 = arith.constant 23552 : i32
        %add3A_1435 = arith.addi %add3A_1434, %mul3A_1275 : i32
        %get3A_1436 = arith.index_cast %add3A_1435 : i32 to index
        %get3A_1437 = tpu.vector_load %arg7[%get3A_1436] {strides = array<i32>} : memref<26624xi32, #tpu.memory_space<vmem>>, vector<16xi32>,
        %gather3A_1438 = tpu.vector_load_idx %arg6[%get3A_1437] : memref<100000xf32, #tpu.memory_space<vmem>>[vector<16xi32>], vector<16xf32>,
        %mul3A_1439 = arith.mulf %gather3A_1438, %gather3A_568 : vector<16xf32>
        %add3A_1440 = arith.addf %add3A_1412, %mul3A_1439 : vector<16xf32>
        %add3A_1441 = arith.constant 24576 : i32
        %add3A_1442 = arith.addi %add3A_1441, %mul3A_1275 : i32
        %get3A_1443 = arith.index_cast %add3A_1442 : i32 to index
        %get3A_1444 = tpu.vector_load %arg7[%get3A_1443] {strides = array<i32>} : memref<26624xi32, #tpu.memory_space<vmem>>, vector<16xi32>,
        %gather3A_1445 = tpu.vector_load_idx %arg6[%get3A_1444] : memref<100000xf32, #tpu.memory_space<vmem>>[vector<16xi32>], vector<16xf32>,
        %mul3A_1446 = arith.mulf %gather3A_1445, %gather3A_580 : vector<16xf32>
        %add3A_1447 = arith.addf %add3A_1419, %mul3A_1446 : vector<16xf32>
        %add3A_1448 = arith.constant 25600 : i32
        %add3A_1449 = arith.addi %add3A_1448, %mul3A_1275 : i32
        %get3A_1450 = arith.index_cast %add3A_1449 : i32 to index
        %get3A_1451 = tpu.vector_load %arg7[%get3A_1450] {strides = array<i32>} : memref<26624xi32, #tpu.memory_space<vmem>>, vector<16xi32>,
        %gather3A_1452 = tpu.vector_load_idx %arg6[%get3A_1451] : memref<100000xf32, #tpu.memory_space<vmem>>[vector<16xi32>], vector<16xf32>,
        %mul3A_1453 = arith.mulf %gather3A_1452, %gather3A_592 : vector<16xf32>
        %add3A_1454 = arith.addf %add3A_1426, %mul3A_1453 : vector<16xf32>
        %add3A_1455 = arith.addf %add3A_1447, %add3A_1454 : vector<16xf32>
        %add3A_1456 = arith.addf %add3A_1433, %add3A_1440 : vector<16xf32>
        %add3A_1457 = arith.addf %add3A_1455, %add3A_1456 : vector<16xf32>
        %swap3A_1458 = arith.index_cast %mul3A_1275 : i32 to index
        %swap3A_1459 = tpu.vector_load %arg9[%swap3A_1458] {strides = array<i32>} : memref<1024xf32, #tpu.memory_space<vmem>>, vector<16xf32>,
        tpu.vector_store %arg9[%swap3A_1458], %add3A_1457 {strides = array<i32>} : memref<1024xf32, #tpu.memory_space<vmem>>, vector<16xf32>,
        %scan3A_1460 = arith.constant 3 : i32
        %scan3A_1461 = arith.addi %scan3A_886, %scan3A_1460 : i32
        %mul3A_1462 = arith.constant 1 : i32
        %mul3A_1463 = arith.muli %scan3A_1461, %mul3A_1462 : i32
        %add3A_1464 = arith.constant 0 : i32
        %add3A_1465 = arith.addi %add3A_1464, %mul3A_1463 : i32
        %mul3A_1466 = arith.constant 16 : i32
        %mul3A_1467 = arith.muli %add3A_1465, %mul3A_1466 : i32
        %add3A_1468 = arith.constant 0 : i32
        %add3A_1469 = arith.addi %add3A_1468, %mul3A_1467 : i32
        %get3A_1470 = arith.index_cast %add3A_1469 : i32 to index
        %get3A_1471 = tpu.vector_load %arg7[%get3A_1470] {strides = array<i32>} : memref<26624xi32, #tpu.memory_space<vmem>>, vector<16xi32>,
        %gather3A_1472 = tpu.vector_load_idx %arg6[%get3A_1471] : memref<100000xf32, #tpu.memory_space<vmem>>[vector<16xi32>], vector<16xf32>,
        %mul3A_1473 = arith.mulf %gather3A_1472, %gather3A_292 : vector<16xf32>
        %add3A_1474 = arith.addf %gather3A_604, %mul3A_1473 : vector<16xf32>
        %add3A_1475 = arith.constant 1024 : i32
        %add3A_1476 = arith.addi %add3A_1475, %mul3A_1467 : i32
        %get3A_1477 = arith.index_cast %add3A_1476 : i32 to index
        %get3A_1478 = tpu.vector_load %arg7[%get3A_1477] {strides = array<i32>} : memref<26624xi32, #tpu.memory_space<vmem>>, vector<16xi32>,
        %gather3A_1479 = tpu.vector_load_idx %arg6[%get3A_1478] : memref<100000xf32, #tpu.memory_space<vmem>>[vector<16xi32>], vector<16xf32>,
        %mul3A_1480 = arith.mulf %gather3A_1479, %gather3A_304 : vector<16xf32>
        %add3A_1481 = arith.constant 2048 : i32
        %add3A_1482 = arith.addi %add3A_1481, %mul3A_1467 : i32
        %get3A_1483 = arith.index_cast %add3A_1482 : i32 to index
        %get3A_1484 = tpu.vector_load %arg7[%get3A_1483] {strides = array<i32>} : memref<26624xi32, #tpu.memory_space<vmem>>, vector<16xi32>,
        %gather3A_1485 = tpu.vector_load_idx %arg6[%get3A_1484] : memref<100000xf32, #tpu.memory_space<vmem>>[vector<16xi32>], vector<16xf32>,
        %mul3A_1486 = arith.mulf %gather3A_1485, %gather3A_316 : vector<16xf32>
        %add3A_1487 = arith.constant 3072 : i32
        %add3A_1488 = arith.addi %add3A_1487, %mul3A_1467 : i32
        %get3A_1489 = arith.index_cast %add3A_1488 : i32 to index
        %get3A_1490 = tpu.vector_load %arg7[%get3A_1489] {strides = array<i32>} : memref<26624xi32, #tpu.memory_space<vmem>>, vector<16xi32>,
        %gather3A_1491 = tpu.vector_load_idx %arg6[%get3A_1490] : memref<100000xf32, #tpu.memory_space<vmem>>[vector<16xi32>], vector<16xf32>,
        %mul3A_1492 = arith.mulf %gather3A_1491, %gather3A_328 : vector<16xf32>
        %add3A_1493 = arith.constant 4096 : i32
        %add3A_1494 = arith.addi %add3A_1493, %mul3A_1467 : i32
        %get3A_1495 = arith.index_cast %add3A_1494 : i32 to index
        %get3A_1496 = tpu.vector_load %arg7[%get3A_1495] {strides = array<i32>} : memref<26624xi32, #tpu.memory_space<vmem>>, vector<16xi32>,
        %gather3A_1497 = tpu.vector_load_idx %arg6[%get3A_1496] : memref<100000xf32, #tpu.memory_space<vmem>>[vector<16xi32>], vector<16xf32>,
        %mul3A_1498 = arith.mulf %gather3A_1497, %gather3A_340 : vector<16xf32>
        %add3A_1499 = arith.addf %add3A_1474, %mul3A_1498 : vector<16xf32>
        %add3A_1500 = arith.constant 5120 : i32
        %add3A_1501 = arith.addi %add3A_1500, %mul3A_1467 : i32
        %get3A_1502 = arith.index_cast %add3A_1501 : i32 to index
        %get3A_1503 = tpu.vector_load %arg7[%get3A_1502] {strides = array<i32>} : memref<26624xi32, #tpu.memory_space<vmem>>, vector<16xi32>,
        %gather3A_1504 = tpu.vector_load_idx %arg6[%get3A_1503] : memref<100000xf32, #tpu.memory_space<vmem>>[vector<16xi32>], vector<16xf32>,
        %mul3A_1505 = arith.mulf %gather3A_1504, %gather3A_352 : vector<16xf32>
        %add3A_1506 = arith.addf %mul3A_1480, %mul3A_1505 : vector<16xf32>
        %add3A_1507 = arith.constant 6144 : i32
        %add3A_1508 = arith.addi %add3A_1507, %mul3A_1467 : i32
        %get3A_1509 = arith.index_cast %add3A_1508 : i32 to index
        %get3A_1510 = tpu.vector_load %arg7[%get3A_1509] {strides = array<i32>} : memref<26624xi32, #tpu.memory_space<vmem>>, vector<16xi32>,
        %gather3A_1511 = tpu.vector_load_idx %arg6[%get3A_1510] : memref<100000xf32, #tpu.memory_space<vmem>>[vector<16xi32>], vector<16xf32>,
        %mul3A_1512 = arith.mulf %gather3A_1511, %gather3A_364 : vector<16xf32>
        %add3A_1513 = arith.addf %mul3A_1486, %mul3A_1512 : vector<16xf32>
        %add3A_1514 = arith.constant 7168 : i32
        %add3A_1515 = arith.addi %add3A_1514, %mul3A_1467 : i32
        %get3A_1516 = arith.index_cast %add3A_1515 : i32 to index
        %get3A_1517 = tpu.vector_load %arg7[%get3A_1516] {strides = array<i32>} : memref<26624xi32, #tpu.memory_space<vmem>>, vector<16xi32>,
        %gather3A_1518 = tpu.vector_load_idx %arg6[%get3A_1517] : memref<100000xf32, #tpu.memory_space<vmem>>[vector<16xi32>], vector<16xf32>,
        %mul3A_1519 = arith.mulf %gather3A_1518, %gather3A_376 : vector<16xf32>
        %add3A_1520 = arith.addf %mul3A_1492, %mul3A_1519 : vector<16xf32>
        %add3A_1521 = arith.constant 8192 : i32
        %add3A_1522 = arith.addi %add3A_1521, %mul3A_1467 : i32
        %get3A_1523 = arith.index_cast %add3A_1522 : i32 to index
        %get3A_1524 = tpu.vector_load %arg7[%get3A_1523] {strides = array<i32>} : memref<26624xi32, #tpu.memory_space<vmem>>, vector<16xi32>,
        %gather3A_1525 = tpu.vector_load_idx %arg6[%get3A_1524] : memref<100000xf32, #tpu.memory_space<vmem>>[vector<16xi32>], vector<16xf32>,
        %mul3A_1526 = arith.mulf %gather3A_1525, %gather3A_388 : vector<16xf32>
        %add3A_1527 = arith.addf %add3A_1499, %mul3A_1526 : vector<16xf32>
        %add3A_1528 = arith.constant 9216 : i32
        %add3A_1529 = arith.addi %add3A_1528, %mul3A_1467 : i32
        %get3A_1530 = arith.index_cast %add3A_1529 : i32 to index
        %get3A_1531 = tpu.vector_load %arg7[%get3A_1530] {strides = array<i32>} : memref<26624xi32, #tpu.memory_space<vmem>>, vector<16xi32>,
        %gather3A_1532 = tpu.vector_load_idx %arg6[%get3A_1531] : memref<100000xf32, #tpu.memory_space<vmem>>[vector<16xi32>], vector<16xf32>,
        %mul3A_1533 = arith.mulf %gather3A_1532, %gather3A_400 : vector<16xf32>
        %add3A_1534 = arith.addf %add3A_1506, %mul3A_1533 : vector<16xf32>
        %add3A_1535 = arith.constant 10240 : i32
        %add3A_1536 = arith.addi %add3A_1535, %mul3A_1467 : i32
        %get3A_1537 = arith.index_cast %add3A_1536 : i32 to index
        %get3A_1538 = tpu.vector_load %arg7[%get3A_1537] {strides = array<i32>} : memref<26624xi32, #tpu.memory_space<vmem>>, vector<16xi32>,
        %gather3A_1539 = tpu.vector_load_idx %arg6[%get3A_1538] : memref<100000xf32, #tpu.memory_space<vmem>>[vector<16xi32>], vector<16xf32>,
        %mul3A_1540 = arith.mulf %gather3A_1539, %gather3A_412 : vector<16xf32>
        %add3A_1541 = arith.addf %add3A_1513, %mul3A_1540 : vector<16xf32>
        %add3A_1542 = arith.constant 11264 : i32
        %add3A_1543 = arith.addi %add3A_1542, %mul3A_1467 : i32
        %get3A_1544 = arith.index_cast %add3A_1543 : i32 to index
        %get3A_1545 = tpu.vector_load %arg7[%get3A_1544] {strides = array<i32>} : memref<26624xi32, #tpu.memory_space<vmem>>, vector<16xi32>,
        %gather3A_1546 = tpu.vector_load_idx %arg6[%get3A_1545] : memref<100000xf32, #tpu.memory_space<vmem>>[vector<16xi32>], vector<16xf32>,
        %mul3A_1547 = arith.mulf %gather3A_1546, %gather3A_424 : vector<16xf32>
        %add3A_1548 = arith.addf %add3A_1520, %mul3A_1547 : vector<16xf32>
        %add3A_1549 = arith.constant 12288 : i32
        %add3A_1550 = arith.addi %add3A_1549, %mul3A_1467 : i32
        %get3A_1551 = arith.index_cast %add3A_1550 : i32 to index
        %get3A_1552 = tpu.vector_load %arg7[%get3A_1551] {strides = array<i32>} : memref<26624xi32, #tpu.memory_space<vmem>>, vector<16xi32>,
        %gather3A_1553 = tpu.vector_load_idx %arg6[%get3A_1552] : memref<100000xf32, #tpu.memory_space<vmem>>[vector<16xi32>], vector<16xf32>,
        %mul3A_1554 = arith.mulf %gather3A_1553, %gather3A_436 : vector<16xf32>
        %add3A_1555 = arith.addf %add3A_1527, %mul3A_1554 : vector<16xf32>
        %add3A_1556 = arith.constant 13312 : i32
        %add3A_1557 = arith.addi %add3A_1556, %mul3A_1467 : i32
        %get3A_1558 = arith.index_cast %add3A_1557 : i32 to index
        %get3A_1559 = tpu.vector_load %arg7[%get3A_1558] {strides = array<i32>} : memref<26624xi32, #tpu.memory_space<vmem>>, vector<16xi32>,
        %gather3A_1560 = tpu.vector_load_idx %arg6[%get3A_1559] : memref<100000xf32, #tpu.memory_space<vmem>>[vector<16xi32>], vector<16xf32>,
        %mul3A_1561 = arith.mulf %gather3A_1560, %gather3A_448 : vector<16xf32>
        %add3A_1562 = arith.addf %add3A_1534, %mul3A_1561 : vector<16xf32>
        %add3A_1563 = arith.constant 14336 : i32
        %add3A_1564 = arith.addi %add3A_1563, %mul3A_1467 : i32
        %get3A_1565 = arith.index_cast %add3A_1564 : i32 to index
        %get3A_1566 = tpu.vector_load %arg7[%get3A_1565] {strides = array<i32>} : memref<26624xi32, #tpu.memory_space<vmem>>, vector<16xi32>,
        %gather3A_1567 = tpu.vector_load_idx %arg6[%get3A_1566] : memref<100000xf32, #tpu.memory_space<vmem>>[vector<16xi32>], vector<16xf32>,
        %mul3A_1568 = arith.mulf %gather3A_1567, %gather3A_460 : vector<16xf32>
        %add3A_1569 = arith.addf %add3A_1541, %mul3A_1568 : vector<16xf32>
        %add3A_1570 = arith.constant 15360 : i32
        %add3A_1571 = arith.addi %add3A_1570, %mul3A_1467 : i32
        %get3A_1572 = arith.index_cast %add3A_1571 : i32 to index
        %get3A_1573 = tpu.vector_load %arg7[%get3A_1572] {strides = array<i32>} : memref<26624xi32, #tpu.memory_space<vmem>>, vector<16xi32>,
        %gather3A_1574 = tpu.vector_load_idx %arg6[%get3A_1573] : memref<100000xf32, #tpu.memory_space<vmem>>[vector<16xi32>], vector<16xf32>,
        %mul3A_1575 = arith.mulf %gather3A_1574, %gather3A_472 : vector<16xf32>
        %add3A_1576 = arith.addf %add3A_1548, %mul3A_1575 : vector<16xf32>
        %add3A_1577 = arith.constant 16384 : i32
        %add3A_1578 = arith.addi %add3A_1577, %mul3A_1467 : i32
        %get3A_1579 = arith.index_cast %add3A_1578 : i32 to index
        %get3A_1580 = tpu.vector_load %arg7[%get3A_1579] {strides = array<i32>} : memref<26624xi32, #tpu.memory_space<vmem>>, vector<16xi32>,
        %gather3A_1581 = tpu.vector_load_idx %arg6[%get3A_1580] : memref<100000xf32, #tpu.memory_space<vmem>>[vector<16xi32>], vector<16xf32>,
        %mul3A_1582 = arith.mulf %gather3A_1581, %gather3A_484 : vector<16xf32>
        %add3A_1583 = arith.addf %add3A_1555, %mul3A_1582 : vector<16xf32>
        %add3A_1584 = arith.constant 17408 : i32
        %add3A_1585 = arith.addi %add3A_1584, %mul3A_1467 : i32
        %get3A_1586 = arith.index_cast %add3A_1585 : i32 to index
        %get3A_1587 = tpu.vector_load %arg7[%get3A_1586] {strides = array<i32>} : memref<26624xi32, #tpu.memory_space<vmem>>, vector<16xi32>,
        %gather3A_1588 = tpu.vector_load_idx %arg6[%get3A_1587] : memref<100000xf32, #tpu.memory_space<vmem>>[vector<16xi32>], vector<16xf32>,
        %mul3A_1589 = arith.mulf %gather3A_1588, %gather3A_496 : vector<16xf32>
        %add3A_1590 = arith.addf %add3A_1562, %mul3A_1589 : vector<16xf32>
        %add3A_1591 = arith.constant 18432 : i32
        %add3A_1592 = arith.addi %add3A_1591, %mul3A_1467 : i32
        %get3A_1593 = arith.index_cast %add3A_1592 : i32 to index
        %get3A_1594 = tpu.vector_load %arg7[%get3A_1593] {strides = array<i32>} : memref<26624xi32, #tpu.memory_space<vmem>>, vector<16xi32>,
        %gather3A_1595 = tpu.vector_load_idx %arg6[%get3A_1594] : memref<100000xf32, #tpu.memory_space<vmem>>[vector<16xi32>], vector<16xf32>,
        %mul3A_1596 = arith.mulf %gather3A_1595, %gather3A_508 : vector<16xf32>
        %add3A_1597 = arith.addf %add3A_1569, %mul3A_1596 : vector<16xf32>
        %add3A_1598 = arith.constant 19456 : i32
        %add3A_1599 = arith.addi %add3A_1598, %mul3A_1467 : i32
        %get3A_1600 = arith.index_cast %add3A_1599 : i32 to index
        %get3A_1601 = tpu.vector_load %arg7[%get3A_1600] {strides = array<i32>} : memref<26624xi32, #tpu.memory_space<vmem>>, vector<16xi32>,
        %gather3A_1602 = tpu.vector_load_idx %arg6[%get3A_1601] : memref<100000xf32, #tpu.memory_space<vmem>>[vector<16xi32>], vector<16xf32>,
        %mul3A_1603 = arith.mulf %gather3A_1602, %gather3A_520 : vector<16xf32>
        %add3A_1604 = arith.addf %add3A_1576, %mul3A_1603 : vector<16xf32>
        %add3A_1605 = arith.constant 20480 : i32
        %add3A_1606 = arith.addi %add3A_1605, %mul3A_1467 : i32
        %get3A_1607 = arith.index_cast %add3A_1606 : i32 to index
        %get3A_1608 = tpu.vector_load %arg7[%get3A_1607] {strides = array<i32>} : memref<26624xi32, #tpu.memory_space<vmem>>, vector<16xi32>,
        %gather3A_1609 = tpu.vector_load_idx %arg6[%get3A_1608] : memref<100000xf32, #tpu.memory_space<vmem>>[vector<16xi32>], vector<16xf32>,
        %mul3A_1610 = arith.mulf %gather3A_1609, %gather3A_532 : vector<16xf32>
        %add3A_1611 = arith.addf %add3A_1583, %mul3A_1610 : vector<16xf32>
        %add3A_1612 = arith.constant 21504 : i32
        %add3A_1613 = arith.addi %add3A_1612, %mul3A_1467 : i32
        %get3A_1614 = arith.index_cast %add3A_1613 : i32 to index
        %get3A_1615 = tpu.vector_load %arg7[%get3A_1614] {strides = array<i32>} : memref<26624xi32, #tpu.memory_space<vmem>>, vector<16xi32>,
        %gather3A_1616 = tpu.vector_load_idx %arg6[%get3A_1615] : memref<100000xf32, #tpu.memory_space<vmem>>[vector<16xi32>], vector<16xf32>,
        %mul3A_1617 = arith.mulf %gather3A_1616, %gather3A_544 : vector<16xf32>
        %add3A_1618 = arith.addf %add3A_1590, %mul3A_1617 : vector<16xf32>
        %add3A_1619 = arith.constant 22528 : i32
        %add3A_1620 = arith.addi %add3A_1619, %mul3A_1467 : i32
        %get3A_1621 = arith.index_cast %add3A_1620 : i32 to index
        %get3A_1622 = tpu.vector_load %arg7[%get3A_1621] {strides = array<i32>} : memref<26624xi32, #tpu.memory_space<vmem>>, vector<16xi32>,
        %gather3A_1623 = tpu.vector_load_idx %arg6[%get3A_1622] : memref<100000xf32, #tpu.memory_space<vmem>>[vector<16xi32>], vector<16xf32>,
        %mul3A_1624 = arith.mulf %gather3A_1623, %gather3A_556 : vector<16xf32>
        %add3A_1625 = arith.addf %add3A_1597, %mul3A_1624 : vector<16xf32>
        %add3A_1626 = arith.constant 23552 : i32
        %add3A_1627 = arith.addi %add3A_1626, %mul3A_1467 : i32
        %get3A_1628 = arith.index_cast %add3A_1627 : i32 to index
        %get3A_1629 = tpu.vector_load %arg7[%get3A_1628] {strides = array<i32>} : memref<26624xi32, #tpu.memory_space<vmem>>, vector<16xi32>,
        %gather3A_1630 = tpu.vector_load_idx %arg6[%get3A_1629] : memref<100000xf32, #tpu.memory_space<vmem>>[vector<16xi32>], vector<16xf32>,
        %mul3A_1631 = arith.mulf %gather3A_1630, %gather3A_568 : vector<16xf32>
        %add3A_1632 = arith.addf %add3A_1604, %mul3A_1631 : vector<16xf32>
        %add3A_1633 = arith.constant 24576 : i32
        %add3A_1634 = arith.addi %add3A_1633, %mul3A_1467 : i32
        %get3A_1635 = arith.index_cast %add3A_1634 : i32 to index
        %get3A_1636 = tpu.vector_load %arg7[%get3A_1635] {strides = array<i32>} : memref<26624xi32, #tpu.memory_space<vmem>>, vector<16xi32>,
        %gather3A_1637 = tpu.vector_load_idx %arg6[%get3A_1636] : memref<100000xf32, #tpu.memory_space<vmem>>[vector<16xi32>], vector<16xf32>,
        %mul3A_1638 = arith.mulf %gather3A_1637, %gather3A_580 : vector<16xf32>
        %add3A_1639 = arith.addf %add3A_1611, %mul3A_1638 : vector<16xf32>
        %add3A_1640 = arith.constant 25600 : i32
        %add3A_1641 = arith.addi %add3A_1640, %mul3A_1467 : i32
        %get3A_1642 = arith.index_cast %add3A_1641 : i32 to index
        %get3A_1643 = tpu.vector_load %arg7[%get3A_1642] {strides = array<i32>} : memref<26624xi32, #tpu.memory_space<vmem>>, vector<16xi32>,
        %gather3A_1644 = tpu.vector_load_idx %arg6[%get3A_1643] : memref<100000xf32, #tpu.memory_space<vmem>>[vector<16xi32>], vector<16xf32>,
        %mul3A_1645 = arith.mulf %gather3A_1644, %gather3A_592 : vector<16xf32>
        %add3A_1646 = arith.addf %add3A_1618, %mul3A_1645 : vector<16xf32>
        %add3A_1647 = arith.addf %add3A_1639, %add3A_1646 : vector<16xf32>
        %add3A_1648 = arith.addf %add3A_1625, %add3A_1632 : vector<16xf32>
        %add3A_1649 = arith.addf %add3A_1647, %add3A_1648 : vector<16xf32>
        %swap3A_1650 = arith.index_cast %mul3A_1467 : i32 to index
        %swap3A_1651 = tpu.vector_load %arg9[%swap3A_1650] {strides = array<i32>} : memref<1024xf32, #tpu.memory_space<vmem>>, vector<16xf32>,
        tpu.vector_store %arg9[%swap3A_1650], %add3A_1649 {strides = array<i32>} : memref<1024xf32, #tpu.memory_space<vmem>>, vector<16xf32>,
      }
      %scan3A_885 = arith.constant 64 : i32
      "tpu.region"() ({
        %run_scoped3A = tpu.sem_alloc : memref<!tpu.dma_semaphore, #tpu.memory_space<semaphore_mem>>
        %dma_start3A_886 = tpu.memref_slice %arg5[%mul3A_4] : memref<16384xf32, #tpu.memory_space<hbm>> -> memref<1024xf32, #tpu.memory_space<hbm>>
        %dma_start3A_887 = tpu.memref_slice %arg5[%mul3A_4] : memref<16384xf32, #tpu.memory_space<hbm>> -> memref<1024xf32, #tpu.memory_space<hbm>>
        tpu.enqueue_dma source(%arg9 : memref<1024xf32, #tpu.memory_space<vmem>>) target(%dma_start3A_887 : memref<1024xf32, #tpu.memory_space<hbm>>) target_semaphore(%run_scoped3A : memref<!tpu.dma_semaphore, #tpu.memory_space<semaphore_mem>>)
        %dma_wait3A_888 = tpu.memref_slice %arg5[%mul3A_4] : memref<16384xf32, #tpu.memory_space<hbm>> -> memref<1024xf32, #tpu.memory_space<hbm>>
        %dma_wait3A_889 = tpu.memref_slice %arg5[%mul3A_4] : memref<16384xf32, #tpu.memory_space<hbm>> -> memref<1024xf32, #tpu.memory_space<hbm>>
        tpu.wait_dma2 semaphore(%run_scoped3A : memref<!tpu.dma_semaphore, #tpu.memory_space<semaphore_mem>>) src(%arg9 : memref<1024xf32, #tpu.memory_space<vmem>>) dst(%dma_wait3A_889 : memref<1024xf32, #tpu.memory_space<hbm>>)
        tpu.yield
      }) : () -> ()
    } else {
    }
    return
  }
}

</mosaic_0001>

<sc_bundles>
// kernel: kernel.3.cloned.1.call-start
scs
__scs_entry_jumppad:
0x0: {  	(pc) =	sbr.rel $0x88, $3  }
0x1: {  	(tag) =	ssettag $0x0;
	lr =	simm.s32 $0x1  }
0x2: {  	[smem:$0x3F9D] =	sst lr;
	_ =	strace $0xD0000000  }
0x3: {  	_ = 	snop  }
0x4: {  	_ = 	snop  }
0x5: {  	_ = 	snop  }
0x6: {  	_ = 	snop  }
0x7: {  	_ = 	snop  }
__scs_overlays_trampoline_lowered:
0x8: {  	[smem:$0x3FAC] =	sst s0  }
0x9: {  	[smem:$0x3FAD] =	sst s1  }
0xa: {  	[smem:$0x3FAE] =	sst s2  }
0xb: {  	[smem:$0x3FAF] =	sst s3  }
0xc: {  	[smem:$0x3FB0] =	sst s4  }
0xd: {  	[smem:$0x3FB1] =	sst s5  }
0xe: {  	[smem:$0x3FB2] =	sst s6  }
0xf: {  	[smem:$0x3FB3] =	sst s7  }
0x10: {  	[smem:$0x3FB4] =	sst s8  }
0x11: {  	[smem:$0x3FB5] =	sst s9;
	s0 =	simm.s32 @!p0 $0x0  }
0x12: {  	s1 =	sld [smem:$0x3F9B];
	s0 =	simm.s32 @p0 $0x1  }
0x13: {  	[smem:$0x3FB6] =	sst s0;
	s0 =	simm.s32 @!p1 $0x0  }
0x14: {  	s2 =	sld [smem:$0x3F9A];
	s0 =	simm.s32 @p1 $0x1  }
0x15: {  	[smem:$0x3FB7] =	sst s0;
	s0 =	simm.s32 @!p2 $0x0  }
0x16: {  	s3 =	sld [smem:$0x3FDB];
	s0 =	simm.s32 @p2 $0x1  }
0x17: {  	s4 =	simm.s32 $0x1BF5;
	[smem:$0x3FB9] =	sst s0  }
0x18: {  	s0 =	sld [smem:$0x3F9C];
	_ =	swait.ge [sflag:s4], $0x0  }
0x19: {  	s7 =	sld [smem:$0x3F9D]  }
0x1a: {  	s8 =	sadd.s32 $0xFFFFE003, lr  }
0x1b: {  	s9 =	sadd.s32 $0xFFFFFEF7, lr;
	s5 =	simm.s32 $0xFFFFFFFF;
	p2 =	slt.u32 s8, $0xFFFFF086  }
0x1c: {  	p1 =	slt.u32 s9, $0xF7A;
	s5 =	simm.s32 @!p2 $0x0  }
0x1d: {  	s5 =	simm.s32 @p1 $0x1;
	p0 =	seq.s32 s7, s2  }
0x1e: {  	s7 =	smul.u32 @!p0 $0xF7A, s2;
	p2 =	seq.s32 @!p0 s5, $0x0  }
0x1f: {  	s9 =	smul.u32 $0xF7A, s1;
	s8 =	simm.s32 @!p0 $0x1BF5;
	p2 =	por !p2, p0  }
0x20: {  	[sflag:s8] =	ssyncset.s32 @!p0 $0xFFFFF086;
	s6 =	sadd.s32 @!p0 s3, s7;
	s7 =	simm.s32 @!p0 $0x108  }
0x21: {  	s3 =	sadd.s32 s3, s9;
	s6 =	sadd.s32 @!p0 $0x88, s6;
	s7 =	simm.s32 @p2 $0x1082  }
0x22: {  	[simem:s7], [sflag:s8] =	dma.local @!p0 [hbm:s6], $0xF7A  }
0x23: {  	s9 =	sor.u32 $0xD0000000, s2;
	s6 =	simm.s32 $0x108;
	_ =	swait.ge @!p0 [sflag:s8], $0x0  }
0x24: {  	s3 =	sadd.s32 $0x88, s3;
	s6 =	simm.s32 @!p1 $0x1082;
	[sflag:s4] =	ssyncset.s32 $0xFFFFF086  }
0x25: {  	[simem:s6], [sflag:s4] =	dma.local [hbm:s3], $0xF7A  }
0x26: {  	[smem:$0x3F9D] =	sst s1;
	(tag) =	ssettag s2;
	_ =	strace s9  }
0x27: {  	s1 =	sld [smem:$0x3FAD]  }
0x28: {  	s2 =	sld [smem:$0x3FAE]  }
0x29: {  	s4 =	sld [smem:$0x3FB0]  }
0x2a: {  	p0 =	seq.s32 s5, $0x0;
	s5 =	sld [smem:$0x3FB1]  }
0x2b: {  	s6 =	sld [smem:$0x3FB2]  }
0x2c: {  	s7 =	sld [smem:$0x3FB3]  }
0x2d: {  	s3 =	simm.s32 $0x108;
	s8 =	sld [smem:$0x3FB4]  }
0x2e: {  	s3 =	simm.s32 @!p0 $0x1082;
	s9 =	sld [smem:$0x3FB5]  }
0x2f: {  	lr =	sadd.s32 s0, s3;
	s0 =	sld [smem:$0x3FAC]  }
0x30: {  	s3 =	sld [smem:$0x3FAF]  }
0x31: {  	[smem:$0x3FB8] =	sst s10  }
0x32: {  	s10 =	sld [smem:$0x3FB6];
	_ =	sdelay $0x3  }
0x33: {  	p0 =	seq.s32 s10, $0x1;
	s10 =	sld [smem:$0x3FB8];
	_ =	sdelay $0x3  }
0x34: {  	[smem:$0x3FB8] =	sst s10  }
0x35: {  	s10 =	sld [smem:$0x3FB7];
	_ =	sdelay $0x3  }
0x36: {  	p1 =	seq.s32 s10, $0x1;
	s10 =	sld [smem:$0x3FB8];
	_ =	sdelay $0x3  }
0x37: {  	[smem:$0x3FB8] =	sst s10  }
0x38: {  	s10 =	sld [smem:$0x3FB9]  }
0x39: {  	_ = 	snop;
	(pc) =	sbr.ind lr, $3  }
0x3a: {  	_ = 	snop  }
0x3b: {  	_ = 	snop  }
0x3c: {  	p2 =	seq.s32 s10, $0x1;
	s10 =	sld [smem:$0x3FB8]  }
0x3d: {  	_ =	shalt  }
0x3e: {  	_ =	shalt  }
0x3f: {  	_ =	shalt  }
0x40: {  	_ =	shalt  }
0x41: {  	_ =	shalt  }
0x42: {  	_ =	shalt  }
0x43: {  	_ =	shalt  }
0x44: {  	_ =	shalt  }
0x45: {  	_ =	shalt  }
0x46: {  	_ =	shalt  }
0x47: {  	_ =	shalt  }
0x48: {  	_ =	shalt  }
0x49: {  	_ =	shalt  }
0x4a: {  	_ =	shalt  }
0x4b: {  	_ =	shalt  }
0x4c: {  	_ =	shalt  }
0x4d: {  	_ =	shalt  }
0x4e: {  	_ =	shalt  }
0x4f: {  	_ =	shalt  }
0x50: {  	_ =	shalt  }
0x51: {  	_ =	shalt  }
0x52: {  	_ =	shalt  }
0x53: {  	_ =	shalt  }
0x54: {  	_ =	shalt  }
0x55: {  	_ =	shalt  }
0x56: {  	_ =	shalt  }
0x57: {  	_ =	shalt  }
0x58: {  	_ =	shalt  }
0x59: {  	_ =	shalt  }
0x5a: {  	_ =	shalt  }
0x5b: {  	_ =	shalt  }
0x5c: {  	_ =	shalt  }
0x5d: {  	_ =	shalt  }
0x5e: {  	_ =	shalt  }
0x5f: {  	_ =	shalt  }
0x60: {  	_ =	shalt  }
0x61: {  	_ =	shalt  }
0x62: {  	_ =	shalt  }
0x63: {  	_ =	shalt  }
0x64: {  	_ =	shalt  }
0x65: {  	_ =	shalt  }
0x66: {  	_ =	shalt  }
0x67: {  	_ =	shalt  }
0x68: {  	_ =	shalt  }
0x69: {  	_ =	shalt  }
0x6a: {  	_ =	shalt  }
0x6b: {  	_ =	shalt  }
0x6c: {  	_ =	shalt  }
0x6d: {  	_ =	shalt  }
0x6e: {  	_ =	shalt  }
0x6f: {  	_ =	shalt  }
0x70: {  	_ =	shalt  }
0x71: {  	_ =	shalt  }
0x72: {  	_ =	shalt  }
0x73: {  	_ =	shalt  }
0x74: {  	_ =	shalt  }
0x75: {  	_ =	shalt  }
0x76: {  	_ =	shalt  }
0x77: {  	_ =	shalt  }
0x78: {  	_ =	shalt  }
0x79: {  	_ =	shalt  }
0x7a: {  	_ =	shalt  }
0x7b: {  	_ =	shalt  }
0x7c: {  	_ =	shalt  }
0x7d: {  	_ =	shalt  }
0x7e: {  	_ =	shalt  }
0x7f: {  	_ =	shalt  }
0x80: {  	_ =	shalt  }
0x81: {  	_ =	shalt  }
0x82: {  	_ =	shalt  }
0x83: {  	_ =	shalt  }
0x84: {  	_ =	shalt  }
0x85: {  	_ =	shalt  }
0x86: {  	_ =	shalt  }
0x87: {  	_ =	shalt  }
.Lfunc_end0:
.L_simem_size_0:
called_computation_lowered:
.L_overlay_start_0:
0x88: {  	s2 =	sld [smem:$0x3FD9]  }
0x89: {  	s3 =	sld [smem:$0x3FFE];
	_ =	sdelay $0x1  }
0x8a: {  	s1 =	srdreg.scid  }
0x8b: {  	s0 =	sand.u32 $0x1, s1  }
0x8c: {  	s17 =	sshll.u32 s0, $0xA;
	s2 =	sadd.s32 s3, s2  }
0x8d: {  	s2 =	sadd.s32 s2, s17  }
0x8e: {  	[smem:$0x3FC4] =	sst s2  }
0x8f: {  	_ = 	snop  }
0x90: {  	s2 =	sld [smem:$0x3FC9]  }
0x91: {  	s18 =	sld [smem:$0x3FC8]  }
0x92: {  	s4 =	sld [smem:$0x3FD0];
	(tm) =	ssettm $0x1  }
0x93: {  	s5 =	sld [smem:$0x3FFB];
	_ =	sdelay $0x3  }
0x94: {  	_ =	strace s5  }
0x95: {  	s5 =	sld [smem:$0x3FFC];
	_ =	sdelay $0x3  }
0x96: {  	_ =	strace s5  }
0x97: {  	s5 =	sld [smem:$0x3FFD];
	_ =	sdelay $0x3  }
0x98: {  	_ =	strace s5  }
0x99: {  	_ =	strace $0x8FFFFFFF  }
0x9a: {  	s19 =	sld [smem:$0x3FDB];
	_ =	sdelay $0x1  }
0x9b: {  	s6 =	simm.s32 $_scs_section_size  }
0x9c: {  	s7 =	simm.s32 $_size__tile_overlayer_lowered;
	s8 =	simm.s32 $_tile_overlayer_lowered  }
0x9d: {  	s22 =	simm.s32 $0x1BFF;
	s21 =	sshll.u32 s8, $0x1;
	s5 =	sadd.s32 s6, s19  }
0x9e: {  	s9 =	simm.s32 $0x0;
	s20 =	sshll.u32 s7, $0x1;
	s7 =	sadd.s32 s21, s5  }
0x9f: {  	[timem:s9], [sflag:s22] =	dma.local [hbm:s7], s20  }
0xa0: {  	_ =	swait.ge [sflag:s22], s20  }
0xa1: {  	s6 =	ssub.s32 $0x0, s20;
	[sflag:s22] =	ssyncset.done $0x0  }
0xa2: {  	[sflag:s22] =	ssyncadd.s32 s6;
	_ =	sdelay $0x1  }
0xa3: {  	s23 =	simm.s32 $0x1B8B  }
0xa4: {  	_ =	swait.ge [sflag:s23], $0x1  }
0xa5: {  	[sflag:s23] =	ssyncset.done $0x0  }
0xa6: {  	s25 =	simm.s32 $0x1B8E;
	s24 =	sld [smem:$0x3FFE];
	[sflag:s23] =	ssyncadd.s32 $0xFFFFFFFF  }
0xa7: {  	s26 =	simm.s32 $execute0_lowered;
	[smem:$0x3FD2] =	sst s25  }
0xa8: {  	s7 =	sshll.u32 s26, $0x1;
	_ =	strace $0x80000046;
	[dreg:$0x1] =	wrdreg $0xFFFFFFFF  }
0xa9: {  	s28 =	simm.s32 $_size_execute0_lowered;
	s5 =	sadd.s32 s5, s7;
	[dreg:$0x0] =	wrdreg $0x0  }
0xaa: {  	s7 =	sshll.u32 s28, $0x1;
	[dreg:$0x2] =	wrdreg s5  }
0xab: {  	[dreg:$0x3] =	wrdreg s7  }
0xac: {  	[dreg:$0x4] =	wrdreg $0xC0  }
0xad: {  	_ =	task [dreg:s9], $0x5FFFF  }
0xae: {  	[dreg:$0x1] =	wrdreg $0xFFFFFFFF  }
0xaf: {  	[dreg:$0x0] =	wrdreg $0x60  }
0xb0: {  	[dreg:$0x2] =	wrdreg s2  }
0xb1: {  	[dreg:$0x3] =	wrdreg s18  }
0xb2: {  	[dreg:$0x4] =	wrdreg s24  }
0xb3: {  	[dreg:$0x5] =	wrdreg s4  }
0xb4: {  	[dreg:$0x6] =	wrdreg $0x9  }
0xb5: {  	_ =	task.clear_ibuf [dreg:s9], $0x7FFFF;
	_ =	strace $0x90000046  }
0xb6: {  	s29 =	simm.s32 $0x9;
	_ =	strace $0x80000048  }
0xb7: {  	_ =	swait.ge [sflag:s29], $0x1  }
0xb8: {  	[sflag:s29] =	ssyncadd.s32 $0xFFFFFFFF  }
0xb9: {  	_ =	strace $0x90000048  }
0xba: {  	_ =	sfence  }
0xbb: {  	s30 =	sld [smem:$0x0];
	_ =	sdelay $0x2  }
0xbc: {  	s31 =	sshll.u32 s1, $0xD;
	s1 =	sshrl.u32 s1, $0x2  }
0xbd: {  	s3 =	sand.u32 $0x4000, s31;
	s1 =	sadd.s32 s1, s30  }
0xbe: {  	s0 =	sor.u32 s3, s0;
	s1 =	sshll.u32 s1, $0x11  }
0xbf: {  	s0 =	sor.u32 s1, s0  }
0xc0: {  	s0 =	sadd.s32 $0x8F2B, s0  }
0xc1: {  	[sflag:s0] =	ssyncadd.remote.s32 $0x1  }
0xc2: {  	_ =	sfence.sel $0xFFFF  }
0xc3: {  	[dreg:$0x0] =	wrdreg $0xFFFFFFFF;
	(pc) =	sbr.abs _section_cstart, $3  }
0xc4: {  	[dreg:$0x1] =	wrdreg $0xFFFFFFFF  }
0xc5: {  	_ =	task.clear_ibuf [dreg:s9], $0x2FFFF;
	_ =	strace $0x9FFFFFFF  }
0xc6: {  	(tm) =	ssettm $0x7FFFFFFF  }
0xc7: {  	_ =	shalt  }
tec
execute0_lowered:
.L_overlay_start_1:
0x0: {  	(tag) =	ssettag $0x1  }
0x1: {  	s4 =	stileid.u32  }
0x2: {  	p0 =	sgt.u32 s4, $0x7  }
.Ltmp0:
0x3: {  	_ = 	snop;
	(pc) =	sbr.rel @p0 .LBB2_5-.Ltmp0, $4  }
0x4: {  	s0 =	rddreg [dreg:$0x0]  }
0x5: {  	s2 =	rddreg [dreg:$0x2];
	s3 =	simm.s32 $0x0  }
0x6: {  	[smem:$0x7FF] =	sst s3  }
0x7: {  	s1 =	rddreg [dreg:$0x3];
	_ =	strace $0x80000047  }
0x8: {  	s4 =	srdreg.scid  }
0x9: {  	s5 =	stileid.u32;
	s2 =	sadd.s32 $0x400, s2;
	s4 =	sand.u32 $0x1, s4  }
0xa: {  	s18 =	rddreg [dreg:$0x1];
	s5 =	sshll.u32 s5, $0xB;
	s6 =	sshll.u32 s4, $0xA  }
0xb: {  	[dreg:$0x5] =	wrdreg s2;
	s4 =	ssub.s32 $0x2, s4;
	s26 =	sor.u32 s6, s5  }
0xc: {  	s7 =	sshrl.u32 s4, $0x1;
	s6 =	sshrl.u32 s26, $0x3;
	s5 =	sadd.s32 s0, s26  }
0xd: {  	s4 =	ssub.s32 s4, s7;
	s2 =	sadd.s32 s1, s6;
	s6 =	sadd.s32 $0xC010, s5  }
0xe: {  	s7 =	sadd.s32 $0xC000, s5;
	s8 =	sadd.s32 $0x8070, s5;
	[dreg:$0x6] =	wrdreg s2  }
0xf: {  	s9 =	sadd.s32 $0x8060, s5;
	s10 =	sadd.s32 $0x8050, s5;
	[dreg:$0x7] =	wrdreg s6  }
0x10: {  	s11 =	sadd.s32 $0x8040, s5;
	s12 =	sadd.s32 $0x8030, s5;
	[dreg:$0x8] =	wrdreg s7  }
0x11: {  	s13 =	sadd.s32 $0x8020, s5;
	s14 =	sadd.s32 $0x8010, s5;
	[dreg:$0x9] =	wrdreg s8  }
0x12: {  	s15 =	sadd.s32 $0x8000, s5;
	s16 =	sadd.s32 $0x4070, s5;
	[dreg:$0xa] =	wrdreg s9  }
0x13: {  	s17 =	sadd.s32 $0x4060, s5;
	s19 =	sadd.s32 $0x4050, s5;
	[dreg:$0xb] =	wrdreg s10  }
0x14: {  	s20 =	sadd.s32 $0x4040, s5;
	s21 =	sadd.s32 $0x4030, s5;
	[dreg:$0xc] =	wrdreg s11  }
0x15: {  	s22 =	sadd.s32 $0x4020, s5;
	s23 =	sadd.s32 $0x4010, s5;
	[dreg:$0xd] =	wrdreg s12  }
0x16: {  	s24 =	sadd.s32 $0x4000, s5;
	s25 =	sadd.s32 $0x70, s5;
	[dreg:$0xe] =	wrdreg s13  }
0x17: {  	s26 =	sadd.s32 $0x60, s5;
	s28 =	sadd.s32 $0x50, s5;
	[dreg:$0xf] =	wrdreg s14  }
0x18: {  	s29 =	sadd.s32 $0x40, s5;
	s30 =	smax.u32 s4, $0x1;
	[dreg:$0x10] =	wrdreg s15  }
0x19: {  	s31 =	sadd.s32 $0x30, s5;
	s0 =	sadd.s32 $0x20, s5;
	[dreg:$0x11] =	wrdreg s16  }
0x1a: {  	v0 =	vimm.s32 $0x0;
	v1 =	vimm.s32 $0x1;
	s1 =	sadd.s32 $0x24C0, s18;
	s4 =	sadd.s32 $0x1880, s18;
	[dreg:$0x12] =	wrdreg s17  }
0x1b: {  	v2 =	vimm.s32 $0x2;
	v3 =	vimm.s32 $0x3;
	v4 =	vimm.s32 $0x4;
	s2 =	sadd.s32 $0x10, s5;
	s6 =	sadd.s32 $0xC40, s18;
	s7 =	simm.s32 $0x80  }
0x1c: {  	v5 =	vimm.s32 $0x5;
	v6 =	vimm.s32 $0x6;
	v7 =	vimm.s32 $0x7;
	s8 =	simm.s32 $0x400;
	s9 =	simm.s32 $0x3;
	s10 =	simm.s32 $0x2  }
0x1d: {  	v8 =	vimm.s32 $0x8;
	v9 =	vimm.s32 $0x9;
	v10 =	vimm.s32 $0xA;
	s11 =	simm.s32 $0x1;
	s12 =	simm.s32 $0x4;
	s13 =	simm.s32 $0x0  }
.LBB2_2:
0x1e: {  	s14 =	simm.s32 $0x0;
	s15 =	rddreg [dreg:$0x1]  }
0x1f: {  	[tilespmem:s14], [sflag:$0x1] =	stream.linear.gather [hbm4b:s15+s14], $0x6200, $0x38;
	[tilespmem:$0x1F380] =	vst v63  }
0x20: {  	s16 =	simm.s32 $0x6200  }
0x21: {  	[tilespmem:s16], [sflag:$0x1] =	stream.linear.gather [hbm4b:s6+s14], $0x6200, $0x38;
	[tilespmem:$0x1F380] =	vst v63  }
0x22: {  	s17 =	simm.s32 $0xC400  }
0x23: {  	[tilespmem:s17], [sflag:$0x1] =	stream.linear.gather [hbm4b:s4+s14], $0x6200, $0x38;
	[tilespmem:$0x1F380] =	vst v63  }
0x24: {  	s18 =	simm.s32 $0x12600  }
0x25: {  	[tilespmem:s18], [sflag:$0x1] =	stream.linear.gather [hbm4b:s1+s14], $0x60A0, $0x38;
	[tilespmem:$0x1F380] =	vst v63  }
0x26: {  	s16 =	simm.s32 $0x18700  }
0x27: {  	[tilespmem:s16], [sflag:$0x2] =	stream.strided.gather [hbm4b:s5+s7], $0x400, s8, s7, $0x38;
	[tilespmem:$0x1F380] =	vst v63  }
0x28: {  	s17 =	simm.s32 $0x18B00  }
0x29: {  	[tilespmem:s17], [sflag:$0x2] =	stream.strided.gather [hbm4b:s2+s7], $0x400, s8, s7, $0x38;
	[tilespmem:$0x1F380] =	vst v63  }
0x2a: {  	s18 =	simm.s32 $0x18F00  }
0x2b: {  	[tilespmem:s18], [sflag:$0x2] =	stream.strided.gather [hbm4b:s0+s7], $0x400, s8, s7, $0x38;
	[tilespmem:$0x1F380] =	vst v63  }
0x2c: {  	s16 =	simm.s32 $0x19300  }
0x2d: {  	[tilespmem:s16], [sflag:$0x2] =	stream.strided.gather [hbm4b:s31+s7], $0x400, s8, s7, $0x38;
	[tilespmem:$0x1F380] =	vst v63  }
0x2e: {  	s17 =	simm.s32 $0x19700  }
0x2f: {  	[tilespmem:s17], [sflag:$0x2] =	stream.strided.gather [hbm4b:s29+s7], $0x400, s8, s7, $0x38;
	[tilespmem:$0x1F380] =	vst v63  }
0x30: {  	s18 =	simm.s32 $0x19B00  }
0x31: {  	[tilespmem:s18], [sflag:$0x2] =	stream.strided.gather [hbm4b:s28+s7], $0x400, s8, s7, $0x38;
	[tilespmem:$0x1F380] =	vst v63  }
0x32: {  	s16 =	simm.s32 $0x19F00  }
0x33: {  	[tilespmem:s16], [sflag:$0x2] =	stream.strided.gather [hbm4b:s26+s7], $0x400, s8, s7, $0x38;
	[tilespmem:$0x1F380] =	vst v63  }
0x34: {  	s17 =	simm.s32 $0x1A300  }
0x35: {  	[tilespmem:s17], [sflag:$0x2] =	stream.strided.gather [hbm4b:s25+s7], $0x400, s8, s7, $0x38;
	[tilespmem:$0x1F380] =	vst v63  }
0x36: {  	s18 =	simm.s32 $0x1A700  }
0x37: {  	[tilespmem:s18], [sflag:$0x2] =	stream.strided.gather [hbm4b:s24+s7], $0x400, s8, s7, $0x38;
	[tilespmem:$0x1F380] =	vst v63  }
0x38: {  	s16 =	simm.s32 $0x1AB00  }
0x39: {  	[tilespmem:s16], [sflag:$0x2] =	stream.strided.gather [hbm4b:s23+s7], $0x400, s8, s7, $0x38;
	[tilespmem:$0x1F380] =	vst v63  }
0x3a: {  	s17 =	simm.s32 $0x1AF00  }
0x3b: {  	[tilespmem:s17], [sflag:$0x2] =	stream.strided.gather [hbm4b:s22+s7], $0x400, s8, s7, $0x38;
	[tilespmem:$0x1F380] =	vst v63  }
0x3c: {  	s18 =	simm.s32 $0x1B300  }
0x3d: {  	[tilespmem:s18], [sflag:$0x2] =	stream.strided.gather [hbm4b:s21+s7], $0x400, s8, s7, $0x38;
	[tilespmem:$0x1F380] =	vst v63  }
0x3e: {  	s16 =	simm.s32 $0x1B700  }
0x3f: {  	[tilespmem:s16], [sflag:$0x2] =	stream.strided.gather [hbm4b:s20+s7], $0x400, s8, s7, $0x38;
	[tilespmem:$0x1F380] =	vst v63  }
0x40: {  	s17 =	simm.s32 $0x1BB00  }
0x41: {  	[tilespmem:s17], [sflag:$0x2] =	stream.strided.gather [hbm4b:s19+s7], $0x400, s8, s7, $0x38;
	[tilespmem:$0x1F380] =	vst v63  }
0x42: {  	s18 =	rddreg [dreg:$0x12];
	s16 =	simm.s32 $0x1BF00  }
0x43: {  	[tilespmem:s16], [sflag:$0x2] =	stream.strided.gather [hbm4b:s18+s7], $0x400, s8, s7, $0x38;
	[tilespmem:$0x1F380] =	vst v63  }
0x44: {  	s17 =	rddreg [dreg:$0x11];
	s18 =	simm.s32 $0x1C300  }
0x45: {  	[tilespmem:s18], [sflag:$0x2] =	stream.strided.gather [hbm4b:s17+s7], $0x400, s8, s7, $0x38;
	[tilespmem:$0x1F380] =	vst v63  }
0x46: {  	s17 =	rddreg [dreg:$0x10];
	s18 =	simm.s32 $0x1C700  }
0x47: {  	[tilespmem:s18], [sflag:$0x2] =	stream.strided.gather [hbm4b:s17+s7], $0x400, s8, s7, $0x38;
	[tilespmem:$0x1F380] =	vst v63  }
0x48: {  	s17 =	rddreg [dreg:$0xf];
	s18 =	simm.s32 $0x1CB00  }
0x49: {  	[tilespmem:s18], [sflag:$0x2] =	stream.strided.gather [hbm4b:s17+s7], $0x400, s8, s7, $0x38;
	[tilespmem:$0x1F380] =	vst v63  }
0x4a: {  	s17 =	rddreg [dreg:$0xe];
	s18 =	simm.s32 $0x1CF00  }
0x4b: {  	[tilespmem:s18], [sflag:$0x2] =	stream.strided.gather [hbm4b:s17+s7], $0x400, s8, s7, $0x38;
	[tilespmem:$0x1F380] =	vst v63  }
0x4c: {  	s17 =	rddreg [dreg:$0xd];
	s18 =	simm.s32 $0x1D300  }
0x4d: {  	[tilespmem:s18], [sflag:$0x2] =	stream.strided.gather [hbm4b:s17+s7], $0x400, s8, s7, $0x38;
	[tilespmem:$0x1F380] =	vst v63  }
0x4e: {  	s17 =	rddreg [dreg:$0xc];
	s18 =	simm.s32 $0x1D700  }
0x4f: {  	[tilespmem:s18], [sflag:$0x2] =	stream.strided.gather [hbm4b:s17+s7], $0x400, s8, s7, $0x38;
	[tilespmem:$0x1F380] =	vst v63  }
0x50: {  	s17 =	rddreg [dreg:$0xb];
	s18 =	simm.s32 $0x1DB00  }
0x51: {  	[tilespmem:s18], [sflag:$0x2] =	stream.strided.gather [hbm4b:s17+s7], $0x400, s8, s7, $0x38;
	[tilespmem:$0x1F380] =	vst v63  }
0x52: {  	s17 =	rddreg [dreg:$0xa];
	s18 =	simm.s32 $0x1DF00  }
0x53: {  	[tilespmem:s18], [sflag:$0x2] =	stream.strided.gather [hbm4b:s17+s7], $0x400, s8, s7, $0x38;
	[tilespmem:$0x1F380] =	vst v63  }
0x54: {  	s17 =	rddreg [dreg:$0x9];
	s18 =	simm.s32 $0x1E300  }
0x55: {  	[tilespmem:s18], [sflag:$0x2] =	stream.strided.gather [hbm4b:s17+s7], $0x400, s8, s7, $0x38;
	[tilespmem:$0x1F380] =	vst v63  }
0x56: {  	s17 =	rddreg [dreg:$0x8];
	s18 =	simm.s32 $0x1E700  }
0x57: {  	[tilespmem:s18], [sflag:$0x2] =	stream.strided.gather [hbm4b:s17+s7], $0x400, s8, s7, $0x38;
	[tilespmem:$0x1F380] =	vst v63  }
0x58: {  	s17 =	rddreg [dreg:$0x7];
	s18 =	simm.s32 $0x1EB00  }
0x59: {  	[tilespmem:s18], [sflag:$0x2] =	stream.strided.gather [hbm4b:s17+s7], $0x400, s8, s7, $0x38;
	[tilespmem:$0x1F380] =	vst v63  }
0x5a: {  	s17 =	rddreg [dreg:$0x5];
	s18 =	simm.s32 $0x1EF00  }
0x5b: {  	[tilespmem:s18], [sflag:$0x3] =	stream.linear.gather [hbm4b:s17+s14], $0x80, $0x38;
	[tilespmem:$0x1F380] =	vst v63  }
0x5c: {  	_ =	swait.ge [sflag:s9], $0x80  }
0x5d: {  	[sflag:s9] =	ssyncset.done $0x0  }
0x5e: {  	[sflag:s9] =	ssyncadd.s32 $0xFFFFFF80  }
0x5f: {  	v31 =	vld [tilespmem:$0x1EF00]  }
0x60: {  	v42 =	vld [tilespmem:$0x1EF10];
	_ =	swait.ge [sflag:s10], $0x400  }
0x61: {  	[sflag:s10] =	ssyncset.done $0x0  }
0x62: {  	[sflag:s10] =	ssyncadd.s32 $0xFFFFFC00  }
0x63: {  	_ =	swait.ge [sflag:s10], $0x400  }
0x64: {  	[sflag:s10] =	ssyncset.done $0x0  }
0x65: {  	[sflag:s10] =	ssyncadd.s32 $0xFFFFFC00  }
0x66: {  	_ =	swait.ge [sflag:s10], $0x400  }
0x67: {  	[sflag:s10] =	ssyncset.done $0x0  }
0x68: {  	[sflag:s10] =	ssyncadd.s32 $0xFFFFFC00  }
0x69: {  	_ =	swait.ge [sflag:s10], $0x400  }
0x6a: {  	[sflag:s10] =	ssyncset.done $0x0  }
0x6b: {  	[sflag:s10] =	ssyncadd.s32 $0xFFFFFC00  }
0x6c: {  	_ =	swait.ge [sflag:s10], $0x400  }
0x6d: {  	[sflag:s10] =	ssyncset.done $0x0  }
0x6e: {  	[sflag:s10] =	ssyncadd.s32 $0xFFFFFC00  }
0x6f: {  	_ =	swait.ge [sflag:s10], $0x400  }
0x70: {  	[sflag:s10] =	ssyncset.done $0x0  }
0x71: {  	[sflag:s10] =	ssyncadd.s32 $0xFFFFFC00  }
0x72: {  	_ =	swait.ge [sflag:s10], $0x400  }
0x73: {  	[sflag:s10] =	ssyncset.done $0x0  }
0x74: {  	[sflag:s10] =	ssyncadd.s32 $0xFFFFFC00  }
0x75: {  	_ =	swait.ge [sflag:s10], $0x400  }
0x76: {  	[sflag:s10] =	ssyncset.done $0x0  }
0x77: {  	[sflag:s10] =	ssyncadd.s32 $0xFFFFFC00  }
0x78: {  	_ =	swait.ge [sflag:s10], $0x400  }
0x79: {  	[sflag:s10] =	ssyncset.done $0x0  }
0x7a: {  	[sflag:s10] =	ssyncadd.s32 $0xFFFFFC00  }
0x7b: {  	_ =	swait.ge [sflag:s10], $0x400  }
0x7c: {  	[sflag:s10] =	ssyncset.done $0x0  }
0x7d: {  	[sflag:s10] =	ssyncadd.s32 $0xFFFFFC00  }
0x7e: {  	_ =	swait.ge [sflag:s10], $0x400  }
0x7f: {  	[sflag:s10] =	ssyncset.done $0x0  }
0x80: {  	[sflag:s10] =	ssyncadd.s32 $0xFFFFFC00  }
0x81: {  	_ =	swait.ge [sflag:s10], $0x400  }
0x82: {  	[sflag:s10] =	ssyncset.done $0x0  }
0x83: {  	[sflag:s10] =	ssyncadd.s32 $0xFFFFFC00  }
0x84: {  	_ =	swait.ge [sflag:s10], $0x400  }
0x85: {  	[sflag:s10] =	ssyncset.done $0x0  }
0x86: {  	[sflag:s10] =	ssyncadd.s32 $0xFFFFFC00  }
0x87: {  	_ =	swait.ge [sflag:s10], $0x400  }
0x88: {  	[sflag:s10] =	ssyncset.done $0x0  }
0x89: {  	[sflag:s10] =	ssyncadd.s32 $0xFFFFFC00  }
0x8a: {  	_ =	swait.ge [sflag:s10], $0x400  }
0x8b: {  	[sflag:s10] =	ssyncset.done $0x0  }
0x8c: {  	[sflag:s10] =	ssyncadd.s32 $0xFFFFFC00  }
0x8d: {  	_ =	swait.ge [sflag:s10], $0x400  }
0x8e: {  	[sflag:s10] =	ssyncset.done $0x0  }
0x8f: {  	[sflag:s10] =	ssyncadd.s32 $0xFFFFFC00  }
0x90: {  	_ =	swait.ge [sflag:s10], $0x400  }
0x91: {  	[sflag:s10] =	ssyncset.done $0x0  }
0x92: {  	[sflag:s10] =	ssyncadd.s32 $0xFFFFFC00  }
0x93: {  	_ =	swait.ge [sflag:s10], $0x400  }
0x94: {  	[sflag:s10] =	ssyncset.done $0x0  }
0x95: {  	[sflag:s10] =	ssyncadd.s32 $0xFFFFFC00  }
0x96: {  	_ =	swait.ge [sflag:s10], $0x400  }
0x97: {  	[sflag:s10] =	ssyncset.done $0x0  }
0x98: {  	[sflag:s10] =	ssyncadd.s32 $0xFFFFFC00  }
0x99: {  	_ =	swait.ge [sflag:s10], $0x400  }
0x9a: {  	[sflag:s10] =	ssyncset.done $0x0  }
0x9b: {  	[sflag:s10] =	ssyncadd.s32 $0xFFFFFC00  }
0x9c: {  	_ =	swait.ge [sflag:s10], $0x400  }
0x9d: {  	[sflag:s10] =	ssyncset.done $0x0  }
0x9e: {  	[sflag:s10] =	ssyncadd.s32 $0xFFFFFC00  }
0x9f: {  	_ =	swait.ge [sflag:s10], $0x400  }
0xa0: {  	[sflag:s10] =	ssyncset.done $0x0  }
0xa1: {  	[sflag:s10] =	ssyncadd.s32 $0xFFFFFC00  }
0xa2: {  	_ =	swait.ge [sflag:s10], $0x400  }
0xa3: {  	[sflag:s10] =	ssyncset.done $0x0  }
0xa4: {  	[sflag:s10] =	ssyncadd.s32 $0xFFFFFC00  }
0xa5: {  	_ =	swait.ge [sflag:s10], $0x400  }
0xa6: {  	[sflag:s10] =	ssyncset.done $0x0  }
0xa7: {  	[sflag:s10] =	ssyncadd.s32 $0xFFFFFC00  }
0xa8: {  	_ =	swait.ge [sflag:s10], $0x400  }
0xa9: {  	[sflag:s10] =	ssyncset.done $0x0  }
0xaa: {  	[sflag:s10] =	ssyncadd.s32 $0xFFFFFC00  }
0xab: {  	_ =	swait.ge [sflag:s10], $0x400  }
0xac: {  	v16 =	vperm.xlane v31, v0;
	[sflag:s10] =	ssyncset.done $0x0  }
0xad: {  	v17 =	vperm.xlane v31, v1;
	v18 =	vperm.xlane v31, v2;
	[sflag:s10] =	ssyncadd.s32 $0xFFFFFC00  }
0xae: {  	v19 =	vperm.xlane v31, v3;
	v20 =	vperm.xlane v31, v4;
	_ =	swait.ge [sflag:s11], $0x6200  }
0xaf: {  	v21 =	vperm.xlane v31, v5;
	v22 =	vperm.xlane v31, v6;
	[sflag:s11] =	ssyncset.done $0x0  }
0xb0: {  	v23 =	vperm.xlane v31, v7;
	v24 =	vperm.xlane v31, v8;
	[sflag:s11] =	ssyncadd.s32 $0xFFFF9E00  }
0xb1: {  	v11 =	vimm.s32 $0xB;
	v25 =	vperm.xlane v31, v9;
	v26 =	vperm.xlane v31, v10;
	_ =	swait.ge [sflag:s11], $0x6200  }
0xb2: {  	v27 =	vperm.xlane v31, v11;
	v32 =	vperm.xlane v42, v0;
	[sflag:s11] =	ssyncset.done $0x0  }
0xb3: {  	v33 =	vperm.xlane v42, v1;
	v34 =	vperm.xlane v42, v2;
	[sflag:s11] =	ssyncadd.s32 $0xFFFF9E00  }
0xb4: {  	v35 =	vperm.xlane v42, v3;
	v36 =	vperm.xlane v42, v4;
	_ =	swait.ge [sflag:s11], $0x6200  }
0xb5: {  	v11 =	vimm.s32 $0xC;
	v37 =	vperm.xlane v42, v5;
	v38 =	vperm.xlane v42, v6;
	[sflag:s11] =	ssyncset.done $0x0  }
0xb6: {  	v39 =	vperm.xlane v42, v7;
	v28 =	vperm.xlane v31, v11;
	v11 =	vimm.s32 $0xD;
	[sflag:s11] =	ssyncadd.s32 $0xFFFF9E00  }
0xb7: {  	v40 =	vperm.xlane v42, v8;
	v29 =	vperm.xlane v31, v11;
	v11 =	vimm.s32 $0xE;
	_ =	swait.ge [sflag:s11], $0x60A0  }
0xb8: {  	v41 =	vperm.xlane v42, v9;
	v30 =	vperm.xlane v31, v11;
	v11 =	vimm.s32 $0xF;
	[sflag:s11] =	ssyncset.done $0x0  }
0xb9: {  	s15 =	simm.s32 $0xFFFFFFFC;
	s16 =	simm.s32 $0x0;
	v42 =	vperm.xlane v42, v10;
	v31 =	vperm.xlane v31, v11;
	[sflag:s11] =	ssyncadd.s32 $0xFFFF9F60  }
.LBB2_3:
0xba: {  	s17 =	sshra.s32 s16, $0x2  }
0xbb: {  	s18 =	sand.u32 $0x3C0, s14;
	v43 =	vld [tilespmem:s17+$0x18700]  }
0xbc: {  	v44 =	vld [tilespmem:s18+$0x18B00]  }
0xbd: {  	v45 =	vld [tilespmem:s18+$0x18F00]  }
0xbe: {  	v46 =	vld [tilespmem:s18+$0x19300]  }
0xbf: {  	v47 =	vld [tilespmem:s18+$0x19700]  }
0xc0: {  	v48 =	vld [tilespmem:s18+$0x19B00]  }
0xc1: {  	v49 =	vld [tilespmem:s18+$0x19F00]  }
0xc2: {  	v50 =	vld [tilespmem:s18+$0x1A300]  }
0xc3: {  	v51 =	vld [tilespmem:s18+$0x1A700]  }
0xc4: {  	v52 =	vld [tilespmem:s18+$0x1AB00]  }
0xc5: {  	v53 =	vld [tilespmem:s18+$0x1AF00]  }
0xc6: {  	v54 =	vld [tilespmem:s18+$0x1B300]  }
0xc7: {  	v55 =	vld [tilespmem:s18+$0x1B700]  }
0xc8: {  	v56 =	vld [tilespmem:s18+$0x1BB00]  }
0xc9: {  	v57 =	vld [tilespmem:s18+$0x1BF00]  }
0xca: {  	v58 =	vld [tilespmem:s18+$0x1C300]  }
0xcb: {  	v59 =	vld [tilespmem:s18+$0x1C700]  }
0xcc: {  	v60 =	vld [tilespmem:s18+$0x1CB00]  }
0xcd: {  	v61 =	vld [tilespmem:s18+$0x1CF00]  }
0xce: {  	v62 =	vld [tilespmem:s18+$0x1D300]  }
0xcf: {  	v63 =	vld [tilespmem:s18+$0x1D700]  }
0xd0: {  	v11 =	vld [tilespmem:s18+$0x1DB00]  }
0xd1: {  	v12 =	vld [tilespmem:s18+$0x1DF00]  }
0xd2: {  	v13 =	vld [tilespmem:s18+$0x1E300]  }
0xd3: {  	v14 =	vld [tilespmem:s18+$0x1E700]  }
0xd4: {  	v15 =	vld [tilespmem:s18+$0x1EB00]  }
0xd5: {  	v43 =	vld.idx.msk [tilespmem:v43+s3+$0x0], $0xffff  }
0xd6: {  	v44 =	vld.idx.msk [tilespmem:v44+s3+$0x0], $0xffff  }
0xd7: {  	v45 =	vld.idx.msk [tilespmem:v45+s3+$0x0], $0xffff  }
0xd8: {  	v46 =	vld.idx.msk [tilespmem:v46+s3+$0x0], $0xffff  }
0xd9: {  	v47 =	vld.idx.msk [tilespmem:v47+s3+$0x0], $0xffff  }
0xda: {  	v48 =	vld.idx.msk [tilespmem:v48+s3+$0x0], $0xffff  }
0xdb: {  	v49 =	vld.idx.msk [tilespmem:v49+s3+$0x0], $0xffff  }
0xdc: {  	v50 =	vld.idx.msk [tilespmem:v50+s3+$0x0], $0xffff  }
0xdd: {  	v51 =	vld.idx.msk [tilespmem:v51+s3+$0x0], $0xffff  }
0xde: {  	v52 =	vld.idx.msk [tilespmem:v52+s3+$0x0], $0xffff  }
0xdf: {  	v53 =	vld.idx.msk [tilespmem:v53+s3+$0x0], $0xffff  }
0xe0: {  	v54 =	vld.idx.msk [tilespmem:v54+s3+$0x0], $0xffff  }
0xe1: {  	v55 =	vld.idx.msk [tilespmem:v55+s3+$0x0], $0xffff  }
0xe2: {  	v56 =	vld.idx.msk [tilespmem:v56+s3+$0x0], $0xffff  }
0xe3: {  	v57 =	vld.idx.msk [tilespmem:v57+s3+$0x0], $0xffff  }
0xe4: {  	v58 =	vld.idx.msk [tilespmem:v58+s3+$0x0], $0xffff  }
0xe5: {  	v59 =	vld.idx.msk [tilespmem:v59+s3+$0x0], $0xffff  }
0xe6: {  	v60 =	vld.idx.msk [tilespmem:v60+s3+$0x0], $0xffff  }
0xe7: {  	v61 =	vld.idx.msk [tilespmem:v61+s3+$0x0], $0xffff;
	v43 =	vmul.f32 v43, v16;
	v44 =	vmul.f32 v44, v17  }
0xe8: {  	v11 =	vld.idx.msk [tilespmem:v11+s3+$0x0], $0xffff;
	v45 =	vmul.f32 v45, v18;
	v46 =	vmul.f32 v46, v19  }
0xe9: {  	v12 =	vld.idx.msk [tilespmem:v12+s3+$0x0], $0xffff;
	v47 =	vmul.f32 v47, v20;
	v48 =	vmul.f32 v48, v21  }
0xea: {  	v13 =	vld.idx.msk [tilespmem:v13+s3+$0x0], $0xffff;
	v49 =	vmul.f32 v49, v22;
	v50 =	vmul.f32 v50, v23  }
0xeb: {  	v14 =	vld.idx.msk [tilespmem:v14+s3+$0x0], $0xffff;
	v56 =	vmul.f32 v56, v29;
	v57 =	vmul.f32 v57, v30  }
0xec: {  	v15 =	vld.idx.msk [tilespmem:v15+s3+$0x0], $0xffff;
	v58 =	vmul.f32 v58, v31;
	v59 =	vmul.f32 v59, v32  }
0xed: {  	v60 =	vmul.f32 v60, v33;
	v43 =	vadd.f32 v43, v42;
	v44 =	vadd.f32 v48, v44;
	v48 =	vld.idx.msk [tilespmem:v62+s3+$0x0], $0xffff  }
0xee: {  	v45 =	vadd.f32 v49, v45;
	v46 =	vadd.f32 v50, v46;
	v49 =	vmul.f32 v52, v25;
	v50 =	vld.idx.msk [tilespmem:v63+s3+$0x0], $0xffff  }
0xef: {  	v11 =	vmul.f32 v11, v37;
	v52 =	vld [tilespmem:s17+$0x19B10];
	v43 =	vadd.f32 v47, v43;
	v47 =	vmul.f32 v51, v24  }
0xf0: {  	v12 =	vmul.f32 v12, v38;
	v62 =	vmul.f32 v54, v27;
	v54 =	vld [tilespmem:s17+$0x1A310];
	v44 =	vadd.f32 v49, v44  }
0xf1: {  	v63 =	vmul.f32 v55, v28;
	v55 =	vld [tilespmem:s17+$0x1A710];
	v43 =	vadd.f32 v47, v43;
	v47 =	vmul.f32 v53, v26  }
0xf2: {  	v13 =	vmul.f32 v13, v39;
	v46 =	vadd.f32 v62, v46;
	v49 =	vld [tilespmem:s17+$0x18710];
	v44 =	vadd.f32 v56, v44  }
0xf3: {  	v62 =	vmul.f32 v61, v34;
	v51 =	vld [tilespmem:s17+$0x19310];
	v45 =	vadd.f32 v47, v45;
	v43 =	vadd.f32 v63, v43  }
0xf4: {  	v61 =	vld [tilespmem:s17+$0x1C310];
	v46 =	vadd.f32 v58, v46;
	v48 =	vmul.f32 v48, v35;
	v44 =	vadd.f32 v60, v44  }
0xf5: {  	v53 =	vld [tilespmem:s17+$0x19F10];
	v63 =	vmul.f32 v50, v36;
	v45 =	vadd.f32 v57, v45;
	v43 =	vadd.f32 v59, v43  }
0xf6: {  	v15 =	vmul.f32 v15, v41;
	v56 =	vld [tilespmem:s17+$0x1AB10];
	v46 =	vadd.f32 v48, v46;
	v11 =	vadd.f32 v11, v44  }
0xf7: {  	v14 =	vmul.f32 v14, v40;
	v58 =	vld [tilespmem:s17+$0x1B710];
	v45 =	vadd.f32 v62, v45;
	v43 =	vadd.f32 v63, v43  }
0xf8: {  	v50 =	vld [tilespmem:s17+$0x18F10];
	v13 =	vadd.f32 v13, v46;
	v11 =	vadd.f32 v15, v11  }
0xf9: {  	v15 =	vld [tilespmem:s17+$0x18B10];
	v12 =	vadd.f32 v12, v45;
	v14 =	vadd.f32 v14, v43  }
0xfa: {  	v60 =	vld [tilespmem:s17+$0x1BF10]  }
0xfb: {  	v48 =	vld [tilespmem:s17+$0x1AF10];
	v11 =	vadd.f32 v11, v14;
	v12 =	vadd.f32 v13, v12  }
0xfc: {  	v57 =	vld [tilespmem:s17+$0x1B310]  }
0xfd: {  	v59 =	vld [tilespmem:s17+$0x1BB10];
	v11 =	vadd.f32 v11, v12  }
0xfe: {  	v62 =	vld [tilespmem:s17+$0x1C710]  }
0xff: {  	v63 =	vld [tilespmem:s17+$0x1CB10];
	[tilespmem:s17+$0x1EF80] =	vst v11  }
0x100: {  	v11 =	vld.idx.msk [tilespmem:v49+s3+$0x0], $0xffff  }
0x101: {  	v12 =	vld.idx.msk [tilespmem:v15+s3+$0x0], $0xffff  }
0x102: {  	v15 =	vld [tilespmem:s17+$0x19710]  }
0x103: {  	v13 =	vld.idx.msk [tilespmem:v50+s3+$0x0], $0xffff  }
0x104: {  	v14 =	vld.idx.msk [tilespmem:v51+s3+$0x0], $0xffff  }
0x105: {  	v43 =	vld.idx.msk [tilespmem:v52+s3+$0x0], $0xffff  }
0x106: {  	v44 =	vld.idx.msk [tilespmem:v53+s3+$0x0], $0xffff  }
0x107: {  	v45 =	vld.idx.msk [tilespmem:v54+s3+$0x0], $0xffff  }
0x108: {  	v46 =	vld.idx.msk [tilespmem:v55+s3+$0x0], $0xffff  }
0x109: {  	v47 =	vld.idx.msk [tilespmem:v56+s3+$0x0], $0xffff  }
0x10a: {  	v48 =	vld.idx.msk [tilespmem:v48+s3+$0x0], $0xffff  }
0x10b: {  	v49 =	vld.idx.msk [tilespmem:v57+s3+$0x0], $0xffff  }
0x10c: {  	v50 =	vld.idx.msk [tilespmem:v58+s3+$0x0], $0xffff  }
0x10d: {  	v51 =	vld.idx.msk [tilespmem:v59+s3+$0x0], $0xffff  }
0x10e: {  	v52 =	vld.idx.msk [tilespmem:v60+s3+$0x0], $0xffff  }
0x10f: {  	v53 =	vld.idx.msk [tilespmem:v61+s3+$0x0], $0xffff  }
0x110: {  	v54 =	vld.idx.msk [tilespmem:v62+s3+$0x0], $0xffff  }
0x111: {  	v55 =	vld.idx.msk [tilespmem:v63+s3+$0x0], $0xffff  }
0x112: {  	v56 =	vld [tilespmem:s17+$0x1CF10]  }
0x113: {  	v57 =	vld [tilespmem:s17+$0x1D310]  }
0x114: {  	v58 =	vld [tilespmem:s17+$0x1D710]  }
0x115: {  	v59 =	vld [tilespmem:s17+$0x1DB10]  }
0x116: {  	v60 =	vld [tilespmem:s17+$0x1DF10]  }
0x117: {  	v61 =	vld [tilespmem:s17+$0x1E310]  }
0x118: {  	v62 =	vld [tilespmem:s17+$0x1E710]  }
0x119: {  	v11 =	vmul.f32 v11, v16;
	v15 =	vld.idx.msk [tilespmem:v15+s3+$0x0], $0xffff  }
0x11a: {  	v63 =	vld [tilespmem:s17+$0x1EB10];
	v12 =	vmul.f32 v12, v17;
	v43 =	vmul.f32 v43, v21  }
0x11b: {  	v14 =	vmul.f32 v14, v19;
	v45 =	vmul.f32 v45, v23;
	v56 =	vld.idx.msk [tilespmem:v56+s3+$0x0], $0xffff  }
0x11c: {  	v13 =	vmul.f32 v13, v18;
	v44 =	vmul.f32 v44, v22;
	v12 =	vadd.f32 v43, v12;
	v43 =	vld.idx.msk [tilespmem:v57+s3+$0x0], $0xffff  }
0x11d: {  	v11 =	vadd.f32 v11, v42;
	v14 =	vadd.f32 v45, v14;
	v45 =	vld.idx.msk [tilespmem:v58+s3+$0x0], $0xffff  }
0x11e: {  	v13 =	vadd.f32 v44, v13;
	v44 =	vmul.f32 v47, v25;
	v47 =	vld.idx.msk [tilespmem:v59+s3+$0x0], $0xffff;
	v15 =	vmul.f32 v15, v20  }
0x11f: {  	v57 =	vmul.f32 v49, v27;
	v49 =	vld.idx.msk [tilespmem:v60+s3+$0x0], $0xffff  }
0x120: {  	v62 =	vld.idx.msk [tilespmem:v62+s3+$0x0], $0xffff;
	v11 =	vadd.f32 v15, v11;
	v15 =	vmul.f32 v46, v24  }
0x121: {  	v58 =	vmul.f32 v50, v28;
	v59 =	vmul.f32 v51, v29;
	v50 =	vld [tilespmem:s17+$0x18F20];
	v12 =	vadd.f32 v44, v12  }
0x122: {  	v51 =	vld [tilespmem:s17+$0x19320];
	v11 =	vadd.f32 v15, v11;
	v15 =	vmul.f32 v48, v26  }
0x123: {  	v14 =	vadd.f32 v57, v14;
	v57 =	vmul.f32 v55, v33;
	v12 =	vadd.f32 v59, v12;
	v46 =	vld.idx.msk [tilespmem:v61+s3+$0x0], $0xffff  }
0x124: {  	v13 =	vadd.f32 v15, v13;
	v15 =	vmul.f32 v52, v30;
	v11 =	vadd.f32 v58, v11;
	v58 =	vld.idx.msk [tilespmem:v63+s3+$0x0], $0xffff  }
0x125: {  	v55 =	vld [tilespmem:s17+$0x1A720];
	v59 =	vmul.f32 v56, v34;
	v12 =	vadd.f32 v57, v12;
	v61 =	vmul.f32 v53, v31  }
0x126: {  	v60 =	vmul.f32 v47, v37;
	v56 =	vld [tilespmem:s17+$0x1AB20];
	v13 =	vadd.f32 v15, v13;
	v15 =	vmul.f32 v54, v32  }
0x127: {  	v43 =	vmul.f32 v43, v35;
	v62 =	vmul.f32 v62, v40;
	v57 =	vld [tilespmem:s17+$0x1B320];
	v14 =	vadd.f32 v61, v14  }
0x128: {  	v12 =	vadd.f32 v60, v12;
	v53 =	vld [tilespmem:s17+$0x19F20];
	v11 =	vadd.f32 v15, v11;
	v15 =	vmul.f32 v45, v36  }
0x129: {  	v60 =	vld [tilespmem:s17+$0x1BF20];
	v14 =	vadd.f32 v43, v14;
	v61 =	vmul.f32 v46, v39;
	v63 =	vmul.f32 v58, v41  }
0x12a: {  	v48 =	vld [tilespmem:s17+$0x18B20];
	v13 =	vadd.f32 v59, v13;
	v11 =	vadd.f32 v15, v11;
	v15 =	vmul.f32 v49, v38  }
0x12b: {  	v52 =	vld [tilespmem:s17+$0x19B20];
	v14 =	vadd.f32 v61, v14;
	v12 =	vadd.f32 v63, v12  }
0x12c: {  	v54 =	vld [tilespmem:s17+$0x1A320];
	v13 =	vadd.f32 v15, v13;
	v11 =	vadd.f32 v62, v11  }
0x12d: {  	v61 =	vld [tilespmem:s17+$0x1C320]  }
0x12e: {  	v59 =	vld [tilespmem:s17+$0x1BB20];
	v11 =	vadd.f32 v12, v11;
	v49 =	vadd.f32 v14, v13  }
0x12f: {  	v58 =	vld [tilespmem:s17+$0x1B720]  }
0x130: {  	v63 =	vld [tilespmem:s17+$0x1CB20];
	v11 =	vadd.f32 v11, v49  }
0x131: {  	v15 =	vld [tilespmem:s17+$0x18720]  }
0x132: {  	v62 =	vld [tilespmem:s17+$0x1C720];
	[tilespmem:s17+$0x1EF90] =	vst v11  }
0x133: {  	v12 =	vld.idx.msk [tilespmem:v48+s3+$0x0], $0xffff  }
0x134: {  	v13 =	vld.idx.msk [tilespmem:v50+s3+$0x0], $0xffff  }
0x135: {  	v14 =	vld.idx.msk [tilespmem:v51+s3+$0x0], $0xffff  }
0x136: {  	v43 =	vld.idx.msk [tilespmem:v52+s3+$0x0], $0xffff  }
0x137: {  	v44 =	vld.idx.msk [tilespmem:v53+s3+$0x0], $0xffff  }
0x138: {  	v45 =	vld.idx.msk [tilespmem:v54+s3+$0x0], $0xffff  }
0x139: {  	v46 =	vld.idx.msk [tilespmem:v55+s3+$0x0], $0xffff  }
0x13a: {  	v47 =	vld.idx.msk [tilespmem:v56+s3+$0x0], $0xffff  }
0x13b: {  	v48 =	vld [tilespmem:s17+$0x1AF20]  }
0x13c: {  	v49 =	vld.idx.msk [tilespmem:v57+s3+$0x0], $0xffff  }
0x13d: {  	v50 =	vld.idx.msk [tilespmem:v58+s3+$0x0], $0xffff  }
0x13e: {  	v51 =	vld.idx.msk [tilespmem:v59+s3+$0x0], $0xffff  }
0x13f: {  	v52 =	vld.idx.msk [tilespmem:v60+s3+$0x0], $0xffff  }
0x140: {  	v53 =	vld.idx.msk [tilespmem:v61+s3+$0x0], $0xffff  }
0x141: {  	v55 =	vld.idx.msk [tilespmem:v63+s3+$0x0], $0xffff  }
0x142: {  	v56 =	vld [tilespmem:s17+$0x1CF20]  }
0x143: {  	v57 =	vld [tilespmem:s17+$0x1D320]  }
0x144: {  	v11 =	vld.idx.msk [tilespmem:v15+s3+$0x0], $0xffff  }
0x145: {  	v15 =	vld [tilespmem:s17+$0x19720]  }
0x146: {  	v58 =	vld [tilespmem:s17+$0x1D720]  }
0x147: {  	v59 =	vld [tilespmem:s17+$0x1DB20]  }
0x148: {  	v60 =	vld [tilespmem:s17+$0x1DF20]  }
0x149: {  	v61 =	vld [tilespmem:s17+$0x1E320]  }
0x14a: {  	v63 =	vld [tilespmem:s17+$0x1EB20]  }
0x14b: {  	v54 =	vld.idx.msk [tilespmem:v62+s3+$0x0], $0xffff  }
0x14c: {  	v62 =	vld [tilespmem:s17+$0x1E720]  }
0x14d: {  	v12 =	vmul.f32 v12, v17;
	v13 =	vmul.f32 v13, v18;
	v15 =	vld.idx.msk [tilespmem:v15+s3+$0x0], $0xffff  }
0x14e: {  	v14 =	vmul.f32 v14, v19;
	v43 =	vmul.f32 v43, v21;
	v48 =	vld.idx.msk [tilespmem:v48+s3+$0x0], $0xffff  }
0x14f: {  	v44 =	vmul.f32 v44, v22;
	v45 =	vmul.f32 v45, v23;
	v56 =	vld.idx.msk [tilespmem:v56+s3+$0x0], $0xffff  }
0x150: {  	v11 =	vmul.f32 v11, v16;
	v12 =	vadd.f32 v43, v12;
	v43 =	vld.idx.msk [tilespmem:v57+s3+$0x0], $0xffff  }
0x151: {  	v13 =	vadd.f32 v44, v13;
	v14 =	vadd.f32 v45, v14;
	v45 =	vld.idx.msk [tilespmem:v58+s3+$0x0], $0xffff  }
0x152: {  	v44 =	vmul.f32 v47, v25;
	v11 =	vadd.f32 v11, v42;
	v47 =	vld.idx.msk [tilespmem:v59+s3+$0x0], $0xffff;
	v15 =	vmul.f32 v15, v20  }
0x153: {  	v57 =	vmul.f32 v49, v27;
	v49 =	vld.idx.msk [tilespmem:v60+s3+$0x0], $0xffff  }
0x154: {  	v58 =	vmul.f32 v50, v28;
	v50 =	vld [tilespmem:s17+$0x18F30];
	v11 =	vadd.f32 v15, v11;
	v15 =	vmul.f32 v46, v24  }
0x155: {  	v59 =	vmul.f32 v51, v29;
	v51 =	vld [tilespmem:s17+$0x19330];
	v12 =	vadd.f32 v44, v12  }
0x156: {  	v62 =	vld.idx.msk [tilespmem:v62+s3+$0x0], $0xffff;
	v11 =	vadd.f32 v15, v11;
	v15 =	vmul.f32 v48, v26  }
0x157: {  	v14 =	vadd.f32 v57, v14;
	v57 =	vmul.f32 v55, v33;
	v12 =	vadd.f32 v59, v12;
	v46 =	vld.idx.msk [tilespmem:v61+s3+$0x0], $0xffff  }
0x158: {  	v13 =	vadd.f32 v15, v13;
	v15 =	vmul.f32 v52, v30;
	v11 =	vadd.f32 v58, v11;
	v58 =	vld.idx.msk [tilespmem:v63+s3+$0x0], $0xffff  }
0x159: {  	v55 =	vld [tilespmem:s17+$0x1A730];
	v59 =	vmul.f32 v56, v34;
	v12 =	vadd.f32 v57, v12;
	v61 =	vmul.f32 v53, v31  }
0x15a: {  	v60 =	vmul.f32 v47, v37;
	v56 =	vld [tilespmem:s17+$0x1AB30];
	v13 =	vadd.f32 v15, v13;
	v15 =	vmul.f32 v54, v32  }
0x15b: {  	v43 =	vmul.f32 v43, v35;
	v57 =	vld [tilespmem:s17+$0x1B330];
	v62 =	vmul.f32 v62, v40;
	v14 =	vadd.f32 v61, v14  }
0x15c: {  	v12 =	vadd.f32 v60, v12;
	v60 =	vld [tilespmem:s17+$0x1BF30];
	v11 =	vadd.f32 v15, v11;
	v15 =	vmul.f32 v45, v36  }
0x15d: {  	v53 =	vld [tilespmem:s17+$0x19F30];
	v14 =	vadd.f32 v43, v14;
	v61 =	vmul.f32 v46, v39;
	v63 =	vmul.f32 v58, v41  }
0x15e: {  	v48 =	vld [tilespmem:s17+$0x18B30];
	v13 =	vadd.f32 v59, v13;
	v11 =	vadd.f32 v15, v11;
	v15 =	vmul.f32 v49, v38  }
0x15f: {  	v52 =	vld [tilespmem:s17+$0x19B30];
	v14 =	vadd.f32 v61, v14;
	v12 =	vadd.f32 v63, v12  }
0x160: {  	v54 =	vld [tilespmem:s17+$0x1A330];
	v13 =	vadd.f32 v15, v13;
	v11 =	vadd.f32 v62, v11  }
0x161: {  	v61 =	vld [tilespmem:s17+$0x1C330]  }
0x162: {  	v59 =	vld [tilespmem:s17+$0x1BB30];
	v11 =	vadd.f32 v12, v11;
	v49 =	vadd.f32 v14, v13  }
0x163: {  	v58 =	vld [tilespmem:s17+$0x1B730]  }
0x164: {  	v63 =	vld [tilespmem:s17+$0x1CB30];
	v11 =	vadd.f32 v11, v49  }
0x165: {  	v15 =	vld [tilespmem:s17+$0x18730]  }
0x166: {  	v62 =	vld [tilespmem:s17+$0x1C730];
	[tilespmem:s17+$0x1EFA0] =	vst v11  }
0x167: {  	v12 =	vld.idx.msk [tilespmem:v48+s3+$0x0], $0xffff  }
0x168: {  	v13 =	vld.idx.msk [tilespmem:v50+s3+$0x0], $0xffff  }
0x169: {  	v14 =	vld.idx.msk [tilespmem:v51+s3+$0x0], $0xffff  }
0x16a: {  	v43 =	vld.idx.msk [tilespmem:v52+s3+$0x0], $0xffff  }
0x16b: {  	v44 =	vld.idx.msk [tilespmem:v53+s3+$0x0], $0xffff  }
0x16c: {  	v45 =	vld.idx.msk [tilespmem:v54+s3+$0x0], $0xffff  }
0x16d: {  	v46 =	vld.idx.msk [tilespmem:v55+s3+$0x0], $0xffff  }
0x16e: {  	v47 =	vld.idx.msk [tilespmem:v56+s3+$0x0], $0xffff  }
0x16f: {  	v48 =	vld [tilespmem:s17+$0x1AF30]  }
0x170: {  	v49 =	vld.idx.msk [tilespmem:v57+s3+$0x0], $0xffff  }
0x171: {  	v50 =	vld.idx.msk [tilespmem:v58+s3+$0x0], $0xffff  }
0x172: {  	v51 =	vld.idx.msk [tilespmem:v59+s3+$0x0], $0xffff  }
0x173: {  	v52 =	vld.idx.msk [tilespmem:v60+s3+$0x0], $0xffff  }
0x174: {  	v53 =	vld.idx.msk [tilespmem:v61+s3+$0x0], $0xffff  }
0x175: {  	v55 =	vld.idx.msk [tilespmem:v63+s3+$0x0], $0xffff  }
0x176: {  	v11 =	vld.idx.msk [tilespmem:v15+s3+$0x0], $0xffff  }
0x177: {  	v15 =	vld [tilespmem:s17+$0x19730]  }
0x178: {  	v56 =	vld [tilespmem:s17+$0x1CF30]  }
0x179: {  	v57 =	vld [tilespmem:s17+$0x1D330]  }
0x17a: {  	v58 =	vld [tilespmem:s17+$0x1D730]  }
0x17b: {  	v59 =	vld [tilespmem:s17+$0x1DB30]  }
0x17c: {  	v60 =	vld [tilespmem:s17+$0x1DF30]  }
0x17d: {  	v61 =	vld [tilespmem:s17+$0x1E330]  }
0x17e: {  	v54 =	vld.idx.msk [tilespmem:v62+s3+$0x0], $0xffff  }
0x17f: {  	v15 =	vld.idx.msk [tilespmem:v15+s3+$0x0], $0xffff  }
0x180: {  	v62 =	vld [tilespmem:s17+$0x1E730]  }
0x181: {  	v63 =	vld [tilespmem:s17+$0x1EB30];
	v12 =	vmul.f32 v12, v17;
	v13 =	vmul.f32 v13, v18  }
0x182: {  	v43 =	vmul.f32 v43, v21;
	v11 =	vmul.f32 v11, v16;
	v48 =	vld.idx.msk [tilespmem:v48+s3+$0x0], $0xffff  }
0x183: {  	v14 =	vmul.f32 v14, v19;
	v44 =	vmul.f32 v44, v22;
	v56 =	vld.idx.msk [tilespmem:v56+s3+$0x0], $0xffff  }
0x184: {  	v12 =	vadd.f32 v43, v12;
	v11 =	vadd.f32 v11, v42;
	v43 =	vld.idx.msk [tilespmem:v57+s3+$0x0], $0xffff;
	v15 =	vmul.f32 v15, v20  }
0x185: {  	v45 =	vmul.f32 v45, v23;
	v13 =	vadd.f32 v44, v13;
	v44 =	vmul.f32 v47, v25;
	v47 =	vld.idx.msk [tilespmem:v59+s3+$0x0], $0xffff  }
0x186: {  	v57 =	vmul.f32 v49, v27;
	v49 =	vld.idx.msk [tilespmem:v60+s3+$0x0], $0xffff;
	v11 =	vadd.f32 v15, v11;
	v15 =	vmul.f32 v46, v24  }
0x187: {  	v55 =	vmul.f32 v55, v33;
	v14 =	vadd.f32 v45, v14;
	v59 =	vmul.f32 v51, v29;
	v60 =	vld.idx.msk [tilespmem:v61+s3+$0x0], $0xffff  }
0x188: {  	v12 =	vadd.f32 v44, v12;
	v62 =	vld.idx.msk [tilespmem:v62+s3+$0x0], $0xffff;
	v11 =	vadd.f32 v15, v11;
	v15 =	vmul.f32 v48, v26  }
0x189: {  	v45 =	vld.idx.msk [tilespmem:v58+s3+$0x0], $0xffff;
	v58 =	vmul.f32 v50, v28;
	v61 =	vmul.f32 v53, v31;
	v14 =	vadd.f32 v57, v14  }
0x18a: {  	v57 =	vld.idx.msk [tilespmem:v63+s3+$0x0], $0xffff;
	v12 =	vadd.f32 v59, v12;
	v13 =	vadd.f32 v15, v13;
	v15 =	vmul.f32 v52, v30  }
0x18b: {  	v14 =	vadd.f32 v61, v14;
	v43 =	vmul.f32 v43, v35;
	v59 =	vmul.f32 v47, v37  }
0x18c: {  	v11 =	vadd.f32 v58, v11;
	v13 =	vadd.f32 v15, v13;
	v15 =	vmul.f32 v54, v32  }
0x18d: {  	v12 =	vadd.f32 v55, v12;
	v60 =	vmul.f32 v60, v39;
	v61 =	vmul.f32 v62, v40  }
0x18e: {  	v58 =	vmul.f32 v56, v34;
	v11 =	vadd.f32 v15, v11;
	v15 =	vmul.f32 v45, v36  }
0x18f: {  	v14 =	vadd.f32 v43, v14;
	v12 =	vadd.f32 v59, v12;
	v62 =	vmul.f32 v57, v41  }
0x190: {  	v13 =	vadd.f32 v58, v13;
	v11 =	vadd.f32 v15, v11;
	v15 =	vmul.f32 v49, v38  }
0x191: {  	v14 =	vadd.f32 v60, v14;
	v12 =	vadd.f32 v62, v12  }
0x192: {  	s15 =	sadd.s32 $0x4, s15;
	v13 =	vadd.f32 v15, v13;
	v11 =	vadd.f32 v61, v11  }
0x193: {  	p0 =	slt.u32 s15, $0x3C  }
.Ltmp1:
0x194: {  	v11 =	vadd.f32 v12, v11;
	v63 =	vadd.f32 v14, v13;
	(pc) =	sbr.rel @p0 .LBB2_3-.Ltmp1, $3  }
0x195: {  	_ = 	snop  }
0x196: {  	v11 =	vadd.f32 v11, v63;
	_ =	sdelay $0x1  }
0x197: {  	s16 =	sadd.s32 $0x100, s16;
	s14 =	sadd.s32 $0x40, s14;
	[tilespmem:s17+$0x1EFB0] =	vst v11  }
0x198: {  	s13 =	sadd.s32 $0x1, s13  }
0x199: {  	p0 =	sne.s32 s13, s30  }
.Ltmp2:
0x19a: {  	s14 =	rddreg [dreg:$0x6];
	s15 =	simm.s32 $0x1EF80;
	(pc) =	sbr.rel @p0 .LBB2_2-.Ltmp2, $4  }
0x19b: {  	[hbm4b:s14+s3] =	stream.linear.scatter [tilespmem:s15], [sflag:$0x4], $0x400, $0x38;
	[tilespmem:$0x1F380] =	vst v63  }
0x19c: {  	_ =	swait.ge [sflag:s12], $0x400  }
0x19d: {  	[sflag:s12] =	ssyncset.done $0x0  }
0x19e: {  	[sflag:s12] =	ssyncadd.s32 $0xFFFFFC00  }
.LBB2_5:
0x19f: {  	_ =	sfence.sel $0x180000  }
0x1a0: {  	[bflag:$0x0] =	sbarrier.arrive $0xFFFF  }
0x1a1: {  	_ =	strace $0x90000047  }
0x1a2: {  	s0 =	stileid.u32;
	[bflag:$0x2] =	sbarrier.arrive $0xFFFF  }
0x1a3: {  	p0 =	sne.s32 s0, $0x0;
	s0 =	rddreg [dreg:$0x4]  }
0x1a4: {  	s0 =	sadd.s32 @!p0 $0x100000, s0  }
0x1a5: {  	[sflag:s0] =	ssyncadd.tile.s32 @!p0 $0x1;
	_ =	shalt  }
.Lfunc_end2:
_tile_overlayer_lowered:
.L_overlay_start_2:
0x1a6: {  	(tag) =	ssettag $0x2  }
0x1a7: {  	s0 =	rddreg [dreg:$0x0];
	s2 =	stileid.u32  }
0x1a8: {  	s1 =	rddreg [dreg:$0x1];
	p0 =	sne.s32 s2, $0x0  }
0x1a9: {  	s3 =	rddreg [dreg:$0x2];
	[bflag:$0x3] =	sbarrier.arrive $0xFFFF;
	s2 =	simm.s32 @!p0 $0x1C04  }
0x1aa: {  	[timem:s3], [sflag:s2] =	dma.local @!p0 [hbm:s0], s1  }
0x1ab: {  	s0 =	simm.s32 @!p0 $0x4  }
0x1ac: {  	_ =	swait.ge @!p0 [sflag:s0], s1  }
0x1ad: {  	s1 =	ssub.s32 @!p0 $0x0, s1;
	[sflag:s0] =	ssyncset.done @!p0 $0x0  }
0x1ae: {  	[sflag:s0] =	ssyncadd.s32 @!p0 s1  }
0x1af: {  	[bflag:$0x3] =	sbarrier.arrive $0xFFFF  }
0x1b0: {  	_ =	shalt  }

</sc_bundles>
